<compile_context>
chip_gen: v7x
topology: tpu7x:2x2x1
jax: 0.10.2.dev20260603
libtpu: 0.0.44.dev20260713+nightly
codegen_flags: <defaults>
</compile_context>

<pallas_src>
import functools

import jax
import jax.numpy as jnp
from jax import lax
from jax.experimental import pallas as pl
from jax.experimental.pallas import tpu as pltpu
from jax.experimental.pallas import tpu_sc as plsc

N = 10000
E = 320000
D = 128
DH = D // 2
NC = 2
NS = 16
EPT = E // NS
CH = 80
NCHUNK = EPT // CH
RPT = 624
RTAIL = N - NS * RPT

_mesh = plsc.VectorSubcoreMesh(core_axis_name="c", subcore_axis_name="s")


@functools.partial(
    pl.kernel,
    mesh=_mesh,
    compiler_params=pltpu.CompilerParams(use_tc_tiling_on_sc=False),
    out_type=jax.ShapeDtypeStruct((NC, N, DH), jnp.float32),
    scratch_types=[
        pltpu.VMEM((NCHUNK + 2, CH), jnp.int32),
        pltpu.VMEM((NCHUNK, CH), jnp.int32),
        pltpu.VMEM((CH, DH), jnp.float32),
        pltpu.VMEM((CH, DH), jnp.float32),
        pltpu.VMEM((CH, DH), jnp.float32),
        pltpu.VMEM((CH, DH), jnp.float32),
        pltpu.VMEM((NCHUNK, CH), jnp.float32),
        pltpu.VMEM_SHARED((N, DH), jnp.float32),
        pltpu.SemaphoreType.DMA,
        pltpu.SemaphoreType.DMA,
        pltpu.SemaphoreType.DMA,
        pltpu.SemaphoreType.DMA,
    ],
)
def _aggregate(x2_hbm, src2_hbm, dst_hbm, ew_hbm, out_hbm,
               src_v, dst_v, g0_v, g1_v, s0_v, s1_v, ew_v,
               acc, sem0, sem1, ssem0, ssem1):
    cc = lax.axis_index("c")
    ss = lax.axis_index("s")

    pltpu.sync_copy(src2_hbm.at[cc, ss], src_v.at[pl.ds(0, NCHUNK)])
    pltpu.sync_copy(dst_hbm.at[ss], dst_v)
    pltpu.sync_copy(ew_hbm.at[ss], ew_v)

    def _zpad(i, _):
        for j in range(CH // 16):
            src_v[NCHUNK + i, pl.ds(j * 16, 16)] = jnp.zeros((16,), jnp.int32)
        return 0
    lax.fori_loop(0, 2, _zpad, 0)

    def _zrow(i, _):
        for j in range(DH // 16):
            s0_v[i, pl.ds(j * 16, 16)] = jnp.zeros((16,), jnp.float32)
            s1_v[i, pl.ds(j * 16, 16)] = jnp.zeros((16,), jnp.float32)
        return 0
    lax.fori_loop(0, CH, _zrow, 0)
    for k in range(7):
        pltpu.sync_copy(s0_v, acc.at[pl.ds(ss * RPT + k * CH, CH)])
    pltpu.sync_copy(s0_v.at[pl.ds(0, RPT - 7 * CH)],
                    acc.at[pl.ds(ss * RPT + 7 * CH, RPT - 7 * CH)])

    @pl.when(ss == NS - 1)
    def _zero_tail():
        pltpu.sync_copy(s0_v.at[pl.ds(0, RTAIL)],
                        acc.at[pl.ds(NS * RPT, RTAIL)])

    plsc.subcore_barrier()

    def _scale(gbuf, sbuf, ci):
        def _grp(g, _):
            wvec = ew_v[ci, pl.ds(g * 16, 16)]
            for l in range(16):
                e = g * 16 + l
                w = wvec[l]
                for j in range(DH // 16):
                    sl = pl.ds(j * 16, 16)
                    sbuf[e, sl] = gbuf[e, sl] * w
            return 0
        lax.fori_loop(0, CH // 16, _grp, 0)

    pltpu.async_copy(x2_hbm.at[src_v.at[0]], g0_v, sem0)
    pltpu.async_copy(x2_hbm.at[src_v.at[1]], g1_v, sem1)
    pltpu.async_copy(s0_v, acc.at[dst_v.at[0]], ssem0, add=True)
    pltpu.async_copy(s1_v, acc.at[dst_v.at[1]], ssem1, add=True)

    def _pair(i, _):
        c0 = i * 2
        pltpu.make_async_copy(x2_hbm.at[src_v.at[c0]], g0_v, sem0).wait()
        pltpu.make_async_copy(s0_v, acc.at[dst_v.at[c0]], ssem0).wait()
        _scale(g0_v, s0_v, c0)
        pltpu.async_copy(x2_hbm.at[src_v.at[c0 + 2]], g0_v, sem0)
        pltpu.async_copy(s0_v, acc.at[dst_v.at[c0]], ssem0, add=True)

        pltpu.make_async_copy(x2_hbm.at[src_v.at[c0 + 1]], g1_v, sem1).wait()
        pltpu.make_async_copy(s1_v, acc.at[dst_v.at[c0 + 1]], ssem1).wait()
        _scale(g1_v, s1_v, c0 + 1)
        pltpu.async_copy(x2_hbm.at[src_v.at[c0 + 3]], g1_v, sem1)
        pltpu.async_copy(s1_v, acc.at[dst_v.at[c0 + 1]], ssem1, add=True)
        return 0

    lax.fori_loop(0, NCHUNK // 2, _pair, 0)
    pltpu.make_async_copy(s0_v, acc.at[dst_v.at[0]], ssem0).wait()
    pltpu.make_async_copy(s1_v, acc.at[dst_v.at[1]], ssem1).wait()
    pltpu.make_async_copy(x2_hbm.at[src_v.at[NCHUNK]], g0_v, sem0).wait()
    pltpu.make_async_copy(x2_hbm.at[src_v.at[NCHUNK + 1]], g1_v, sem1).wait()
    plsc.subcore_barrier()

    pltpu.sync_copy(acc.at[pl.ds(ss * RPT, RPT)],
                    out_hbm.at[cc, pl.ds(ss * RPT, RPT)])

    @pl.when(ss == NS - 1)
    def _write_tail():
        pltpu.sync_copy(acc.at[pl.ds(NS * RPT, RTAIL)],
                        out_hbm.at[cc, pl.ds(NS * RPT, RTAIL)])


_BM = 1000


def _mm_body(p_ref, w_ref, b_ref, o_ref):
    o_ref[...] = (
        jnp.dot(p_ref[0], w_ref[0], preferred_element_type=jnp.float32)
        + jnp.dot(p_ref[1], w_ref[1], preferred_element_type=jnp.float32)
        + b_ref[...]
    )


def _finish(partials, W2, b2):
    return pl.pallas_call(
        _mm_body,
        grid=(N // _BM,),
        in_specs=[
            pl.BlockSpec((NC, _BM, DH), lambda i: (0, i, 0)),
            pl.BlockSpec((NC, DH, D), lambda i: (0, 0, 0)),
            pl.BlockSpec((1, D), lambda i: (0, 0)),
        ],
        out_specs=pl.BlockSpec((_BM, D), lambda i: (i, 0)),
        out_shape=jax.ShapeDtypeStruct((N, D), jnp.float32),
    )(partials, W2, b2)


def kernel(X, edge_index, edge_weight, W, b):
    src = edge_index[0].astype(jnp.int32)
    dst = edge_index[1].astype(jnp.int32).reshape(NS, NCHUNK, CH)
    ew = edge_weight.reshape(NS, NCHUNK, CH)
    src2 = jnp.stack([src * 2, src * 2 + 1]).reshape(NC, NS, NCHUNK, CH)
    x2 = X.reshape(NC * N, DH)
    partials = _aggregate(x2, src2, dst, ew)
    w2 = jnp.stack([W[:DH], W[DH:]])
    return _finish(partials, w2, b.reshape(1, D))

# --- scband reference (transcript-rebuilt; emitter-appended) ---
"""Pipeline reference for scband-gcnlayer-2216203125436 (READ-ONLY COPY).

The authoritative reference and input builder live on the scoring server;
editing this copy changes nothing except your own understanding.
"""

import jax, jax.numpy as jnp
import numpy as np

N = 10000
E = 320000
D_IN = 128
D_OUT = 128


def setup_inputs(seed: int = 0) -> dict:
    key = jax.random.key(seed)
    k1, k2, k3, k4 = jax.random.split(key, 4)
    X = jax.random.normal(k1, (N, D_IN), dtype=jnp.float32)
    edge_index = jax.random.randint(k2, (2, E), 0, N, dtype=jnp.int64)
    edge_weight = jax.random.uniform(k3, (E,), dtype=jnp.float32)
    # Xavier/Glorot uniform init for W, zeros for bias (matches reset_parameters)
    limit = float(np.sqrt(6.0 / (D_IN + D_OUT)))
    W = jax.random.uniform(k4, (D_IN, D_OUT), minval=-limit, maxval=limit, dtype=jnp.float32)
    b = jnp.zeros((D_OUT,), dtype=jnp.float32)
    return {"X": X, "edge_index": edge_index, "edge_weight": edge_weight, "W": W, "b": b}


def reference(X, edge_index, edge_weight, W, b):
    # support = X @ W  (dense matmul)
    support = jnp.dot(X, W)
    # sparse A_norm represented as COO: (src, dst, edge_weight)
    # out = A_norm @ support  -> gather rows at src, scale, scatter-add at dst
    src = edge_index[0]
    dst = edge_index[1]
    msgs = edge_weight[:, None] * jnp.take(support, src, axis=0)
    out = jax.ops.segment_sum(msgs, dst, num_segments=N)
    out = out + b
    return out

if __name__ == "__main__":
    import jax
    _d = setup_inputs()
    print(jax.jit(kernel)(*tuple(_d.values())))

</pallas_src>

<mosaic_0001>
#map = affine_map<(d0, d1) -> (0, 0)>
#map1 = affine_map<(d0, d1) -> (0, 0, 0, 0)>
#map2 = affine_map<(d0, d1) -> (0, 0, 0)>
module attributes {stable_mosaic.version = 14 : i64} {
  func.func @_aggregate(%arg0: i32, %arg1: i32, %arg2: memref<20000x64xf32, #tpu.memory_space<hbm>>, %arg3: memref<2x16x250x80xi32, #tpu.memory_space<hbm>>, %arg4: memref<16x250x80xi32, #tpu.memory_space<hbm>>, %arg5: memref<16x250x80xf32, #tpu.memory_space<hbm>>, %arg6: memref<2x10000x64xf32, #tpu.memory_space<hbm>>, %arg7: memref<252x80xi32, #tpu.memory_space<vmem>>, %arg8: memref<250x80xi32, #tpu.memory_space<vmem>>, %arg9: memref<80x64xf32, #tpu.memory_space<vmem>>, %arg10: memref<80x64xf32, #tpu.memory_space<vmem>>, %arg11: memref<80x64xf32, #tpu.memory_space<vmem>>, %arg12: memref<80x64xf32, #tpu.memory_space<vmem>>, %arg13: memref<250x80xf32, #tpu.memory_space<vmem>>, %arg14: memref<10000x64xf32, #tpu.memory_space<vmem_shared>>, %arg15: memref<!tpu.dma_semaphore, #tpu.memory_space<semaphore_mem>>, %arg16: memref<!tpu.dma_semaphore, #tpu.memory_space<semaphore_mem>>, %arg17: memref<!tpu.dma_semaphore, #tpu.memory_space<semaphore_mem>>, %arg18: memref<!tpu.dma_semaphore, #tpu.memory_space<semaphore_mem>>) attributes {dimension_semantics = [#tpu.dimension_semantics<core_parallel>, #tpu.dimension_semantics<subcore_parallel>], iteration_bounds = array<i64: 2, 16>, scalar_prefetch = 0 : i64, scratch_operands = 12 : i64, tpu.core_type = #tpu.core_type<sc_vector_subcore>, window_params = [{transform_indices = #map}, {transform_indices = #map1}, {transform_indices = #map2}, {transform_indices = #map2}, {transform_indices = #map2}]} {
    "tpu.region"() ({
      %run_scoped3A = tpu.sem_alloc : memref<!tpu.dma_semaphore, #tpu.memory_space<semaphore_mem>>
      %dma_start3A_116 = arith.constant 0 : i32
      %dma_start3A_117 = arith.constant 0 : i32
      %dma_start3A_118 = tpu.memref_slice %arg7[%dma_start3A_116, %dma_start3A_117] : memref<252x80xi32, #tpu.memory_space<vmem>> -> memref<250x80xi32, #tpu.memory_space<vmem>>
      %dma_start3A_119 = arith.constant 0 : i32
      %dma_start3A_120 = arith.constant 0 : i32
      %dma_start3A_121 = tpu.memref_slice %arg3[%arg0, %arg1, %dma_start3A_119, %dma_start3A_120] : memref<2x16x250x80xi32, #tpu.memory_space<hbm>> -> memref<1x1x250x80xi32, #tpu.memory_space<hbm>>
      %dma_start3A_122 = tpu.memref_squeeze %dma_start3A_121 : memref<1x1x250x80xi32, #tpu.memory_space<hbm>> -> memref<250x80xi32, #tpu.memory_space<hbm>>
      %dma_start3A_123 = arith.constant 0 : i32
      %dma_start3A_124 = arith.constant 0 : i32
      %dma_start3A_125 = tpu.memref_slice %arg7[%dma_start3A_123, %dma_start3A_124] : memref<252x80xi32, #tpu.memory_space<vmem>> -> memref<250x80xi32, #tpu.memory_space<vmem>>
      %dma_start3A_126 = arith.constant 0 : i32
      %dma_start3A_127 = arith.constant 0 : i32
      %dma_start3A_128 = tpu.memref_slice %arg3[%arg0, %arg1, %dma_start3A_126, %dma_start3A_127] : memref<2x16x250x80xi32, #tpu.memory_space<hbm>> -> memref<1x1x250x80xi32, #tpu.memory_space<hbm>>
      %dma_start3A_129 = tpu.memref_squeeze %dma_start3A_128 : memref<1x1x250x80xi32, #tpu.memory_space<hbm>> -> memref<250x80xi32, #tpu.memory_space<hbm>>
      tpu.enqueue_dma source(%dma_start3A_129 : memref<250x80xi32, #tpu.memory_space<hbm>>) target(%dma_start3A_125 : memref<250x80xi32, #tpu.memory_space<vmem>>) target_semaphore(%run_scoped3A : memref<!tpu.dma_semaphore, #tpu.memory_space<semaphore_mem>>)
      %dma_wait3A_130 = arith.constant 0 : i32
      %dma_wait3A_131 = arith.constant 0 : i32
      %dma_wait3A_132 = tpu.memref_slice %arg7[%dma_wait3A_130, %dma_wait3A_131] : memref<252x80xi32, #tpu.memory_space<vmem>> -> memref<250x80xi32, #tpu.memory_space<vmem>>
      %dma_wait3A_133 = arith.constant 0 : i32
      %dma_wait3A_134 = arith.constant 0 : i32
      %dma_wait3A_135 = tpu.memref_slice %arg3[%arg0, %arg1, %dma_wait3A_133, %dma_wait3A_134] : memref<2x16x250x80xi32, #tpu.memory_space<hbm>> -> memref<1x1x250x80xi32, #tpu.memory_space<hbm>>
      %dma_wait3A_136 = tpu.memref_squeeze %dma_wait3A_135 : memref<1x1x250x80xi32, #tpu.memory_space<hbm>> -> memref<250x80xi32, #tpu.memory_space<hbm>>
      %dma_wait3A_137 = arith.constant 0 : i32
      %dma_wait3A_138 = arith.constant 0 : i32
      %dma_wait3A_139 = tpu.memref_slice %arg7[%dma_wait3A_137, %dma_wait3A_138] : memref<252x80xi32, #tpu.memory_space<vmem>> -> memref<250x80xi32, #tpu.memory_space<vmem>>
      %dma_wait3A_140 = arith.constant 0 : i32
      %dma_wait3A_141 = arith.constant 0 : i32
      %dma_wait3A_142 = tpu.memref_slice %arg3[%arg0, %arg1, %dma_wait3A_140, %dma_wait3A_141] : memref<2x16x250x80xi32, #tpu.memory_space<hbm>> -> memref<1x1x250x80xi32, #tpu.memory_space<hbm>>
      %dma_wait3A_143 = tpu.memref_squeeze %dma_wait3A_142 : memref<1x1x250x80xi32, #tpu.memory_space<hbm>> -> memref<250x80xi32, #tpu.memory_space<hbm>>
      tpu.wait_dma2 semaphore(%run_scoped3A : memref<!tpu.dma_semaphore, #tpu.memory_space<semaphore_mem>>) src(%dma_wait3A_143 : memref<250x80xi32, #tpu.memory_space<hbm>>) dst(%dma_wait3A_139 : memref<250x80xi32, #tpu.memory_space<vmem>>)
      tpu.yield
    }) : () -> ()
    "tpu.region"() ({
      %run_scoped3A = tpu.sem_alloc : memref<!tpu.dma_semaphore, #tpu.memory_space<semaphore_mem>>
      %dma_start3A_116 = arith.constant 0 : i32
      %dma_start3A_117 = arith.constant 0 : i32
      %dma_start3A_118 = tpu.memref_slice %arg4[%arg1, %dma_start3A_116, %dma_start3A_117] : memref<16x250x80xi32, #tpu.memory_space<hbm>> -> memref<1x250x80xi32, #tpu.memory_space<hbm>>
      %dma_start3A_119 = tpu.memref_squeeze %dma_start3A_118 : memref<1x250x80xi32, #tpu.memory_space<hbm>> -> memref<250x80xi32, #tpu.memory_space<hbm>>
      %dma_start3A_120 = arith.constant 0 : i32
      %dma_start3A_121 = arith.constant 0 : i32
      %dma_start3A_122 = tpu.memref_slice %arg4[%arg1, %dma_start3A_120, %dma_start3A_121] : memref<16x250x80xi32, #tpu.memory_space<hbm>> -> memref<1x250x80xi32, #tpu.memory_space<hbm>>
      %dma_start3A_123 = tpu.memref_squeeze %dma_start3A_122 : memref<1x250x80xi32, #tpu.memory_space<hbm>> -> memref<250x80xi32, #tpu.memory_space<hbm>>
      tpu.enqueue_dma source(%dma_start3A_123 : memref<250x80xi32, #tpu.memory_space<hbm>>) target(%arg8 : memref<250x80xi32, #tpu.memory_space<vmem>>) target_semaphore(%run_scoped3A : memref<!tpu.dma_semaphore, #tpu.memory_space<semaphore_mem>>)
      %dma_wait3A_124 = arith.constant 0 : i32
      %dma_wait3A_125 = arith.constant 0 : i32
      %dma_wait3A_126 = tpu.memref_slice %arg4[%arg1, %dma_wait3A_124, %dma_wait3A_125] : memref<16x250x80xi32, #tpu.memory_space<hbm>> -> memref<1x250x80xi32, #tpu.memory_space<hbm>>
      %dma_wait3A_127 = tpu.memref_squeeze %dma_wait3A_126 : memref<1x250x80xi32, #tpu.memory_space<hbm>> -> memref<250x80xi32, #tpu.memory_space<hbm>>
      %dma_wait3A_128 = arith.constant 0 : i32
      %dma_wait3A_129 = arith.constant 0 : i32
      %dma_wait3A_130 = tpu.memref_slice %arg4[%arg1, %dma_wait3A_128, %dma_wait3A_129] : memref<16x250x80xi32, #tpu.memory_space<hbm>> -> memref<1x250x80xi32, #tpu.memory_space<hbm>>
      %dma_wait3A_131 = tpu.memref_squeeze %dma_wait3A_130 : memref<1x250x80xi32, #tpu.memory_space<hbm>> -> memref<250x80xi32, #tpu.memory_space<hbm>>
      tpu.wait_dma2 semaphore(%run_scoped3A : memref<!tpu.dma_semaphore, #tpu.memory_space<semaphore_mem>>) src(%dma_wait3A_131 : memref<250x80xi32, #tpu.memory_space<hbm>>) dst(%arg8 : memref<250x80xi32, #tpu.memory_space<vmem>>)
      tpu.yield
    }) : () -> ()
    "tpu.region"() ({
      %run_scoped3A = tpu.sem_alloc : memref<!tpu.dma_semaphore, #tpu.memory_space<semaphore_mem>>
      %dma_start3A_116 = arith.constant 0 : i32
      %dma_start3A_117 = arith.constant 0 : i32
      %dma_start3A_118 = tpu.memref_slice %arg5[%arg1, %dma_start3A_116, %dma_start3A_117] : memref<16x250x80xf32, #tpu.memory_space<hbm>> -> memref<1x250x80xf32, #tpu.memory_space<hbm>>
      %dma_start3A_119 = tpu.memref_squeeze %dma_start3A_118 : memref<1x250x80xf32, #tpu.memory_space<hbm>> -> memref<250x80xf32, #tpu.memory_space<hbm>>
      %dma_start3A_120 = arith.constant 0 : i32
      %dma_start3A_121 = arith.constant 0 : i32
      %dma_start3A_122 = tpu.memref_slice %arg5[%arg1, %dma_start3A_120, %dma_start3A_121] : memref<16x250x80xf32, #tpu.memory_space<hbm>> -> memref<1x250x80xf32, #tpu.memory_space<hbm>>
      %dma_start3A_123 = tpu.memref_squeeze %dma_start3A_122 : memref<1x250x80xf32, #tpu.memory_space<hbm>> -> memref<250x80xf32, #tpu.memory_space<hbm>>
      tpu.enqueue_dma source(%dma_start3A_123 : memref<250x80xf32, #tpu.memory_space<hbm>>) target(%arg13 : memref<250x80xf32, #tpu.memory_space<vmem>>) target_semaphore(%run_scoped3A : memref<!tpu.dma_semaphore, #tpu.memory_space<semaphore_mem>>)
      %dma_wait3A_124 = arith.constant 0 : i32
      %dma_wait3A_125 = arith.constant 0 : i32
      %dma_wait3A_126 = tpu.memref_slice %arg5[%arg1, %dma_wait3A_124, %dma_wait3A_125] : memref<16x250x80xf32, #tpu.memory_space<hbm>> -> memref<1x250x80xf32, #tpu.memory_space<hbm>>
      %dma_wait3A_127 = tpu.memref_squeeze %dma_wait3A_126 : memref<1x250x80xf32, #tpu.memory_space<hbm>> -> memref<250x80xf32, #tpu.memory_space<hbm>>
      %dma_wait3A_128 = arith.constant 0 : i32
      %dma_wait3A_129 = arith.constant 0 : i32
      %dma_wait3A_130 = tpu.memref_slice %arg5[%arg1, %dma_wait3A_128, %dma_wait3A_129] : memref<16x250x80xf32, #tpu.memory_space<hbm>> -> memref<1x250x80xf32, #tpu.memory_space<hbm>>
      %dma_wait3A_131 = tpu.memref_squeeze %dma_wait3A_130 : memref<1x250x80xf32, #tpu.memory_space<hbm>> -> memref<250x80xf32, #tpu.memory_space<hbm>>
      tpu.wait_dma2 semaphore(%run_scoped3A : memref<!tpu.dma_semaphore, #tpu.memory_space<semaphore_mem>>) src(%dma_wait3A_131 : memref<250x80xf32, #tpu.memory_space<hbm>>) dst(%arg13 : memref<250x80xf32, #tpu.memory_space<vmem>>)
      tpu.yield
    }) : () -> ()
    %scan3A = arith.constant 0 : i32
    %scan3A_0 = arith.constant 0 : i32
    %scan3A_1 = arith.constant 2 : i32
    %scan3A_2 = arith.addi %scan3A_0, %scan3A_1 : i32
    %scan3A_3 = arith.constant 1 : i32
    %scan3A_4 = scf.for %scan3A_116 = %scan3A_0 to %scan3A_2 step %scan3A_3 iter_args(%scan3A_117 = %scan3A) -> (i32)  : i32 {
      %broadcast_in_dim3A = arith.constant 0 : i32
      %broadcast_in_dim3A_118 = vector.broadcast %broadcast_in_dim3A : i32 to vector<16xi32>
      %add3A_119 = arith.constant 250 : i32
      %add3A_120 = arith.addi %add3A_119, %scan3A_116 : i32
      %swap3A = arith.index_cast %add3A_120 : i32 to index
      %swap3A_121 = arith.constant 0 : index
      %swap3A_122 = tpu.vector_load %arg7[%swap3A, %swap3A_121] {strides = array<i32>} : memref<252x80xi32, #tpu.memory_space<vmem>>, vector<1x16xi32>,
      %swap3A_123 = vector.shape_cast %swap3A_122 : vector<1x16xi32> to vector<16xi32>
      %swap3A_124 = vector.shape_cast %broadcast_in_dim3A_118 : vector<16xi32> to vector<1x16xi32>
      tpu.vector_store %arg7[%swap3A, %swap3A_121], %swap3A_124 {strides = array<i32>} : memref<252x80xi32, #tpu.memory_space<vmem>>, vector<1x16xi32>,
      %broadcast_in_dim3A_125 = arith.constant 0 : i32
      %broadcast_in_dim3A_126 = vector.broadcast %broadcast_in_dim3A_125 : i32 to vector<16xi32>
      %add3A_127 = arith.constant 250 : i32
      %add3A_128 = arith.addi %add3A_127, %scan3A_116 : i32
      %swap3A_129 = arith.index_cast %add3A_128 : i32 to index
      %swap3A_130 = arith.constant 16 : index
      %swap3A_131 = tpu.vector_load %arg7[%swap3A_129, %swap3A_130] {strides = array<i32>} : memref<252x80xi32, #tpu.memory_space<vmem>>, vector<1x16xi32>,
      %swap3A_132 = vector.shape_cast %swap3A_131 : vector<1x16xi32> to vector<16xi32>
      %swap3A_133 = vector.shape_cast %broadcast_in_dim3A_126 : vector<16xi32> to vector<1x16xi32>
      tpu.vector_store %arg7[%swap3A_129, %swap3A_130], %swap3A_133 {strides = array<i32>} : memref<252x80xi32, #tpu.memory_space<vmem>>, vector<1x16xi32>,
      %broadcast_in_dim3A_134 = arith.constant 0 : i32
      %broadcast_in_dim3A_135 = vector.broadcast %broadcast_in_dim3A_134 : i32 to vector<16xi32>
      %add3A_136 = arith.constant 250 : i32
      %add3A_137 = arith.addi %add3A_136, %scan3A_116 : i32
      %swap3A_138 = arith.index_cast %add3A_137 : i32 to index
      %swap3A_139 = arith.constant 32 : index
      %swap3A_140 = tpu.vector_load %arg7[%swap3A_138, %swap3A_139] {strides = array<i32>} : memref<252x80xi32, #tpu.memory_space<vmem>>, vector<1x16xi32>,
      %swap3A_141 = vector.shape_cast %swap3A_140 : vector<1x16xi32> to vector<16xi32>
      %swap3A_142 = vector.shape_cast %broadcast_in_dim3A_135 : vector<16xi32> to vector<1x16xi32>
      tpu.vector_store %arg7[%swap3A_138, %swap3A_139], %swap3A_142 {strides = array<i32>} : memref<252x80xi32, #tpu.memory_space<vmem>>, vector<1x16xi32>,
      %broadcast_in_dim3A_143 = arith.constant 0 : i32
      %broadcast_in_dim3A_144 = vector.broadcast %broadcast_in_dim3A_143 : i32 to vector<16xi32>
      %add3A_145 = arith.constant 250 : i32
      %add3A_146 = arith.addi %add3A_145, %scan3A_116 : i32
      %swap3A_147 = arith.index_cast %add3A_146 : i32 to index
      %swap3A_148 = arith.constant 48 : index
      %swap3A_149 = tpu.vector_load %arg7[%swap3A_147, %swap3A_148] {strides = array<i32>} : memref<252x80xi32, #tpu.memory_space<vmem>>, vector<1x16xi32>,
      %swap3A_150 = vector.shape_cast %swap3A_149 : vector<1x16xi32> to vector<16xi32>
      %swap3A_151 = vector.shape_cast %broadcast_in_dim3A_144 : vector<16xi32> to vector<1x16xi32>
      tpu.vector_store %arg7[%swap3A_147, %swap3A_148], %swap3A_151 {strides = array<i32>} : memref<252x80xi32, #tpu.memory_space<vmem>>, vector<1x16xi32>,
      %broadcast_in_dim3A_152 = arith.constant 0 : i32
      %broadcast_in_dim3A_153 = vector.broadcast %broadcast_in_dim3A_152 : i32 to vector<16xi32>
      %add3A_154 = arith.constant 250 : i32
      %add3A_155 = arith.addi %add3A_154, %scan3A_116 : i32
      %swap3A_156 = arith.index_cast %add3A_155 : i32 to index
      %swap3A_157 = arith.constant 64 : index
      %swap3A_158 = tpu.vector_load %arg7[%swap3A_156, %swap3A_157] {strides = array<i32>} : memref<252x80xi32, #tpu.memory_space<vmem>>, vector<1x16xi32>,
      %swap3A_159 = vector.shape_cast %swap3A_158 : vector<1x16xi32> to vector<16xi32>
      %swap3A_160 = vector.shape_cast %broadcast_in_dim3A_153 : vector<16xi32> to vector<1x16xi32>
      tpu.vector_store %arg7[%swap3A_156, %swap3A_157], %swap3A_160 {strides = array<i32>} : memref<252x80xi32, #tpu.memory_space<vmem>>, vector<1x16xi32>,
      %scan3A_161 = arith.constant 0 : i32
      scf.yield %scan3A_161 : i32
    }
    %scan3A_5 = arith.constant 2 : i32
    %scan3A_6 = arith.constant 0 : i32
    %scan3A_7 = arith.constant 0 : i32
    %scan3A_8 = arith.constant 80 : i32
    %scan3A_9 = arith.addi %scan3A_7, %scan3A_8 : i32
    %scan3A_10 = arith.constant 1 : i32
    %scan3A_11 = scf.for %scan3A_116 = %scan3A_7 to %scan3A_9 step %scan3A_10 iter_args(%scan3A_117 = %scan3A_6) -> (i32)  : i32 {
      %broadcast_in_dim3A = arith.constant 0.000000e+00 : f32
      %broadcast_in_dim3A_118 = vector.broadcast %broadcast_in_dim3A : f32 to vector<16xf32>
      %swap3A = arith.index_cast %scan3A_116 : i32 to index
      %swap3A_119 = arith.constant 0 : index
      %swap3A_120 = tpu.vector_load %arg11[%swap3A, %swap3A_119] {strides = array<i32>} : memref<80x64xf32, #tpu.memory_space<vmem>>, vector<1x16xf32>,
      %swap3A_121 = vector.shape_cast %swap3A_120 : vector<1x16xf32> to vector<16xf32>
      %swap3A_122 = vector.shape_cast %broadcast_in_dim3A_118 : vector<16xf32> to vector<1x16xf32>
      tpu.vector_store %arg11[%swap3A, %swap3A_119], %swap3A_122 {strides = array<i32>} : memref<80x64xf32, #tpu.memory_space<vmem>>, vector<1x16xf32>,
      %broadcast_in_dim3A_123 = arith.constant 0.000000e+00 : f32
      %broadcast_in_dim3A_124 = vector.broadcast %broadcast_in_dim3A_123 : f32 to vector<16xf32>
      %swap3A_125 = arith.index_cast %scan3A_116 : i32 to index
      %swap3A_126 = arith.constant 0 : index
      %swap3A_127 = tpu.vector_load %arg12[%swap3A_125, %swap3A_126] {strides = array<i32>} : memref<80x64xf32, #tpu.memory_space<vmem>>, vector<1x16xf32>,
      %swap3A_128 = vector.shape_cast %swap3A_127 : vector<1x16xf32> to vector<16xf32>
      %swap3A_129 = vector.shape_cast %broadcast_in_dim3A_124 : vector<16xf32> to vector<1x16xf32>
      tpu.vector_store %arg12[%swap3A_125, %swap3A_126], %swap3A_129 {strides = array<i32>} : memref<80x64xf32, #tpu.memory_space<vmem>>, vector<1x16xf32>,
      %broadcast_in_dim3A_130 = arith.constant 0.000000e+00 : f32
      %broadcast_in_dim3A_131 = vector.broadcast %broadcast_in_dim3A_130 : f32 to vector<16xf32>
      %swap3A_132 = arith.index_cast %scan3A_116 : i32 to index
      %swap3A_133 = arith.constant 16 : index
      %swap3A_134 = tpu.vector_load %arg11[%swap3A_132, %swap3A_133] {strides = array<i32>} : memref<80x64xf32, #tpu.memory_space<vmem>>, vector<1x16xf32>,
      %swap3A_135 = vector.shape_cast %swap3A_134 : vector<1x16xf32> to vector<16xf32>
      %swap3A_136 = vector.shape_cast %broadcast_in_dim3A_131 : vector<16xf32> to vector<1x16xf32>
      tpu.vector_store %arg11[%swap3A_132, %swap3A_133], %swap3A_136 {strides = array<i32>} : memref<80x64xf32, #tpu.memory_space<vmem>>, vector<1x16xf32>,
      %broadcast_in_dim3A_137 = arith.constant 0.000000e+00 : f32
      %broadcast_in_dim3A_138 = vector.broadcast %broadcast_in_dim3A_137 : f32 to vector<16xf32>
      %swap3A_139 = arith.index_cast %scan3A_116 : i32 to index
      %swap3A_140 = arith.constant 16 : index
      %swap3A_141 = tpu.vector_load %arg12[%swap3A_139, %swap3A_140] {strides = array<i32>} : memref<80x64xf32, #tpu.memory_space<vmem>>, vector<1x16xf32>,
      %swap3A_142 = vector.shape_cast %swap3A_141 : vector<1x16xf32> to vector<16xf32>
      %swap3A_143 = vector.shape_cast %broadcast_in_dim3A_138 : vector<16xf32> to vector<1x16xf32>
      tpu.vector_store %arg12[%swap3A_139, %swap3A_140], %swap3A_143 {strides = array<i32>} : memref<80x64xf32, #tpu.memory_space<vmem>>, vector<1x16xf32>,
      %broadcast_in_dim3A_144 = arith.constant 0.000000e+00 : f32
      %broadcast_in_dim3A_145 = vector.broadcast %broadcast_in_dim3A_144 : f32 to vector<16xf32>
      %swap3A_146 = arith.index_cast %scan3A_116 : i32 to index
      %swap3A_147 = arith.constant 32 : index
      %swap3A_148 = tpu.vector_load %arg11[%swap3A_146, %swap3A_147] {strides = array<i32>} : memref<80x64xf32, #tpu.memory_space<vmem>>, vector<1x16xf32>,
      %swap3A_149 = vector.shape_cast %swap3A_148 : vector<1x16xf32> to vector<16xf32>
      %swap3A_150 = vector.shape_cast %broadcast_in_dim3A_145 : vector<16xf32> to vector<1x16xf32>
      tpu.vector_store %arg11[%swap3A_146, %swap3A_147], %swap3A_150 {strides = array<i32>} : memref<80x64xf32, #tpu.memory_space<vmem>>, vector<1x16xf32>,
      %broadcast_in_dim3A_151 = arith.constant 0.000000e+00 : f32
      %broadcast_in_dim3A_152 = vector.broadcast %broadcast_in_dim3A_151 : f32 to vector<16xf32>
      %swap3A_153 = arith.index_cast %scan3A_116 : i32 to index
      %swap3A_154 = arith.constant 32 : index
      %swap3A_155 = tpu.vector_load %arg12[%swap3A_153, %swap3A_154] {strides = array<i32>} : memref<80x64xf32, #tpu.memory_space<vmem>>, vector<1x16xf32>,
      %swap3A_156 = vector.shape_cast %swap3A_155 : vector<1x16xf32> to vector<16xf32>
      %swap3A_157 = vector.shape_cast %broadcast_in_dim3A_152 : vector<16xf32> to vector<1x16xf32>
      tpu.vector_store %arg12[%swap3A_153, %swap3A_154], %swap3A_157 {strides = array<i32>} : memref<80x64xf32, #tpu.memory_space<vmem>>, vector<1x16xf32>,
      %broadcast_in_dim3A_158 = arith.constant 0.000000e+00 : f32
      %broadcast_in_dim3A_159 = vector.broadcast %broadcast_in_dim3A_158 : f32 to vector<16xf32>
      %swap3A_160 = arith.index_cast %scan3A_116 : i32 to index
      %swap3A_161 = arith.constant 48 : index
      %swap3A_162 = tpu.vector_load %arg11[%swap3A_160, %swap3A_161] {strides = array<i32>} : memref<80x64xf32, #tpu.memory_space<vmem>>, vector<1x16xf32>,
      %swap3A_163 = vector.shape_cast %swap3A_162 : vector<1x16xf32> to vector<16xf32>
      %swap3A_164 = vector.shape_cast %broadcast_in_dim3A_159 : vector<16xf32> to vector<1x16xf32>
      tpu.vector_store %arg11[%swap3A_160, %swap3A_161], %swap3A_164 {strides = array<i32>} : memref<80x64xf32, #tpu.memory_space<vmem>>, vector<1x16xf32>,
      %broadcast_in_dim3A_165 = arith.constant 0.000000e+00 : f32
      %broadcast_in_dim3A_166 = vector.broadcast %broadcast_in_dim3A_165 : f32 to vector<16xf32>
      %swap3A_167 = arith.index_cast %scan3A_116 : i32 to index
      %swap3A_168 = arith.constant 48 : index
      %swap3A_169 = tpu.vector_load %arg12[%swap3A_167, %swap3A_168] {strides = array<i32>} : memref<80x64xf32, #tpu.memory_space<vmem>>, vector<1x16xf32>,
      %swap3A_170 = vector.shape_cast %swap3A_169 : vector<1x16xf32> to vector<16xf32>
      %swap3A_171 = vector.shape_cast %broadcast_in_dim3A_166 : vector<16xf32> to vector<1x16xf32>
      tpu.vector_store %arg12[%swap3A_167, %swap3A_168], %swap3A_171 {strides = array<i32>} : memref<80x64xf32, #tpu.memory_space<vmem>>, vector<1x16xf32>,
      %scan3A_172 = arith.constant 0 : i32
      scf.yield %scan3A_172 : i32
    }
    %scan3A_12 = arith.constant 80 : i32
    %mul3A = arith.constant 624 : i32
    %mul3A_13 = arith.muli %arg1, %mul3A : i32
    %add3A = arith.constant 0 : i32
    %add3A_14 = arith.addi %mul3A_13, %add3A : i32
    "tpu.region"() ({
      %run_scoped3A = tpu.sem_alloc : memref<!tpu.dma_semaphore, #tpu.memory_space<semaphore_mem>>
      %dma_start3A_116 = arith.constant 0 : i32
      %dma_start3A_117 = tpu.memref_slice %arg14[%add3A_14, %dma_start3A_116] : memref<10000x64xf32, #tpu.memory_space<vmem_shared>> -> memref<80x64xf32, #tpu.memory_space<vmem_shared>>
      %dma_start3A_118 = arith.constant 0 : i32
      %dma_start3A_119 = tpu.memref_slice %arg14[%add3A_14, %dma_start3A_118] : memref<10000x64xf32, #tpu.memory_space<vmem_shared>> -> memref<80x64xf32, #tpu.memory_space<vmem_shared>>
      tpu.enqueue_dma source(%arg11 : memref<80x64xf32, #tpu.memory_space<vmem>>) target(%dma_start3A_119 : memref<80x64xf32, #tpu.memory_space<vmem_shared>>) target_semaphore(%run_scoped3A : memref<!tpu.dma_semaphore, #tpu.memory_space<semaphore_mem>>)
      %dma_wait3A_120 = arith.constant 0 : i32
      %dma_wait3A_121 = tpu.memref_slice %arg14[%add3A_14, %dma_wait3A_120] : memref<10000x64xf32, #tpu.memory_space<vmem_shared>> -> memref<80x64xf32, #tpu.memory_space<vmem_shared>>
      %dma_wait3A_122 = arith.constant 0 : i32
      %dma_wait3A_123 = tpu.memref_slice %arg14[%add3A_14, %dma_wait3A_122] : memref<10000x64xf32, #tpu.memory_space<vmem_shared>> -> memref<80x64xf32, #tpu.memory_space<vmem_shared>>
      tpu.wait_dma2 semaphore(%run_scoped3A : memref<!tpu.dma_semaphore, #tpu.memory_space<semaphore_mem>>) src(%arg11 : memref<80x64xf32, #tpu.memory_space<vmem>>) dst(%dma_wait3A_123 : memref<80x64xf32, #tpu.memory_space<vmem_shared>>)
      tpu.yield
    }) : () -> ()
    %mul3A_15 = arith.constant 624 : i32
    %mul3A_16 = arith.muli %arg1, %mul3A_15 : i32
    %add3A_17 = arith.constant 80 : i32
    %add3A_18 = arith.addi %mul3A_16, %add3A_17 : i32
    "tpu.region"() ({
      %run_scoped3A = tpu.sem_alloc : memref<!tpu.dma_semaphore, #tpu.memory_space<semaphore_mem>>
      %dma_start3A_116 = arith.constant 0 : i32
      %dma_start3A_117 = tpu.memref_slice %arg14[%add3A_18, %dma_start3A_116] : memref<10000x64xf32, #tpu.memory_space<vmem_shared>> -> memref<80x64xf32, #tpu.memory_space<vmem_shared>>
      %dma_start3A_118 = arith.constant 0 : i32
      %dma_start3A_119 = tpu.memref_slice %arg14[%add3A_18, %dma_start3A_118] : memref<10000x64xf32, #tpu.memory_space<vmem_shared>> -> memref<80x64xf32, #tpu.memory_space<vmem_shared>>
      tpu.enqueue_dma source(%arg11 : memref<80x64xf32, #tpu.memory_space<vmem>>) target(%dma_start3A_119 : memref<80x64xf32, #tpu.memory_space<vmem_shared>>) target_semaphore(%run_scoped3A : memref<!tpu.dma_semaphore, #tpu.memory_space<semaphore_mem>>)
      %dma_wait3A_120 = arith.constant 0 : i32
      %dma_wait3A_121 = tpu.memref_slice %arg14[%add3A_18, %dma_wait3A_120] : memref<10000x64xf32, #tpu.memory_space<vmem_shared>> -> memref<80x64xf32, #tpu.memory_space<vmem_shared>>
      %dma_wait3A_122 = arith.constant 0 : i32
      %dma_wait3A_123 = tpu.memref_slice %arg14[%add3A_18, %dma_wait3A_122] : memref<10000x64xf32, #tpu.memory_space<vmem_shared>> -> memref<80x64xf32, #tpu.memory_space<vmem_shared>>
      tpu.wait_dma2 semaphore(%run_scoped3A : memref<!tpu.dma_semaphore, #tpu.memory_space<semaphore_mem>>) src(%arg11 : memref<80x64xf32, #tpu.memory_space<vmem>>) dst(%dma_wait3A_123 : memref<80x64xf32, #tpu.memory_space<vmem_shared>>)
      tpu.yield
    }) : () -> ()
    %mul3A_19 = arith.constant 624 : i32
    %mul3A_20 = arith.muli %arg1, %mul3A_19 : i32
    %add3A_21 = arith.constant 160 : i32
    %add3A_22 = arith.addi %mul3A_20, %add3A_21 : i32
    "tpu.region"() ({
      %run_scoped3A = tpu.sem_alloc : memref<!tpu.dma_semaphore, #tpu.memory_space<semaphore_mem>>
      %dma_start3A_116 = arith.constant 0 : i32
      %dma_start3A_117 = tpu.memref_slice %arg14[%add3A_22, %dma_start3A_116] : memref<10000x64xf32, #tpu.memory_space<vmem_shared>> -> memref<80x64xf32, #tpu.memory_space<vmem_shared>>
      %dma_start3A_118 = arith.constant 0 : i32
      %dma_start3A_119 = tpu.memref_slice %arg14[%add3A_22, %dma_start3A_118] : memref<10000x64xf32, #tpu.memory_space<vmem_shared>> -> memref<80x64xf32, #tpu.memory_space<vmem_shared>>
      tpu.enqueue_dma source(%arg11 : memref<80x64xf32, #tpu.memory_space<vmem>>) target(%dma_start3A_119 : memref<80x64xf32, #tpu.memory_space<vmem_shared>>) target_semaphore(%run_scoped3A : memref<!tpu.dma_semaphore, #tpu.memory_space<semaphore_mem>>)
      %dma_wait3A_120 = arith.constant 0 : i32
      %dma_wait3A_121 = tpu.memref_slice %arg14[%add3A_22, %dma_wait3A_120] : memref<10000x64xf32, #tpu.memory_space<vmem_shared>> -> memref<80x64xf32, #tpu.memory_space<vmem_shared>>
      %dma_wait3A_122 = arith.constant 0 : i32
      %dma_wait3A_123 = tpu.memref_slice %arg14[%add3A_22, %dma_wait3A_122] : memref<10000x64xf32, #tpu.memory_space<vmem_shared>> -> memref<80x64xf32, #tpu.memory_space<vmem_shared>>
      tpu.wait_dma2 semaphore(%run_scoped3A : memref<!tpu.dma_semaphore, #tpu.memory_space<semaphore_mem>>) src(%arg11 : memref<80x64xf32, #tpu.memory_space<vmem>>) dst(%dma_wait3A_123 : memref<80x64xf32, #tpu.memory_space<vmem_shared>>)
      tpu.yield
    }) : () -> ()
    %mul3A_23 = arith.constant 624 : i32
    %mul3A_24 = arith.muli %arg1, %mul3A_23 : i32
    %add3A_25 = arith.constant 240 : i32
    %add3A_26 = arith.addi %mul3A_24, %add3A_25 : i32
    "tpu.region"() ({
      %run_scoped3A = tpu.sem_alloc : memref<!tpu.dma_semaphore, #tpu.memory_space<semaphore_mem>>
      %dma_start3A_116 = arith.constant 0 : i32
      %dma_start3A_117 = tpu.memref_slice %arg14[%add3A_26, %dma_start3A_116] : memref<10000x64xf32, #tpu.memory_space<vmem_shared>> -> memref<80x64xf32, #tpu.memory_space<vmem_shared>>
      %dma_start3A_118 = arith.constant 0 : i32
      %dma_start3A_119 = tpu.memref_slice %arg14[%add3A_26, %dma_start3A_118] : memref<10000x64xf32, #tpu.memory_space<vmem_shared>> -> memref<80x64xf32, #tpu.memory_space<vmem_shared>>
      tpu.enqueue_dma source(%arg11 : memref<80x64xf32, #tpu.memory_space<vmem>>) target(%dma_start3A_119 : memref<80x64xf32, #tpu.memory_space<vmem_shared>>) target_semaphore(%run_scoped3A : memref<!tpu.dma_semaphore, #tpu.memory_space<semaphore_mem>>)
      %dma_wait3A_120 = arith.constant 0 : i32
      %dma_wait3A_121 = tpu.memref_slice %arg14[%add3A_26, %dma_wait3A_120] : memref<10000x64xf32, #tpu.memory_space<vmem_shared>> -> memref<80x64xf32, #tpu.memory_space<vmem_shared>>
      %dma_wait3A_122 = arith.constant 0 : i32
      %dma_wait3A_123 = tpu.memref_slice %arg14[%add3A_26, %dma_wait3A_122] : memref<10000x64xf32, #tpu.memory_space<vmem_shared>> -> memref<80x64xf32, #tpu.memory_space<vmem_shared>>
      tpu.wait_dma2 semaphore(%run_scoped3A : memref<!tpu.dma_semaphore, #tpu.memory_space<semaphore_mem>>) src(%arg11 : memref<80x64xf32, #tpu.memory_space<vmem>>) dst(%dma_wait3A_123 : memref<80x64xf32, #tpu.memory_space<vmem_shared>>)
      tpu.yield
    }) : () -> ()
    %mul3A_27 = arith.constant 624 : i32
    %mul3A_28 = arith.muli %arg1, %mul3A_27 : i32
    %add3A_29 = arith.constant 320 : i32
    %add3A_30 = arith.addi %mul3A_28, %add3A_29 : i32
    "tpu.region"() ({
      %run_scoped3A = tpu.sem_alloc : memref<!tpu.dma_semaphore, #tpu.memory_space<semaphore_mem>>
      %dma_start3A_116 = arith.constant 0 : i32
      %dma_start3A_117 = tpu.memref_slice %arg14[%add3A_30, %dma_start3A_116] : memref<10000x64xf32, #tpu.memory_space<vmem_shared>> -> memref<80x64xf32, #tpu.memory_space<vmem_shared>>
      %dma_start3A_118 = arith.constant 0 : i32
      %dma_start3A_119 = tpu.memref_slice %arg14[%add3A_30, %dma_start3A_118] : memref<10000x64xf32, #tpu.memory_space<vmem_shared>> -> memref<80x64xf32, #tpu.memory_space<vmem_shared>>
      tpu.enqueue_dma source(%arg11 : memref<80x64xf32, #tpu.memory_space<vmem>>) target(%dma_start3A_119 : memref<80x64xf32, #tpu.memory_space<vmem_shared>>) target_semaphore(%run_scoped3A : memref<!tpu.dma_semaphore, #tpu.memory_space<semaphore_mem>>)
      %dma_wait3A_120 = arith.constant 0 : i32
      %dma_wait3A_121 = tpu.memref_slice %arg14[%add3A_30, %dma_wait3A_120] : memref<10000x64xf32, #tpu.memory_space<vmem_shared>> -> memref<80x64xf32, #tpu.memory_space<vmem_shared>>
      %dma_wait3A_122 = arith.constant 0 : i32
      %dma_wait3A_123 = tpu.memref_slice %arg14[%add3A_30, %dma_wait3A_122] : memref<10000x64xf32, #tpu.memory_space<vmem_shared>> -> memref<80x64xf32, #tpu.memory_space<vmem_shared>>
      tpu.wait_dma2 semaphore(%run_scoped3A : memref<!tpu.dma_semaphore, #tpu.memory_space<semaphore_mem>>) src(%arg11 : memref<80x64xf32, #tpu.memory_space<vmem>>) dst(%dma_wait3A_123 : memref<80x64xf32, #tpu.memory_space<vmem_shared>>)
      tpu.yield
    }) : () -> ()
    %mul3A_31 = arith.constant 624 : i32
    %mul3A_32 = arith.muli %arg1, %mul3A_31 : i32
    %add3A_33 = arith.constant 400 : i32
    %add3A_34 = arith.addi %mul3A_32, %add3A_33 : i32
    "tpu.region"() ({
      %run_scoped3A = tpu.sem_alloc : memref<!tpu.dma_semaphore, #tpu.memory_space<semaphore_mem>>
      %dma_start3A_116 = arith.constant 0 : i32
      %dma_start3A_117 = tpu.memref_slice %arg14[%add3A_34, %dma_start3A_116] : memref<10000x64xf32, #tpu.memory_space<vmem_shared>> -> memref<80x64xf32, #tpu.memory_space<vmem_shared>>
      %dma_start3A_118 = arith.constant 0 : i32
      %dma_start3A_119 = tpu.memref_slice %arg14[%add3A_34, %dma_start3A_118] : memref<10000x64xf32, #tpu.memory_space<vmem_shared>> -> memref<80x64xf32, #tpu.memory_space<vmem_shared>>
      tpu.enqueue_dma source(%arg11 : memref<80x64xf32, #tpu.memory_space<vmem>>) target(%dma_start3A_119 : memref<80x64xf32, #tpu.memory_space<vmem_shared>>) target_semaphore(%run_scoped3A : memref<!tpu.dma_semaphore, #tpu.memory_space<semaphore_mem>>)
      %dma_wait3A_120 = arith.constant 0 : i32
      %dma_wait3A_121 = tpu.memref_slice %arg14[%add3A_34, %dma_wait3A_120] : memref<10000x64xf32, #tpu.memory_space<vmem_shared>> -> memref<80x64xf32, #tpu.memory_space<vmem_shared>>
      %dma_wait3A_122 = arith.constant 0 : i32
      %dma_wait3A_123 = tpu.memref_slice %arg14[%add3A_34, %dma_wait3A_122] : memref<10000x64xf32, #tpu.memory_space<vmem_shared>> -> memref<80x64xf32, #tpu.memory_space<vmem_shared>>
      tpu.wait_dma2 semaphore(%run_scoped3A : memref<!tpu.dma_semaphore, #tpu.memory_space<semaphore_mem>>) src(%arg11 : memref<80x64xf32, #tpu.memory_space<vmem>>) dst(%dma_wait3A_123 : memref<80x64xf32, #tpu.memory_space<vmem_shared>>)
      tpu.yield
    }) : () -> ()
    %mul3A_35 = arith.constant 624 : i32
    %mul3A_36 = arith.muli %arg1, %mul3A_35 : i32
    %add3A_37 = arith.constant 480 : i32
    %add3A_38 = arith.addi %mul3A_36, %add3A_37 : i32
    "tpu.region"() ({
      %run_scoped3A = tpu.sem_alloc : memref<!tpu.dma_semaphore, #tpu.memory_space<semaphore_mem>>
      %dma_start3A_116 = arith.constant 0 : i32
      %dma_start3A_117 = tpu.memref_slice %arg14[%add3A_38, %dma_start3A_116] : memref<10000x64xf32, #tpu.memory_space<vmem_shared>> -> memref<80x64xf32, #tpu.memory_space<vmem_shared>>
      %dma_start3A_118 = arith.constant 0 : i32
      %dma_start3A_119 = tpu.memref_slice %arg14[%add3A_38, %dma_start3A_118] : memref<10000x64xf32, #tpu.memory_space<vmem_shared>> -> memref<80x64xf32, #tpu.memory_space<vmem_shared>>
      tpu.enqueue_dma source(%arg11 : memref<80x64xf32, #tpu.memory_space<vmem>>) target(%dma_start3A_119 : memref<80x64xf32, #tpu.memory_space<vmem_shared>>) target_semaphore(%run_scoped3A : memref<!tpu.dma_semaphore, #tpu.memory_space<semaphore_mem>>)
      %dma_wait3A_120 = arith.constant 0 : i32
      %dma_wait3A_121 = tpu.memref_slice %arg14[%add3A_38, %dma_wait3A_120] : memref<10000x64xf32, #tpu.memory_space<vmem_shared>> -> memref<80x64xf32, #tpu.memory_space<vmem_shared>>
      %dma_wait3A_122 = arith.constant 0 : i32
      %dma_wait3A_123 = tpu.memref_slice %arg14[%add3A_38, %dma_wait3A_122] : memref<10000x64xf32, #tpu.memory_space<vmem_shared>> -> memref<80x64xf32, #tpu.memory_space<vmem_shared>>
      tpu.wait_dma2 semaphore(%run_scoped3A : memref<!tpu.dma_semaphore, #tpu.memory_space<semaphore_mem>>) src(%arg11 : memref<80x64xf32, #tpu.memory_space<vmem>>) dst(%dma_wait3A_123 : memref<80x64xf32, #tpu.memory_space<vmem_shared>>)
      tpu.yield
    }) : () -> ()
    %mul3A_39 = arith.constant 624 : i32
    %mul3A_40 = arith.muli %arg1, %mul3A_39 : i32
    %add3A_41 = arith.constant 560 : i32
    %add3A_42 = arith.addi %mul3A_40, %add3A_41 : i32
    "tpu.region"() ({
      %run_scoped3A = tpu.sem_alloc : memref<!tpu.dma_semaphore, #tpu.memory_space<semaphore_mem>>
      %dma_start3A_116 = arith.constant 0 : i32
      %dma_start3A_117 = arith.constant 0 : i32
      %dma_start3A_118 = tpu.memref_slice %arg11[%dma_start3A_116, %dma_start3A_117] : memref<80x64xf32, #tpu.memory_space<vmem>> -> memref<64x64xf32, #tpu.memory_space<vmem>>
      %dma_start3A_119 = arith.constant 0 : i32
      %dma_start3A_120 = tpu.memref_slice %arg14[%add3A_42, %dma_start3A_119] : memref<10000x64xf32, #tpu.memory_space<vmem_shared>> -> memref<64x64xf32, #tpu.memory_space<vmem_shared>>
      %dma_start3A_121 = arith.constant 0 : i32
      %dma_start3A_122 = tpu.memref_slice %arg14[%add3A_42, %dma_start3A_121] : memref<10000x64xf32, #tpu.memory_space<vmem_shared>> -> memref<64x64xf32, #tpu.memory_space<vmem_shared>>
      %dma_start3A_123 = arith.constant 0 : i32
      %dma_start3A_124 = arith.constant 0 : i32
      %dma_start3A_125 = tpu.memref_slice %arg11[%dma_start3A_123, %dma_start3A_124] : memref<80x64xf32, #tpu.memory_space<vmem>> -> memref<64x64xf32, #tpu.memory_space<vmem>>
      tpu.enqueue_dma source(%dma_start3A_125 : memref<64x64xf32, #tpu.memory_space<vmem>>) target(%dma_start3A_122 : memref<64x64xf32, #tpu.memory_space<vmem_shared>>) target_semaphore(%run_scoped3A : memref<!tpu.dma_semaphore, #tpu.memory_space<semaphore_mem>>)
      %dma_wait3A_126 = arith.constant 0 : i32
      %dma_wait3A_127 = arith.constant 0 : i32
      %dma_wait3A_128 = tpu.memref_slice %arg11[%dma_wait3A_126, %dma_wait3A_127] : memref<80x64xf32, #tpu.memory_space<vmem>> -> memref<64x64xf32, #tpu.memory_space<vmem>>
      %dma_wait3A_129 = arith.constant 0 : i32
      %dma_wait3A_130 = tpu.memref_slice %arg14[%add3A_42, %dma_wait3A_129] : memref<10000x64xf32, #tpu.memory_space<vmem_shared>> -> memref<64x64xf32, #tpu.memory_space<vmem_shared>>
      %dma_wait3A_131 = arith.constant 0 : i32
      %dma_wait3A_132 = tpu.memref_slice %arg14[%add3A_42, %dma_wait3A_131] : memref<10000x64xf32, #tpu.memory_space<vmem_shared>> -> memref<64x64xf32, #tpu.memory_space<vmem_shared>>
      %dma_wait3A_133 = arith.constant 0 : i32
      %dma_wait3A_134 = arith.constant 0 : i32
      %dma_wait3A_135 = tpu.memref_slice %arg11[%dma_wait3A_133, %dma_wait3A_134] : memref<80x64xf32, #tpu.memory_space<vmem>> -> memref<64x64xf32, #tpu.memory_space<vmem>>
      tpu.wait_dma2 semaphore(%run_scoped3A : memref<!tpu.dma_semaphore, #tpu.memory_space<semaphore_mem>>) src(%dma_wait3A_135 : memref<64x64xf32, #tpu.memory_space<vmem>>) dst(%dma_wait3A_132 : memref<64x64xf32, #tpu.memory_space<vmem_shared>>)
      tpu.yield
    }) : () -> ()
    %eq3A = arith.constant 15 : i32
    %eq3A_43 = arith.cmpi eq, %arg1, %eq3A : i32
    %convert_element_type3A = arith.extui %eq3A_43 : i1 to i32
    %cond3A = arith.constant 0 : i32
    %cond3A_44 = arith.cmpi ne, %convert_element_type3A, %cond3A : i32
    scf.if %cond3A_44 {
      "tpu.region"() ({
        %run_scoped3A = tpu.sem_alloc : memref<!tpu.dma_semaphore, #tpu.memory_space<semaphore_mem>>
        %dma_start3A_116 = arith.constant 0 : i32
        %dma_start3A_117 = arith.constant 0 : i32
        %dma_start3A_118 = tpu.memref_slice %arg11[%dma_start3A_116, %dma_start3A_117] : memref<80x64xf32, #tpu.memory_space<vmem>> -> memref<16x64xf32, #tpu.memory_space<vmem>>
        %dma_start3A_119 = arith.constant 9984 : i32
        %dma_start3A_120 = arith.constant 0 : i32
        %dma_start3A_121 = tpu.memref_slice %arg14[%dma_start3A_119, %dma_start3A_120] : memref<10000x64xf32, #tpu.memory_space<vmem_shared>> -> memref<16x64xf32, #tpu.memory_space<vmem_shared>>
        %dma_start3A_122 = arith.constant 9984 : i32
        %dma_start3A_123 = arith.constant 0 : i32
        %dma_start3A_124 = tpu.memref_slice %arg14[%dma_start3A_122, %dma_start3A_123] : memref<10000x64xf32, #tpu.memory_space<vmem_shared>> -> memref<16x64xf32, #tpu.memory_space<vmem_shared>>
        %dma_start3A_125 = arith.constant 0 : i32
        %dma_start3A_126 = arith.constant 0 : i32
        %dma_start3A_127 = tpu.memref_slice %arg11[%dma_start3A_125, %dma_start3A_126] : memref<80x64xf32, #tpu.memory_space<vmem>> -> memref<16x64xf32, #tpu.memory_space<vmem>>
        tpu.enqueue_dma source(%dma_start3A_127 : memref<16x64xf32, #tpu.memory_space<vmem>>) target(%dma_start3A_124 : memref<16x64xf32, #tpu.memory_space<vmem_shared>>) target_semaphore(%run_scoped3A : memref<!tpu.dma_semaphore, #tpu.memory_space<semaphore_mem>>)
        %dma_wait3A_128 = arith.constant 0 : i32
        %dma_wait3A_129 = arith.constant 0 : i32
        %dma_wait3A_130 = tpu.memref_slice %arg11[%dma_wait3A_128, %dma_wait3A_129] : memref<80x64xf32, #tpu.memory_space<vmem>> -> memref<16x64xf32, #tpu.memory_space<vmem>>
        %dma_wait3A_131 = arith.constant 9984 : i32
        %dma_wait3A_132 = arith.constant 0 : i32
        %dma_wait3A_133 = tpu.memref_slice %arg14[%dma_wait3A_131, %dma_wait3A_132] : memref<10000x64xf32, #tpu.memory_space<vmem_shared>> -> memref<16x64xf32, #tpu.memory_space<vmem_shared>>
        %dma_wait3A_134 = arith.constant 9984 : i32
        %dma_wait3A_135 = arith.constant 0 : i32
        %dma_wait3A_136 = tpu.memref_slice %arg14[%dma_wait3A_134, %dma_wait3A_135] : memref<10000x64xf32, #tpu.memory_space<vmem_shared>> -> memref<16x64xf32, #tpu.memory_space<vmem_shared>>
        %dma_wait3A_137 = arith.constant 0 : i32
        %dma_wait3A_138 = arith.constant 0 : i32
        %dma_wait3A_139 = tpu.memref_slice %arg11[%dma_wait3A_137, %dma_wait3A_138] : memref<80x64xf32, #tpu.memory_space<vmem>> -> memref<16x64xf32, #tpu.memory_space<vmem>>
        tpu.wait_dma2 semaphore(%run_scoped3A : memref<!tpu.dma_semaphore, #tpu.memory_space<semaphore_mem>>) src(%dma_wait3A_139 : memref<16x64xf32, #tpu.memory_space<vmem>>) dst(%dma_wait3A_136 : memref<16x64xf32, #tpu.memory_space<vmem_shared>>)
        tpu.yield
      }) : () -> ()
    } else {
    }
    %barrier3A = arith.constant 0 : index
    tpu.barrier barrier_id(%barrier3A)
    %dma_start3A = arith.constant 0 : i32
    %dma_start3A_45 = arith.constant 0 : i32
    %dma_start3A_46 = tpu.memref_slice %arg7[%dma_start3A, %dma_start3A_45] : memref<252x80xi32, #tpu.memory_space<vmem>> -> memref<1x80xi32, #tpu.memory_space<vmem>>
    %dma_start3A_47 = tpu.memref_squeeze %dma_start3A_46 : memref<1x80xi32, #tpu.memory_space<vmem>> -> memref<80xi32, #tpu.memory_space<vmem>>
    %dma_start3A_48 = arith.constant 0 : i32
    %dma_start3A_49 = arith.constant 0 : i32
    %dma_start3A_50 = tpu.memref_slice %arg2[%dma_start3A_48, %dma_start3A_49] : memref<20000x64xf32, #tpu.memory_space<hbm>> -> memref<20000x64xf32, #tpu.memory_space<hbm>>
    tpu.enqueue_indirect_dma source(%dma_start3A_50 : memref<20000x64xf32, #tpu.memory_space<hbm>>) target(%arg9 : memref<80x64xf32, #tpu.memory_space<vmem>>) offsets(%dma_start3A_47 : memref<80xi32, #tpu.memory_space<vmem>>) semaphore(%arg15 : memref<!tpu.dma_semaphore, #tpu.memory_space<semaphore_mem>>)
    %dma_start3A_51 = arith.constant 1 : i32
    %dma_start3A_52 = arith.constant 0 : i32
    %dma_start3A_53 = tpu.memref_slice %arg7[%dma_start3A_51, %dma_start3A_52] : memref<252x80xi32, #tpu.memory_space<vmem>> -> memref<1x80xi32, #tpu.memory_space<vmem>>
    %dma_start3A_54 = tpu.memref_squeeze %dma_start3A_53 : memref<1x80xi32, #tpu.memory_space<vmem>> -> memref<80xi32, #tpu.memory_space<vmem>>
    %dma_start3A_55 = arith.constant 0 : i32
    %dma_start3A_56 = arith.constant 0 : i32
    %dma_start3A_57 = tpu.memref_slice %arg2[%dma_start3A_55, %dma_start3A_56] : memref<20000x64xf32, #tpu.memory_space<hbm>> -> memref<20000x64xf32, #tpu.memory_space<hbm>>
    tpu.enqueue_indirect_dma source(%dma_start3A_57 : memref<20000x64xf32, #tpu.memory_space<hbm>>) target(%arg10 : memref<80x64xf32, #tpu.memory_space<vmem>>) offsets(%dma_start3A_54 : memref<80xi32, #tpu.memory_space<vmem>>) semaphore(%arg16 : memref<!tpu.dma_semaphore, #tpu.memory_space<semaphore_mem>>)
    %dma_start3A_58 = arith.constant 0 : i32
    %dma_start3A_59 = arith.constant 0 : i32
    %dma_start3A_60 = tpu.memref_slice %arg8[%dma_start3A_58, %dma_start3A_59] : memref<250x80xi32, #tpu.memory_space<vmem>> -> memref<1x80xi32, #tpu.memory_space<vmem>>
    %dma_start3A_61 = tpu.memref_squeeze %dma_start3A_60 : memref<1x80xi32, #tpu.memory_space<vmem>> -> memref<80xi32, #tpu.memory_space<vmem>>
    %dma_start3A_62 = arith.constant 0 : i32
    %dma_start3A_63 = arith.constant 0 : i32
    %dma_start3A_64 = tpu.memref_slice %arg14[%dma_start3A_62, %dma_start3A_63] : memref<10000x64xf32, #tpu.memory_space<vmem_shared>> -> memref<10000x64xf32, #tpu.memory_space<vmem_shared>>
    tpu.enqueue_indirect_dma source(%arg11 : memref<80x64xf32, #tpu.memory_space<vmem>>) target(%dma_start3A_64 : memref<10000x64xf32, #tpu.memory_space<vmem_shared>>) offsets(%dma_start3A_61 : memref<80xi32, #tpu.memory_space<vmem>>) semaphore(%arg17 : memref<!tpu.dma_semaphore, #tpu.memory_space<semaphore_mem>>) {add = true}
    %dma_start3A_65 = arith.constant 1 : i32
    %dma_start3A_66 = arith.constant 0 : i32
    %dma_start3A_67 = tpu.memref_slice %arg8[%dma_start3A_65, %dma_start3A_66] : memref<250x80xi32, #tpu.memory_space<vmem>> -> memref<1x80xi32, #tpu.memory_space<vmem>>
    %dma_start3A_68 = tpu.memref_squeeze %dma_start3A_67 : memref<1x80xi32, #tpu.memory_space<vmem>> -> memref<80xi32, #tpu.memory_space<vmem>>
    %dma_start3A_69 = arith.constant 0 : i32
    %dma_start3A_70 = arith.constant 0 : i32
    %dma_start3A_71 = tpu.memref_slice %arg14[%dma_start3A_69, %dma_start3A_70] : memref<10000x64xf32, #tpu.memory_space<vmem_shared>> -> memref<10000x64xf32, #tpu.memory_space<vmem_shared>>
    tpu.enqueue_indirect_dma source(%arg12 : memref<80x64xf32, #tpu.memory_space<vmem>>) target(%dma_start3A_71 : memref<10000x64xf32, #tpu.memory_space<vmem_shared>>) offsets(%dma_start3A_68 : memref<80xi32, #tpu.memory_space<vmem>>) semaphore(%arg18 : memref<!tpu.dma_semaphore, #tpu.memory_space<semaphore_mem>>) {add = true}
    %scan3A_72 = arith.constant 0 : i32
    %scan3A_73 = arith.constant 0 : i32
    %scan3A_74 = arith.constant 125 : i32
    %scan3A_75 = arith.addi %scan3A_73, %scan3A_74 : i32
    %scan3A_76 = arith.constant 1 : i32
    %scan3A_77 = scf.for %scan3A_116 = %scan3A_73 to %scan3A_75 step %scan3A_76 iter_args(%scan3A_117 = %scan3A_72) -> (i32)  : i32 {
      %mul3A_118 = arith.constant 2 : i32
      %mul3A_119 = arith.muli %scan3A_116, %mul3A_118 : i32
      %dma_wait3A_120 = arith.constant 0 : i32
      %dma_wait3A_121 = tpu.memref_slice %arg7[%mul3A_119, %dma_wait3A_120] : memref<252x80xi32, #tpu.memory_space<vmem>> -> memref<1x80xi32, #tpu.memory_space<vmem>>
      %dma_wait3A_122 = tpu.memref_squeeze %dma_wait3A_121 : memref<1x80xi32, #tpu.memory_space<vmem>> -> memref<80xi32, #tpu.memory_space<vmem>>
      %dma_wait3A_123 = arith.constant 0 : i32
      %dma_wait3A_124 = arith.constant 0 : i32
      %dma_wait3A_125 = tpu.memref_slice %arg2[%dma_wait3A_123, %dma_wait3A_124] : memref<20000x64xf32, #tpu.memory_space<hbm>> -> memref<20000x64xf32, #tpu.memory_space<hbm>>
      tpu.wait_indirect_dma semaphore(%arg15 : memref<!tpu.dma_semaphore, #tpu.memory_space<semaphore_mem>>) src(%dma_wait3A_125 : memref<20000x64xf32, #tpu.memory_space<hbm>>) dst(%arg9 : memref<80x64xf32, #tpu.memory_space<vmem>>)
      %dma_wait3A_126 = arith.constant 0 : i32
      %dma_wait3A_127 = tpu.memref_slice %arg8[%mul3A_119, %dma_wait3A_126] : memref<250x80xi32, #tpu.memory_space<vmem>> -> memref<1x80xi32, #tpu.memory_space<vmem>>
      %dma_wait3A_128 = tpu.memref_squeeze %dma_wait3A_127 : memref<1x80xi32, #tpu.memory_space<vmem>> -> memref<80xi32, #tpu.memory_space<vmem>>
      %dma_wait3A_129 = arith.constant 0 : i32
      %dma_wait3A_130 = arith.constant 0 : i32
      %dma_wait3A_131 = tpu.memref_slice %arg14[%dma_wait3A_129, %dma_wait3A_130] : memref<10000x64xf32, #tpu.memory_space<vmem_shared>> -> memref<10000x64xf32, #tpu.memory_space<vmem_shared>>
      tpu.wait_indirect_dma semaphore(%arg17 : memref<!tpu.dma_semaphore, #tpu.memory_space<semaphore_mem>>) src(%arg11 : memref<80x64xf32, #tpu.memory_space<vmem>>) dst(%dma_wait3A_131 : memref<10000x64xf32, #tpu.memory_space<vmem_shared>>)
      %scan3A_132 = arith.constant 0 : i32
      %scan3A_133 = arith.constant 0 : i32
      %scan3A_134 = arith.constant 5 : i32
      %scan3A_135 = arith.addi %scan3A_133, %scan3A_134 : i32
      %scan3A_136 = arith.constant 1 : i32
      %scan3A_137 = scf.for %scan3A_195 = %scan3A_133 to %scan3A_135 step %scan3A_136 iter_args(%scan3A_196 = %scan3A_132) -> (i32)  : i32 {
        %mul3A_197 = arith.constant 16 : i32
        %mul3A_198 = arith.muli %scan3A_195, %mul3A_197 : i32
        %get3A = arith.index_cast %mul3A_119 : i32 to index
        %get3A_199 = arith.index_cast %mul3A_198 : i32 to index
        %get3A_200 = tpu.vector_load %arg13[%get3A, %get3A_199] {strides = array<i32>} : memref<250x80xf32, #tpu.memory_space<vmem>>, vector<1x16xf32>,
        %get3A_201 = vector.shape_cast %get3A_200 : vector<1x16xf32> to vector<16xf32>
        %mul3A_202 = arith.constant 16 : i32
        %mul3A_203 = arith.muli %scan3A_195, %mul3A_202 : i32
        %add3A_204 = arith.constant 0 : i32
        %add3A_205 = arith.addi %mul3A_203, %add3A_204 : i32
        %slice3A = vector.extract_strided_slice %get3A_201 {offsets = [0], sizes = [1], strides = [1]} : vector<16xf32> to vector<1xf32>
        %squeeze3A = vector.extract %slice3A[0] : f32 from vector<1xf32>
        %get3A_206 = arith.index_cast %add3A_205 : i32 to index
        %get3A_207 = arith.constant 0 : index
        %get3A_208 = tpu.vector_load %arg9[%get3A_206, %get3A_207] {strides = array<i32>} : memref<80x64xf32, #tpu.memory_space<vmem>>, vector<1x16xf32>,
        %get3A_209 = vector.shape_cast %get3A_208 : vector<1x16xf32> to vector<16xf32>
        %mul3A_210 = vector.broadcast %squeeze3A : f32 to vector<16xf32>
        %mul3A_211 = arith.mulf %get3A_209, %mul3A_210 : vector<16xf32>
        %swap3A = arith.index_cast %add3A_205 : i32 to index
        %swap3A_212 = arith.constant 0 : index
        %swap3A_213 = tpu.vector_load %arg11[%swap3A, %swap3A_212] {strides = array<i32>} : memref<80x64xf32, #tpu.memory_space<vmem>>, vector<1x16xf32>,
        %swap3A_214 = vector.shape_cast %swap3A_213 : vector<1x16xf32> to vector<16xf32>
        %swap3A_215 = vector.shape_cast %mul3A_211 : vector<16xf32> to vector<1x16xf32>
        tpu.vector_store %arg11[%swap3A, %swap3A_212], %swap3A_215 {strides = array<i32>} : memref<80x64xf32, #tpu.memory_space<vmem>>, vector<1x16xf32>,
        %get3A_216 = arith.index_cast %add3A_205 : i32 to index
        %get3A_217 = arith.constant 16 : index
        %get3A_218 = tpu.vector_load %arg9[%get3A_216, %get3A_217] {strides = array<i32>} : memref<80x64xf32, #tpu.memory_space<vmem>>, vector<1x16xf32>,
        %get3A_219 = vector.shape_cast %get3A_218 : vector<1x16xf32> to vector<16xf32>
        %mul3A_220 = vector.broadcast %squeeze3A : f32 to vector<16xf32>
        %mul3A_221 = arith.mulf %get3A_219, %mul3A_220 : vector<16xf32>
        %swap3A_222 = arith.index_cast %add3A_205 : i32 to index
        %swap3A_223 = arith.constant 16 : index
        %swap3A_224 = tpu.vector_load %arg11[%swap3A_222, %swap3A_223] {strides = array<i32>} : memref<80x64xf32, #tpu.memory_space<vmem>>, vector<1x16xf32>,
        %swap3A_225 = vector.shape_cast %swap3A_224 : vector<1x16xf32> to vector<16xf32>
        %swap3A_226 = vector.shape_cast %mul3A_221 : vector<16xf32> to vector<1x16xf32>
        tpu.vector_store %arg11[%swap3A_222, %swap3A_223], %swap3A_226 {strides = array<i32>} : memref<80x64xf32, #tpu.memory_space<vmem>>, vector<1x16xf32>,
        %get3A_227 = arith.index_cast %add3A_205 : i32 to index
        %get3A_228 = arith.constant 32 : index
        %get3A_229 = tpu.vector_load %arg9[%get3A_227, %get3A_228] {strides = array<i32>} : memref<80x64xf32, #tpu.memory_space<vmem>>, vector<1x16xf32>,
        %get3A_230 = vector.shape_cast %get3A_229 : vector<1x16xf32> to vector<16xf32>
        %mul3A_231 = vector.broadcast %squeeze3A : f32 to vector<16xf32>
        %mul3A_232 = arith.mulf %get3A_230, %mul3A_231 : vector<16xf32>
        %swap3A_233 = arith.index_cast %add3A_205 : i32 to index
        %swap3A_234 = arith.constant 32 : index
        %swap3A_235 = tpu.vector_load %arg11[%swap3A_233, %swap3A_234] {strides = array<i32>} : memref<80x64xf32, #tpu.memory_space<vmem>>, vector<1x16xf32>,
        %swap3A_236 = vector.shape_cast %swap3A_235 : vector<1x16xf32> to vector<16xf32>
        %swap3A_237 = vector.shape_cast %mul3A_232 : vector<16xf32> to vector<1x16xf32>
        tpu.vector_store %arg11[%swap3A_233, %swap3A_234], %swap3A_237 {strides = array<i32>} : memref<80x64xf32, #tpu.memory_space<vmem>>, vector<1x16xf32>,
        %get3A_238 = arith.index_cast %add3A_205 : i32 to index
        %get3A_239 = arith.constant 48 : index
        %get3A_240 = tpu.vector_load %arg9[%get3A_238, %get3A_239] {strides = array<i32>} : memref<80x64xf32, #tpu.memory_space<vmem>>, vector<1x16xf32>,
        %get3A_241 = vector.shape_cast %get3A_240 : vector<1x16xf32> to vector<16xf32>
        %mul3A_242 = vector.broadcast %squeeze3A : f32 to vector<16xf32>
        %mul3A_243 = arith.mulf %get3A_241, %mul3A_242 : vector<16xf32>
        %swap3A_244 = arith.index_cast %add3A_205 : i32 to index
        %swap3A_245 = arith.constant 48 : index
        %swap3A_246 = tpu.vector_load %arg11[%swap3A_244, %swap3A_245] {strides = array<i32>} : memref<80x64xf32, #tpu.memory_space<vmem>>, vector<1x16xf32>,
        %swap3A_247 = vector.shape_cast %swap3A_246 : vector<1x16xf32> to vector<16xf32>
        %swap3A_248 = vector.shape_cast %mul3A_243 : vector<16xf32> to vector<1x16xf32>
        tpu.vector_store %arg11[%swap3A_244, %swap3A_245], %swap3A_248 {strides = array<i32>} : memref<80x64xf32, #tpu.memory_space<vmem>>, vector<1x16xf32>,
        %mul3A_249 = arith.constant 16 : i32
        %mul3A_250 = arith.muli %scan3A_195, %mul3A_249 : i32
        %add3A_251 = arith.constant 1 : i32
        %add3A_252 = arith.addi %mul3A_250, %add3A_251 : i32
        %slice3A_253 = vector.extract_strided_slice %get3A_201 {offsets = [1], sizes = [1], strides = [1]} : vector<16xf32> to vector<1xf32>
        %squeeze3A_254 = vector.extract %slice3A_253[0] : f32 from vector<1xf32>
        %get3A_255 = arith.index_cast %add3A_252 : i32 to index
        %get3A_256 = arith.constant 0 : index
        %get3A_257 = tpu.vector_load %arg9[%get3A_255, %get3A_256] {strides = array<i32>} : memref<80x64xf32, #tpu.memory_space<vmem>>, vector<1x16xf32>,
        %get3A_258 = vector.shape_cast %get3A_257 : vector<1x16xf32> to vector<16xf32>
        %mul3A_259 = vector.broadcast %squeeze3A_254 : f32 to vector<16xf32>
        %mul3A_260 = arith.mulf %get3A_258, %mul3A_259 : vector<16xf32>
        %swap3A_261 = arith.index_cast %add3A_252 : i32 to index
        %swap3A_262 = arith.constant 0 : index
        %swap3A_263 = tpu.vector_load %arg11[%swap3A_261, %swap3A_262] {strides = array<i32>} : memref<80x64xf32, #tpu.memory_space<vmem>>, vector<1x16xf32>,
        %swap3A_264 = vector.shape_cast %swap3A_263 : vector<1x16xf32> to vector<16xf32>
        %swap3A_265 = vector.shape_cast %mul3A_260 : vector<16xf32> to vector<1x16xf32>
        tpu.vector_store %arg11[%swap3A_261, %swap3A_262], %swap3A_265 {strides = array<i32>} : memref<80x64xf32, #tpu.memory_space<vmem>>, vector<1x16xf32>,
        %get3A_266 = arith.index_cast %add3A_252 : i32 to index
        %get3A_267 = arith.constant 16 : index
        %get3A_268 = tpu.vector_load %arg9[%get3A_266, %get3A_267] {strides = array<i32>} : memref<80x64xf32, #tpu.memory_space<vmem>>, vector<1x16xf32>,
        %get3A_269 = vector.shape_cast %get3A_268 : vector<1x16xf32> to vector<16xf32>
        %mul3A_270 = vector.broadcast %squeeze3A_254 : f32 to vector<16xf32>
        %mul3A_271 = arith.mulf %get3A_269, %mul3A_270 : vector<16xf32>
        %swap3A_272 = arith.index_cast %add3A_252 : i32 to index
        %swap3A_273 = arith.constant 16 : index
        %swap3A_274 = tpu.vector_load %arg11[%swap3A_272, %swap3A_273] {strides = array<i32>} : memref<80x64xf32, #tpu.memory_space<vmem>>, vector<1x16xf32>,
        %swap3A_275 = vector.shape_cast %swap3A_274 : vector<1x16xf32> to vector<16xf32>
        %swap3A_276 = vector.shape_cast %mul3A_271 : vector<16xf32> to vector<1x16xf32>
        tpu.vector_store %arg11[%swap3A_272, %swap3A_273], %swap3A_276 {strides = array<i32>} : memref<80x64xf32, #tpu.memory_space<vmem>>, vector<1x16xf32>,
        %get3A_277 = arith.index_cast %add3A_252 : i32 to index
        %get3A_278 = arith.constant 32 : index
        %get3A_279 = tpu.vector_load %arg9[%get3A_277, %get3A_278] {strides = array<i32>} : memref<80x64xf32, #tpu.memory_space<vmem>>, vector<1x16xf32>,
        %get3A_280 = vector.shape_cast %get3A_279 : vector<1x16xf32> to vector<16xf32>
        %mul3A_281 = vector.broadcast %squeeze3A_254 : f32 to vector<16xf32>
        %mul3A_282 = arith.mulf %get3A_280, %mul3A_281 : vector<16xf32>
        %swap3A_283 = arith.index_cast %add3A_252 : i32 to index
        %swap3A_284 = arith.constant 32 : index
        %swap3A_285 = tpu.vector_load %arg11[%swap3A_283, %swap3A_284] {strides = array<i32>} : memref<80x64xf32, #tpu.memory_space<vmem>>, vector<1x16xf32>,
        %swap3A_286 = vector.shape_cast %swap3A_285 : vector<1x16xf32> to vector<16xf32>
        %swap3A_287 = vector.shape_cast %mul3A_282 : vector<16xf32> to vector<1x16xf32>
        tpu.vector_store %arg11[%swap3A_283, %swap3A_284], %swap3A_287 {strides = array<i32>} : memref<80x64xf32, #tpu.memory_space<vmem>>, vector<1x16xf32>,
        %get3A_288 = arith.index_cast %add3A_252 : i32 to index
        %get3A_289 = arith.constant 48 : index
        %get3A_290 = tpu.vector_load %arg9[%get3A_288, %get3A_289] {strides = array<i32>} : memref<80x64xf32, #tpu.memory_space<vmem>>, vector<1x16xf32>,
        %get3A_291 = vector.shape_cast %get3A_290 : vector<1x16xf32> to vector<16xf32>
        %mul3A_292 = vector.broadcast %squeeze3A_254 : f32 to vector<16xf32>
        %mul3A_293 = arith.mulf %get3A_291, %mul3A_292 : vector<16xf32>
        %swap3A_294 = arith.index_cast %add3A_252 : i32 to index
        %swap3A_295 = arith.constant 48 : index
        %swap3A_296 = tpu.vector_load %arg11[%swap3A_294, %swap3A_295] {strides = array<i32>} : memref<80x64xf32, #tpu.memory_space<vmem>>, vector<1x16xf32>,
        %swap3A_297 = vector.shape_cast %swap3A_296 : vector<1x16xf32> to vector<16xf32>
        %swap3A_298 = vector.shape_cast %mul3A_293 : vector<16xf32> to vector<1x16xf32>
        tpu.vector_store %arg11[%swap3A_294, %swap3A_295], %swap3A_298 {strides = array<i32>} : memref<80x64xf32, #tpu.memory_space<vmem>>, vector<1x16xf32>,
        %mul3A_299 = arith.constant 16 : i32
        %mul3A_300 = arith.muli %scan3A_195, %mul3A_299 : i32
        %add3A_301 = arith.constant 2 : i32
        %add3A_302 = arith.addi %mul3A_300, %add3A_301 : i32
        %slice3A_303 = vector.extract_strided_slice %get3A_201 {offsets = [2], sizes = [1], strides = [1]} : vector<16xf32> to vector<1xf32>
        %squeeze3A_304 = vector.extract %slice3A_303[0] : f32 from vector<1xf32>
        %get3A_305 = arith.index_cast %add3A_302 : i32 to index
        %get3A_306 = arith.constant 0 : index
        %get3A_307 = tpu.vector_load %arg9[%get3A_305, %get3A_306] {strides = array<i32>} : memref<80x64xf32, #tpu.memory_space<vmem>>, vector<1x16xf32>,
        %get3A_308 = vector.shape_cast %get3A_307 : vector<1x16xf32> to vector<16xf32>
        %mul3A_309 = vector.broadcast %squeeze3A_304 : f32 to vector<16xf32>
        %mul3A_310 = arith.mulf %get3A_308, %mul3A_309 : vector<16xf32>
        %swap3A_311 = arith.index_cast %add3A_302 : i32 to index
        %swap3A_312 = arith.constant 0 : index
        %swap3A_313 = tpu.vector_load %arg11[%swap3A_311, %swap3A_312] {strides = array<i32>} : memref<80x64xf32, #tpu.memory_space<vmem>>, vector<1x16xf32>,
        %swap3A_314 = vector.shape_cast %swap3A_313 : vector<1x16xf32> to vector<16xf32>
        %swap3A_315 = vector.shape_cast %mul3A_310 : vector<16xf32> to vector<1x16xf32>
        tpu.vector_store %arg11[%swap3A_311, %swap3A_312], %swap3A_315 {strides = array<i32>} : memref<80x64xf32, #tpu.memory_space<vmem>>, vector<1x16xf32>,
        %get3A_316 = arith.index_cast %add3A_302 : i32 to index
        %get3A_317 = arith.constant 16 : index
        %get3A_318 = tpu.vector_load %arg9[%get3A_316, %get3A_317] {strides = array<i32>} : memref<80x64xf32, #tpu.memory_space<vmem>>, vector<1x16xf32>,
        %get3A_319 = vector.shape_cast %get3A_318 : vector<1x16xf32> to vector<16xf32>
        %mul3A_320 = vector.broadcast %squeeze3A_304 : f32 to vector<16xf32>
        %mul3A_321 = arith.mulf %get3A_319, %mul3A_320 : vector<16xf32>
        %swap3A_322 = arith.index_cast %add3A_302 : i32 to index
        %swap3A_323 = arith.constant 16 : index
        %swap3A_324 = tpu.vector_load %arg11[%swap3A_322, %swap3A_323] {strides = array<i32>} : memref<80x64xf32, #tpu.memory_space<vmem>>, vector<1x16xf32>,
        %swap3A_325 = vector.shape_cast %swap3A_324 : vector<1x16xf32> to vector<16xf32>
        %swap3A_326 = vector.shape_cast %mul3A_321 : vector<16xf32> to vector<1x16xf32>
        tpu.vector_store %arg11[%swap3A_322, %swap3A_323], %swap3A_326 {strides = array<i32>} : memref<80x64xf32, #tpu.memory_space<vmem>>, vector<1x16xf32>,
        %get3A_327 = arith.index_cast %add3A_302 : i32 to index
        %get3A_328 = arith.constant 32 : index
        %get3A_329 = tpu.vector_load %arg9[%get3A_327, %get3A_328] {strides = array<i32>} : memref<80x64xf32, #tpu.memory_space<vmem>>, vector<1x16xf32>,
        %get3A_330 = vector.shape_cast %get3A_329 : vector<1x16xf32> to vector<16xf32>
        %mul3A_331 = vector.broadcast %squeeze3A_304 : f32 to vector<16xf32>
        %mul3A_332 = arith.mulf %get3A_330, %mul3A_331 : vector<16xf32>
        %swap3A_333 = arith.index_cast %add3A_302 : i32 to index
        %swap3A_334 = arith.constant 32 : index
        %swap3A_335 = tpu.vector_load %arg11[%swap3A_333, %swap3A_334] {strides = array<i32>} : memref<80x64xf32, #tpu.memory_space<vmem>>, vector<1x16xf32>,
        %swap3A_336 = vector.shape_cast %swap3A_335 : vector<1x16xf32> to vector<16xf32>
        %swap3A_337 = vector.shape_cast %mul3A_332 : vector<16xf32> to vector<1x16xf32>
        tpu.vector_store %arg11[%swap3A_333, %swap3A_334], %swap3A_337 {strides = array<i32>} : memref<80x64xf32, #tpu.memory_space<vmem>>, vector<1x16xf32>,
        %get3A_338 = arith.index_cast %add3A_302 : i32 to index
        %get3A_339 = arith.constant 48 : index
        %get3A_340 = tpu.vector_load %arg9[%get3A_338, %get3A_339] {strides = array<i32>} : memref<80x64xf32, #tpu.memory_space<vmem>>, vector<1x16xf32>,
        %get3A_341 = vector.shape_cast %get3A_340 : vector<1x16xf32> to vector<16xf32>
        %mul3A_342 = vector.broadcast %squeeze3A_304 : f32 to vector<16xf32>
        %mul3A_343 = arith.mulf %get3A_341, %mul3A_342 : vector<16xf32>
        %swap3A_344 = arith.index_cast %add3A_302 : i32 to index
        %swap3A_345 = arith.constant 48 : index
        %swap3A_346 = tpu.vector_load %arg11[%swap3A_344, %swap3A_345] {strides = array<i32>} : memref<80x64xf32, #tpu.memory_space<vmem>>, vector<1x16xf32>,
        %swap3A_347 = vector.shape_cast %swap3A_346 : vector<1x16xf32> to vector<16xf32>
        %swap3A_348 = vector.shape_cast %mul3A_343 : vector<16xf32> to vector<1x16xf32>
        tpu.vector_store %arg11[%swap3A_344, %swap3A_345], %swap3A_348 {strides = array<i32>} : memref<80x64xf32, #tpu.memory_space<vmem>>, vector<1x16xf32>,
        %mul3A_349 = arith.constant 16 : i32
        %mul3A_350 = arith.muli %scan3A_195, %mul3A_349 : i32
        %add3A_351 = arith.constant 3 : i32
        %add3A_352 = arith.addi %mul3A_350, %add3A_351 : i32
        %slice3A_353 = vector.extract_strided_slice %get3A_201 {offsets = [3], sizes = [1], strides = [1]} : vector<16xf32> to vector<1xf32>
        %squeeze3A_354 = vector.extract %slice3A_353[0] : f32 from vector<1xf32>
        %get3A_355 = arith.index_cast %add3A_352 : i32 to index
        %get3A_356 = arith.constant 0 : index
        %get3A_357 = tpu.vector_load %arg9[%get3A_355, %get3A_356] {strides = array<i32>} : memref<80x64xf32, #tpu.memory_space<vmem>>, vector<1x16xf32>,
        %get3A_358 = vector.shape_cast %get3A_357 : vector<1x16xf32> to vector<16xf32>
        %mul3A_359 = vector.broadcast %squeeze3A_354 : f32 to vector<16xf32>
        %mul3A_360 = arith.mulf %get3A_358, %mul3A_359 : vector<16xf32>
        %swap3A_361 = arith.index_cast %add3A_352 : i32 to index
        %swap3A_362 = arith.constant 0 : index
        %swap3A_363 = tpu.vector_load %arg11[%swap3A_361, %swap3A_362] {strides = array<i32>} : memref<80x64xf32, #tpu.memory_space<vmem>>, vector<1x16xf32>,
        %swap3A_364 = vector.shape_cast %swap3A_363 : vector<1x16xf32> to vector<16xf32>
        %swap3A_365 = vector.shape_cast %mul3A_360 : vector<16xf32> to vector<1x16xf32>
        tpu.vector_store %arg11[%swap3A_361, %swap3A_362], %swap3A_365 {strides = array<i32>} : memref<80x64xf32, #tpu.memory_space<vmem>>, vector<1x16xf32>,
        %get3A_366 = arith.index_cast %add3A_352 : i32 to index
        %get3A_367 = arith.constant 16 : index
        %get3A_368 = tpu.vector_load %arg9[%get3A_366, %get3A_367] {strides = array<i32>} : memref<80x64xf32, #tpu.memory_space<vmem>>, vector<1x16xf32>,
        %get3A_369 = vector.shape_cast %get3A_368 : vector<1x16xf32> to vector<16xf32>
        %mul3A_370 = vector.broadcast %squeeze3A_354 : f32 to vector<16xf32>
        %mul3A_371 = arith.mulf %get3A_369, %mul3A_370 : vector<16xf32>
        %swap3A_372 = arith.index_cast %add3A_352 : i32 to index
        %swap3A_373 = arith.constant 16 : index
        %swap3A_374 = tpu.vector_load %arg11[%swap3A_372, %swap3A_373] {strides = array<i32>} : memref<80x64xf32, #tpu.memory_space<vmem>>, vector<1x16xf32>,
        %swap3A_375 = vector.shape_cast %swap3A_374 : vector<1x16xf32> to vector<16xf32>
        %swap3A_376 = vector.shape_cast %mul3A_371 : vector<16xf32> to vector<1x16xf32>
        tpu.vector_store %arg11[%swap3A_372, %swap3A_373], %swap3A_376 {strides = array<i32>} : memref<80x64xf32, #tpu.memory_space<vmem>>, vector<1x16xf32>,
        %get3A_377 = arith.index_cast %add3A_352 : i32 to index
        %get3A_378 = arith.constant 32 : index
        %get3A_379 = tpu.vector_load %arg9[%get3A_377, %get3A_378] {strides = array<i32>} : memref<80x64xf32, #tpu.memory_space<vmem>>, vector<1x16xf32>,
        %get3A_380 = vector.shape_cast %get3A_379 : vector<1x16xf32> to vector<16xf32>
        %mul3A_381 = vector.broadcast %squeeze3A_354 : f32 to vector<16xf32>
        %mul3A_382 = arith.mulf %get3A_380, %mul3A_381 : vector<16xf32>
        %swap3A_383 = arith.index_cast %add3A_352 : i32 to index
        %swap3A_384 = arith.constant 32 : index
        %swap3A_385 = tpu.vector_load %arg11[%swap3A_383, %swap3A_384] {strides = array<i32>} : memref<80x64xf32, #tpu.memory_space<vmem>>, vector<1x16xf32>,
        %swap3A_386 = vector.shape_cast %swap3A_385 : vector<1x16xf32> to vector<16xf32>
        %swap3A_387 = vector.shape_cast %mul3A_382 : vector<16xf32> to vector<1x16xf32>
        tpu.vector_store %arg11[%swap3A_383, %swap3A_384], %swap3A_387 {strides = array<i32>} : memref<80x64xf32, #tpu.memory_space<vmem>>, vector<1x16xf32>,
        %get3A_388 = arith.index_cast %add3A_352 : i32 to index
        %get3A_389 = arith.constant 48 : index
        %get3A_390 = tpu.vector_load %arg9[%get3A_388, %get3A_389] {strides = array<i32>} : memref<80x64xf32, #tpu.memory_space<vmem>>, vector<1x16xf32>,
        %get3A_391 = vector.shape_cast %get3A_390 : vector<1x16xf32> to vector<16xf32>
        %mul3A_392 = vector.broadcast %squeeze3A_354 : f32 to vector<16xf32>
        %mul3A_393 = arith.mulf %get3A_391, %mul3A_392 : vector<16xf32>
        %swap3A_394 = arith.index_cast %add3A_352 : i32 to index
        %swap3A_395 = arith.constant 48 : index
        %swap3A_396 = tpu.vector_load %arg11[%swap3A_394, %swap3A_395] {strides = array<i32>} : memref<80x64xf32, #tpu.memory_space<vmem>>, vector<1x16xf32>,
        %swap3A_397 = vector.shape_cast %swap3A_396 : vector<1x16xf32> to vector<16xf32>
        %swap3A_398 = vector.shape_cast %mul3A_393 : vector<16xf32> to vector<1x16xf32>
        tpu.vector_store %arg11[%swap3A_394, %swap3A_395], %swap3A_398 {strides = array<i32>} : memref<80x64xf32, #tpu.memory_space<vmem>>, vector<1x16xf32>,
        %mul3A_399 = arith.constant 16 : i32
        %mul3A_400 = arith.muli %scan3A_195, %mul3A_399 : i32
        %add3A_401 = arith.constant 4 : i32
        %add3A_402 = arith.addi %mul3A_400, %add3A_401 : i32
        %slice3A_403 = vector.extract_strided_slice %get3A_201 {offsets = [4], sizes = [1], strides = [1]} : vector<16xf32> to vector<1xf32>
        %squeeze3A_404 = vector.extract %slice3A_403[0] : f32 from vector<1xf32>
        %get3A_405 = arith.index_cast %add3A_402 : i32 to index
        %get3A_406 = arith.constant 0 : index
        %get3A_407 = tpu.vector_load %arg9[%get3A_405, %get3A_406] {strides = array<i32>} : memref<80x64xf32, #tpu.memory_space<vmem>>, vector<1x16xf32>,
        %get3A_408 = vector.shape_cast %get3A_407 : vector<1x16xf32> to vector<16xf32>
        %mul3A_409 = vector.broadcast %squeeze3A_404 : f32 to vector<16xf32>
        %mul3A_410 = arith.mulf %get3A_408, %mul3A_409 : vector<16xf32>
        %swap3A_411 = arith.index_cast %add3A_402 : i32 to index
        %swap3A_412 = arith.constant 0 : index
        %swap3A_413 = tpu.vector_load %arg11[%swap3A_411, %swap3A_412] {strides = array<i32>} : memref<80x64xf32, #tpu.memory_space<vmem>>, vector<1x16xf32>,
        %swap3A_414 = vector.shape_cast %swap3A_413 : vector<1x16xf32> to vector<16xf32>
        %swap3A_415 = vector.shape_cast %mul3A_410 : vector<16xf32> to vector<1x16xf32>
        tpu.vector_store %arg11[%swap3A_411, %swap3A_412], %swap3A_415 {strides = array<i32>} : memref<80x64xf32, #tpu.memory_space<vmem>>, vector<1x16xf32>,
        %get3A_416 = arith.index_cast %add3A_402 : i32 to index
        %get3A_417 = arith.constant 16 : index
        %get3A_418 = tpu.vector_load %arg9[%get3A_416, %get3A_417] {strides = array<i32>} : memref<80x64xf32, #tpu.memory_space<vmem>>, vector<1x16xf32>,
        %get3A_419 = vector.shape_cast %get3A_418 : vector<1x16xf32> to vector<16xf32>
        %mul3A_420 = vector.broadcast %squeeze3A_404 : f32 to vector<16xf32>
        %mul3A_421 = arith.mulf %get3A_419, %mul3A_420 : vector<16xf32>
        %swap3A_422 = arith.index_cast %add3A_402 : i32 to index
        %swap3A_423 = arith.constant 16 : index
        %swap3A_424 = tpu.vector_load %arg11[%swap3A_422, %swap3A_423] {strides = array<i32>} : memref<80x64xf32, #tpu.memory_space<vmem>>, vector<1x16xf32>,
        %swap3A_425 = vector.shape_cast %swap3A_424 : vector<1x16xf32> to vector<16xf32>
        %swap3A_426 = vector.shape_cast %mul3A_421 : vector<16xf32> to vector<1x16xf32>
        tpu.vector_store %arg11[%swap3A_422, %swap3A_423], %swap3A_426 {strides = array<i32>} : memref<80x64xf32, #tpu.memory_space<vmem>>, vector<1x16xf32>,
        %get3A_427 = arith.index_cast %add3A_402 : i32 to index
        %get3A_428 = arith.constant 32 : index
        %get3A_429 = tpu.vector_load %arg9[%get3A_427, %get3A_428] {strides = array<i32>} : memref<80x64xf32, #tpu.memory_space<vmem>>, vector<1x16xf32>,
        %get3A_430 = vector.shape_cast %get3A_429 : vector<1x16xf32> to vector<16xf32>
        %mul3A_431 = vector.broadcast %squeeze3A_404 : f32 to vector<16xf32>
        %mul3A_432 = arith.mulf %get3A_430, %mul3A_431 : vector<16xf32>
        %swap3A_433 = arith.index_cast %add3A_402 : i32 to index
        %swap3A_434 = arith.constant 32 : index
        %swap3A_435 = tpu.vector_load %arg11[%swap3A_433, %swap3A_434] {strides = array<i32>} : memref<80x64xf32, #tpu.memory_space<vmem>>, vector<1x16xf32>,
        %swap3A_436 = vector.shape_cast %swap3A_435 : vector<1x16xf32> to vector<16xf32>
        %swap3A_437 = vector.shape_cast %mul3A_432 : vector<16xf32> to vector<1x16xf32>
        tpu.vector_store %arg11[%swap3A_433, %swap3A_434], %swap3A_437 {strides = array<i32>} : memref<80x64xf32, #tpu.memory_space<vmem>>, vector<1x16xf32>,
        %get3A_438 = arith.index_cast %add3A_402 : i32 to index
        %get3A_439 = arith.constant 48 : index
        %get3A_440 = tpu.vector_load %arg9[%get3A_438, %get3A_439] {strides = array<i32>} : memref<80x64xf32, #tpu.memory_space<vmem>>, vector<1x16xf32>,
        %get3A_441 = vector.shape_cast %get3A_440 : vector<1x16xf32> to vector<16xf32>
        %mul3A_442 = vector.broadcast %squeeze3A_404 : f32 to vector<16xf32>
        %mul3A_443 = arith.mulf %get3A_441, %mul3A_442 : vector<16xf32>
        %swap3A_444 = arith.index_cast %add3A_402 : i32 to index
        %swap3A_445 = arith.constant 48 : index
        %swap3A_446 = tpu.vector_load %arg11[%swap3A_444, %swap3A_445] {strides = array<i32>} : memref<80x64xf32, #tpu.memory_space<vmem>>, vector<1x16xf32>,
        %swap3A_447 = vector.shape_cast %swap3A_446 : vector<1x16xf32> to vector<16xf32>
        %swap3A_448 = vector.shape_cast %mul3A_443 : vector<16xf32> to vector<1x16xf32>
        tpu.vector_store %arg11[%swap3A_444, %swap3A_445], %swap3A_448 {strides = array<i32>} : memref<80x64xf32, #tpu.memory_space<vmem>>, vector<1x16xf32>,
        %mul3A_449 = arith.constant 16 : i32
        %mul3A_450 = arith.muli %scan3A_195, %mul3A_449 : i32
        %add3A_451 = arith.constant 5 : i32
        %add3A_452 = arith.addi %mul3A_450, %add3A_451 : i32
        %slice3A_453 = vector.extract_strided_slice %get3A_201 {offsets = [5], sizes = [1], strides = [1]} : vector<16xf32> to vector<1xf32>
        %squeeze3A_454 = vector.extract %slice3A_453[0] : f32 from vector<1xf32>
        %get3A_455 = arith.index_cast %add3A_452 : i32 to index
        %get3A_456 = arith.constant 0 : index
        %get3A_457 = tpu.vector_load %arg9[%get3A_455, %get3A_456] {strides = array<i32>} : memref<80x64xf32, #tpu.memory_space<vmem>>, vector<1x16xf32>,
        %get3A_458 = vector.shape_cast %get3A_457 : vector<1x16xf32> to vector<16xf32>
        %mul3A_459 = vector.broadcast %squeeze3A_454 : f32 to vector<16xf32>
        %mul3A_460 = arith.mulf %get3A_458, %mul3A_459 : vector<16xf32>
        %swap3A_461 = arith.index_cast %add3A_452 : i32 to index
        %swap3A_462 = arith.constant 0 : index
        %swap3A_463 = tpu.vector_load %arg11[%swap3A_461, %swap3A_462] {strides = array<i32>} : memref<80x64xf32, #tpu.memory_space<vmem>>, vector<1x16xf32>,
        %swap3A_464 = vector.shape_cast %swap3A_463 : vector<1x16xf32> to vector<16xf32>
        %swap3A_465 = vector.shape_cast %mul3A_460 : vector<16xf32> to vector<1x16xf32>
        tpu.vector_store %arg11[%swap3A_461, %swap3A_462], %swap3A_465 {strides = array<i32>} : memref<80x64xf32, #tpu.memory_space<vmem>>, vector<1x16xf32>,
        %get3A_466 = arith.index_cast %add3A_452 : i32 to index
        %get3A_467 = arith.constant 16 : index
        %get3A_468 = tpu.vector_load %arg9[%get3A_466, %get3A_467] {strides = array<i32>} : memref<80x64xf32, #tpu.memory_space<vmem>>, vector<1x16xf32>,
        %get3A_469 = vector.shape_cast %get3A_468 : vector<1x16xf32> to vector<16xf32>
        %mul3A_470 = vector.broadcast %squeeze3A_454 : f32 to vector<16xf32>
        %mul3A_471 = arith.mulf %get3A_469, %mul3A_470 : vector<16xf32>
        %swap3A_472 = arith.index_cast %add3A_452 : i32 to index
        %swap3A_473 = arith.constant 16 : index
        %swap3A_474 = tpu.vector_load %arg11[%swap3A_472, %swap3A_473] {strides = array<i32>} : memref<80x64xf32, #tpu.memory_space<vmem>>, vector<1x16xf32>,
        %swap3A_475 = vector.shape_cast %swap3A_474 : vector<1x16xf32> to vector<16xf32>
        %swap3A_476 = vector.shape_cast %mul3A_471 : vector<16xf32> to vector<1x16xf32>
        tpu.vector_store %arg11[%swap3A_472, %swap3A_473], %swap3A_476 {strides = array<i32>} : memref<80x64xf32, #tpu.memory_space<vmem>>, vector<1x16xf32>,
        %get3A_477 = arith.index_cast %add3A_452 : i32 to index
        %get3A_478 = arith.constant 32 : index
        %get3A_479 = tpu.vector_load %arg9[%get3A_477, %get3A_478] {strides = array<i32>} : memref<80x64xf32, #tpu.memory_space<vmem>>, vector<1x16xf32>,
        %get3A_480 = vector.shape_cast %get3A_479 : vector<1x16xf32> to vector<16xf32>
        %mul3A_481 = vector.broadcast %squeeze3A_454 : f32 to vector<16xf32>
        %mul3A_482 = arith.mulf %get3A_480, %mul3A_481 : vector<16xf32>
        %swap3A_483 = arith.index_cast %add3A_452 : i32 to index
        %swap3A_484 = arith.constant 32 : index
        %swap3A_485 = tpu.vector_load %arg11[%swap3A_483, %swap3A_484] {strides = array<i32>} : memref<80x64xf32, #tpu.memory_space<vmem>>, vector<1x16xf32>,
        %swap3A_486 = vector.shape_cast %swap3A_485 : vector<1x16xf32> to vector<16xf32>
        %swap3A_487 = vector.shape_cast %mul3A_482 : vector<16xf32> to vector<1x16xf32>
        tpu.vector_store %arg11[%swap3A_483, %swap3A_484], %swap3A_487 {strides = array<i32>} : memref<80x64xf32, #tpu.memory_space<vmem>>, vector<1x16xf32>,
        %get3A_488 = arith.index_cast %add3A_452 : i32 to index
        %get3A_489 = arith.constant 48 : index
        %get3A_490 = tpu.vector_load %arg9[%get3A_488, %get3A_489] {strides = array<i32>} : memref<80x64xf32, #tpu.memory_space<vmem>>, vector<1x16xf32>,
        %get3A_491 = vector.shape_cast %get3A_490 : vector<1x16xf32> to vector<16xf32>
        %mul3A_492 = vector.broadcast %squeeze3A_454 : f32 to vector<16xf32>
        %mul3A_493 = arith.mulf %get3A_491, %mul3A_492 : vector<16xf32>
        %swap3A_494 = arith.index_cast %add3A_452 : i32 to index
        %swap3A_495 = arith.constant 48 : index
        %swap3A_496 = tpu.vector_load %arg11[%swap3A_494, %swap3A_495] {strides = array<i32>} : memref<80x64xf32, #tpu.memory_space<vmem>>, vector<1x16xf32>,
        %swap3A_497 = vector.shape_cast %swap3A_496 : vector<1x16xf32> to vector<16xf32>
        %swap3A_498 = vector.shape_cast %mul3A_493 : vector<16xf32> to vector<1x16xf32>
        tpu.vector_store %arg11[%swap3A_494, %swap3A_495], %swap3A_498 {strides = array<i32>} : memref<80x64xf32, #tpu.memory_space<vmem>>, vector<1x16xf32>,
        %mul3A_499 = arith.constant 16 : i32
        %mul3A_500 = arith.muli %scan3A_195, %mul3A_499 : i32
        %add3A_501 = arith.constant 6 : i32
        %add3A_502 = arith.addi %mul3A_500, %add3A_501 : i32
        %slice3A_503 = vector.extract_strided_slice %get3A_201 {offsets = [6], sizes = [1], strides = [1]} : vector<16xf32> to vector<1xf32>
        %squeeze3A_504 = vector.extract %slice3A_503[0] : f32 from vector<1xf32>
        %get3A_505 = arith.index_cast %add3A_502 : i32 to index
        %get3A_506 = arith.constant 0 : index
        %get3A_507 = tpu.vector_load %arg9[%get3A_505, %get3A_506] {strides = array<i32>} : memref<80x64xf32, #tpu.memory_space<vmem>>, vector<1x16xf32>,
        %get3A_508 = vector.shape_cast %get3A_507 : vector<1x16xf32> to vector<16xf32>
        %mul3A_509 = vector.broadcast %squeeze3A_504 : f32 to vector<16xf32>
        %mul3A_510 = arith.mulf %get3A_508, %mul3A_509 : vector<16xf32>
        %swap3A_511 = arith.index_cast %add3A_502 : i32 to index
        %swap3A_512 = arith.constant 0 : index
        %swap3A_513 = tpu.vector_load %arg11[%swap3A_511, %swap3A_512] {strides = array<i32>} : memref<80x64xf32, #tpu.memory_space<vmem>>, vector<1x16xf32>,
        %swap3A_514 = vector.shape_cast %swap3A_513 : vector<1x16xf32> to vector<16xf32>
        %swap3A_515 = vector.shape_cast %mul3A_510 : vector<16xf32> to vector<1x16xf32>
        tpu.vector_store %arg11[%swap3A_511, %swap3A_512], %swap3A_515 {strides = array<i32>} : memref<80x64xf32, #tpu.memory_space<vmem>>, vector<1x16xf32>,
        %get3A_516 = arith.index_cast %add3A_502 : i32 to index
        %get3A_517 = arith.constant 16 : index
        %get3A_518 = tpu.vector_load %arg9[%get3A_516, %get3A_517] {strides = array<i32>} : memref<80x64xf32, #tpu.memory_space<vmem>>, vector<1x16xf32>,
        %get3A_519 = vector.shape_cast %get3A_518 : vector<1x16xf32> to vector<16xf32>
        %mul3A_520 = vector.broadcast %squeeze3A_504 : f32 to vector<16xf32>
        %mul3A_521 = arith.mulf %get3A_519, %mul3A_520 : vector<16xf32>
        %swap3A_522 = arith.index_cast %add3A_502 : i32 to index
        %swap3A_523 = arith.constant 16 : index
        %swap3A_524 = tpu.vector_load %arg11[%swap3A_522, %swap3A_523] {strides = array<i32>} : memref<80x64xf32, #tpu.memory_space<vmem>>, vector<1x16xf32>,
        %swap3A_525 = vector.shape_cast %swap3A_524 : vector<1x16xf32> to vector<16xf32>
        %swap3A_526 = vector.shape_cast %mul3A_521 : vector<16xf32> to vector<1x16xf32>
        tpu.vector_store %arg11[%swap3A_522, %swap3A_523], %swap3A_526 {strides = array<i32>} : memref<80x64xf32, #tpu.memory_space<vmem>>, vector<1x16xf32>,
        %get3A_527 = arith.index_cast %add3A_502 : i32 to index
        %get3A_528 = arith.constant 32 : index
        %get3A_529 = tpu.vector_load %arg9[%get3A_527, %get3A_528] {strides = array<i32>} : memref<80x64xf32, #tpu.memory_space<vmem>>, vector<1x16xf32>,
        %get3A_530 = vector.shape_cast %get3A_529 : vector<1x16xf32> to vector<16xf32>
        %mul3A_531 = vector.broadcast %squeeze3A_504 : f32 to vector<16xf32>
        %mul3A_532 = arith.mulf %get3A_530, %mul3A_531 : vector<16xf32>
        %swap3A_533 = arith.index_cast %add3A_502 : i32 to index
        %swap3A_534 = arith.constant 32 : index
        %swap3A_535 = tpu.vector_load %arg11[%swap3A_533, %swap3A_534] {strides = array<i32>} : memref<80x64xf32, #tpu.memory_space<vmem>>, vector<1x16xf32>,
        %swap3A_536 = vector.shape_cast %swap3A_535 : vector<1x16xf32> to vector<16xf32>
        %swap3A_537 = vector.shape_cast %mul3A_532 : vector<16xf32> to vector<1x16xf32>
        tpu.vector_store %arg11[%swap3A_533, %swap3A_534], %swap3A_537 {strides = array<i32>} : memref<80x64xf32, #tpu.memory_space<vmem>>, vector<1x16xf32>,
        %get3A_538 = arith.index_cast %add3A_502 : i32 to index
        %get3A_539 = arith.constant 48 : index
        %get3A_540 = tpu.vector_load %arg9[%get3A_538, %get3A_539] {strides = array<i32>} : memref<80x64xf32, #tpu.memory_space<vmem>>, vector<1x16xf32>,
        %get3A_541 = vector.shape_cast %get3A_540 : vector<1x16xf32> to vector<16xf32>
        %mul3A_542 = vector.broadcast %squeeze3A_504 : f32 to vector<16xf32>
        %mul3A_543 = arith.mulf %get3A_541, %mul3A_542 : vector<16xf32>
        %swap3A_544 = arith.index_cast %add3A_502 : i32 to index
        %swap3A_545 = arith.constant 48 : index
        %swap3A_546 = tpu.vector_load %arg11[%swap3A_544, %swap3A_545] {strides = array<i32>} : memref<80x64xf32, #tpu.memory_space<vmem>>, vector<1x16xf32>,
        %swap3A_547 = vector.shape_cast %swap3A_546 : vector<1x16xf32> to vector<16xf32>
        %swap3A_548 = vector.shape_cast %mul3A_543 : vector<16xf32> to vector<1x16xf32>
        tpu.vector_store %arg11[%swap3A_544, %swap3A_545], %swap3A_548 {strides = array<i32>} : memref<80x64xf32, #tpu.memory_space<vmem>>, vector<1x16xf32>,
        %mul3A_549 = arith.constant 16 : i32
        %mul3A_550 = arith.muli %scan3A_195, %mul3A_549 : i32
        %add3A_551 = arith.constant 7 : i32
        %add3A_552 = arith.addi %mul3A_550, %add3A_551 : i32
        %slice3A_553 = vector.extract_strided_slice %get3A_201 {offsets = [7], sizes = [1], strides = [1]} : vector<16xf32> to vector<1xf32>
        %squeeze3A_554 = vector.extract %slice3A_553[0] : f32 from vector<1xf32>
        %get3A_555 = arith.index_cast %add3A_552 : i32 to index
        %get3A_556 = arith.constant 0 : index
        %get3A_557 = tpu.vector_load %arg9[%get3A_555, %get3A_556] {strides = array<i32>} : memref<80x64xf32, #tpu.memory_space<vmem>>, vector<1x16xf32>,
        %get3A_558 = vector.shape_cast %get3A_557 : vector<1x16xf32> to vector<16xf32>
        %mul3A_559 = vector.broadcast %squeeze3A_554 : f32 to vector<16xf32>
        %mul3A_560 = arith.mulf %get3A_558, %mul3A_559 : vector<16xf32>
        %swap3A_561 = arith.index_cast %add3A_552 : i32 to index
        %swap3A_562 = arith.constant 0 : index
        %swap3A_563 = tpu.vector_load %arg11[%swap3A_561, %swap3A_562] {strides = array<i32>} : memref<80x64xf32, #tpu.memory_space<vmem>>, vector<1x16xf32>,
        %swap3A_564 = vector.shape_cast %swap3A_563 : vector<1x16xf32> to vector<16xf32>
        %swap3A_565 = vector.shape_cast %mul3A_560 : vector<16xf32> to vector<1x16xf32>
        tpu.vector_store %arg11[%swap3A_561, %swap3A_562], %swap3A_565 {strides = array<i32>} : memref<80x64xf32, #tpu.memory_space<vmem>>, vector<1x16xf32>,
        %get3A_566 = arith.index_cast %add3A_552 : i32 to index
        %get3A_567 = arith.constant 16 : index
        %get3A_568 = tpu.vector_load %arg9[%get3A_566, %get3A_567] {strides = array<i32>} : memref<80x64xf32, #tpu.memory_space<vmem>>, vector<1x16xf32>,
        %get3A_569 = vector.shape_cast %get3A_568 : vector<1x16xf32> to vector<16xf32>
        %mul3A_570 = vector.broadcast %squeeze3A_554 : f32 to vector<16xf32>
        %mul3A_571 = arith.mulf %get3A_569, %mul3A_570 : vector<16xf32>
        %swap3A_572 = arith.index_cast %add3A_552 : i32 to index
        %swap3A_573 = arith.constant 16 : index
        %swap3A_574 = tpu.vector_load %arg11[%swap3A_572, %swap3A_573] {strides = array<i32>} : memref<80x64xf32, #tpu.memory_space<vmem>>, vector<1x16xf32>,
        %swap3A_575 = vector.shape_cast %swap3A_574 : vector<1x16xf32> to vector<16xf32>
        %swap3A_576 = vector.shape_cast %mul3A_571 : vector<16xf32> to vector<1x16xf32>
        tpu.vector_store %arg11[%swap3A_572, %swap3A_573], %swap3A_576 {strides = array<i32>} : memref<80x64xf32, #tpu.memory_space<vmem>>, vector<1x16xf32>,
        %get3A_577 = arith.index_cast %add3A_552 : i32 to index
        %get3A_578 = arith.constant 32 : index
        %get3A_579 = tpu.vector_load %arg9[%get3A_577, %get3A_578] {strides = array<i32>} : memref<80x64xf32, #tpu.memory_space<vmem>>, vector<1x16xf32>,
        %get3A_580 = vector.shape_cast %get3A_579 : vector<1x16xf32> to vector<16xf32>
        %mul3A_581 = vector.broadcast %squeeze3A_554 : f32 to vector<16xf32>
        %mul3A_582 = arith.mulf %get3A_580, %mul3A_581 : vector<16xf32>
        %swap3A_583 = arith.index_cast %add3A_552 : i32 to index
        %swap3A_584 = arith.constant 32 : index
        %swap3A_585 = tpu.vector_load %arg11[%swap3A_583, %swap3A_584] {strides = array<i32>} : memref<80x64xf32, #tpu.memory_space<vmem>>, vector<1x16xf32>,
        %swap3A_586 = vector.shape_cast %swap3A_585 : vector<1x16xf32> to vector<16xf32>
        %swap3A_587 = vector.shape_cast %mul3A_582 : vector<16xf32> to vector<1x16xf32>
        tpu.vector_store %arg11[%swap3A_583, %swap3A_584], %swap3A_587 {strides = array<i32>} : memref<80x64xf32, #tpu.memory_space<vmem>>, vector<1x16xf32>,
        %get3A_588 = arith.index_cast %add3A_552 : i32 to index
        %get3A_589 = arith.constant 48 : index
        %get3A_590 = tpu.vector_load %arg9[%get3A_588, %get3A_589] {strides = array<i32>} : memref<80x64xf32, #tpu.memory_space<vmem>>, vector<1x16xf32>,
        %get3A_591 = vector.shape_cast %get3A_590 : vector<1x16xf32> to vector<16xf32>
        %mul3A_592 = vector.broadcast %squeeze3A_554 : f32 to vector<16xf32>
        %mul3A_593 = arith.mulf %get3A_591, %mul3A_592 : vector<16xf32>
        %swap3A_594 = arith.index_cast %add3A_552 : i32 to index
        %swap3A_595 = arith.constant 48 : index
        %swap3A_596 = tpu.vector_load %arg11[%swap3A_594, %swap3A_595] {strides = array<i32>} : memref<80x64xf32, #tpu.memory_space<vmem>>, vector<1x16xf32>,
        %swap3A_597 = vector.shape_cast %swap3A_596 : vector<1x16xf32> to vector<16xf32>
        %swap3A_598 = vector.shape_cast %mul3A_593 : vector<16xf32> to vector<1x16xf32>
        tpu.vector_store %arg11[%swap3A_594, %swap3A_595], %swap3A_598 {strides = array<i32>} : memref<80x64xf32, #tpu.memory_space<vmem>>, vector<1x16xf32>,
        %mul3A_599 = arith.constant 16 : i32
        %mul3A_600 = arith.muli %scan3A_195, %mul3A_599 : i32
        %add3A_601 = arith.constant 8 : i32
        %add3A_602 = arith.addi %mul3A_600, %add3A_601 : i32
        %slice3A_603 = vector.extract_strided_slice %get3A_201 {offsets = [8], sizes = [1], strides = [1]} : vector<16xf32> to vector<1xf32>
        %squeeze3A_604 = vector.extract %slice3A_603[0] : f32 from vector<1xf32>
        %get3A_605 = arith.index_cast %add3A_602 : i32 to index
        %get3A_606 = arith.constant 0 : index
        %get3A_607 = tpu.vector_load %arg9[%get3A_605, %get3A_606] {strides = array<i32>} : memref<80x64xf32, #tpu.memory_space<vmem>>, vector<1x16xf32>,
        %get3A_608 = vector.shape_cast %get3A_607 : vector<1x16xf32> to vector<16xf32>
        %mul3A_609 = vector.broadcast %squeeze3A_604 : f32 to vector<16xf32>
        %mul3A_610 = arith.mulf %get3A_608, %mul3A_609 : vector<16xf32>
        %swap3A_611 = arith.index_cast %add3A_602 : i32 to index
        %swap3A_612 = arith.constant 0 : index
        %swap3A_613 = tpu.vector_load %arg11[%swap3A_611, %swap3A_612] {strides = array<i32>} : memref<80x64xf32, #tpu.memory_space<vmem>>, vector<1x16xf32>,
        %swap3A_614 = vector.shape_cast %swap3A_613 : vector<1x16xf32> to vector<16xf32>
        %swap3A_615 = vector.shape_cast %mul3A_610 : vector<16xf32> to vector<1x16xf32>
        tpu.vector_store %arg11[%swap3A_611, %swap3A_612], %swap3A_615 {strides = array<i32>} : memref<80x64xf32, #tpu.memory_space<vmem>>, vector<1x16xf32>,
        %get3A_616 = arith.index_cast %add3A_602 : i32 to index
        %get3A_617 = arith.constant 16 : index
        %get3A_618 = tpu.vector_load %arg9[%get3A_616, %get3A_617] {strides = array<i32>} : memref<80x64xf32, #tpu.memory_space<vmem>>, vector<1x16xf32>,
        %get3A_619 = vector.shape_cast %get3A_618 : vector<1x16xf32> to vector<16xf32>
        %mul3A_620 = vector.broadcast %squeeze3A_604 : f32 to vector<16xf32>
        %mul3A_621 = arith.mulf %get3A_619, %mul3A_620 : vector<16xf32>
        %swap3A_622 = arith.index_cast %add3A_602 : i32 to index
        %swap3A_623 = arith.constant 16 : index
        %swap3A_624 = tpu.vector_load %arg11[%swap3A_622, %swap3A_623] {strides = array<i32>} : memref<80x64xf32, #tpu.memory_space<vmem>>, vector<1x16xf32>,
        %swap3A_625 = vector.shape_cast %swap3A_624 : vector<1x16xf32> to vector<16xf32>
        %swap3A_626 = vector.shape_cast %mul3A_621 : vector<16xf32> to vector<1x16xf32>
        tpu.vector_store %arg11[%swap3A_622, %swap3A_623], %swap3A_626 {strides = array<i32>} : memref<80x64xf32, #tpu.memory_space<vmem>>, vector<1x16xf32>,
        %get3A_627 = arith.index_cast %add3A_602 : i32 to index
        %get3A_628 = arith.constant 32 : index
        %get3A_629 = tpu.vector_load %arg9[%get3A_627, %get3A_628] {strides = array<i32>} : memref<80x64xf32, #tpu.memory_space<vmem>>, vector<1x16xf32>,
        %get3A_630 = vector.shape_cast %get3A_629 : vector<1x16xf32> to vector<16xf32>
        %mul3A_631 = vector.broadcast %squeeze3A_604 : f32 to vector<16xf32>
        %mul3A_632 = arith.mulf %get3A_630, %mul3A_631 : vector<16xf32>
        %swap3A_633 = arith.index_cast %add3A_602 : i32 to index
        %swap3A_634 = arith.constant 32 : index
        %swap3A_635 = tpu.vector_load %arg11[%swap3A_633, %swap3A_634] {strides = array<i32>} : memref<80x64xf32, #tpu.memory_space<vmem>>, vector<1x16xf32>,
        %swap3A_636 = vector.shape_cast %swap3A_635 : vector<1x16xf32> to vector<16xf32>
        %swap3A_637 = vector.shape_cast %mul3A_632 : vector<16xf32> to vector<1x16xf32>
        tpu.vector_store %arg11[%swap3A_633, %swap3A_634], %swap3A_637 {strides = array<i32>} : memref<80x64xf32, #tpu.memory_space<vmem>>, vector<1x16xf32>,
        %get3A_638 = arith.index_cast %add3A_602 : i32 to index
        %get3A_639 = arith.constant 48 : index
        %get3A_640 = tpu.vector_load %arg9[%get3A_638, %get3A_639] {strides = array<i32>} : memref<80x64xf32, #tpu.memory_space<vmem>>, vector<1x16xf32>,
        %get3A_641 = vector.shape_cast %get3A_640 : vector<1x16xf32> to vector<16xf32>
        %mul3A_642 = vector.broadcast %squeeze3A_604 : f32 to vector<16xf32>
        %mul3A_643 = arith.mulf %get3A_641, %mul3A_642 : vector<16xf32>
        %swap3A_644 = arith.index_cast %add3A_602 : i32 to index
        %swap3A_645 = arith.constant 48 : index
        %swap3A_646 = tpu.vector_load %arg11[%swap3A_644, %swap3A_645] {strides = array<i32>} : memref<80x64xf32, #tpu.memory_space<vmem>>, vector<1x16xf32>,
        %swap3A_647 = vector.shape_cast %swap3A_646 : vector<1x16xf32> to vector<16xf32>
        %swap3A_648 = vector.shape_cast %mul3A_643 : vector<16xf32> to vector<1x16xf32>
        tpu.vector_store %arg11[%swap3A_644, %swap3A_645], %swap3A_648 {strides = array<i32>} : memref<80x64xf32, #tpu.memory_space<vmem>>, vector<1x16xf32>,
        %mul3A_649 = arith.constant 16 : i32
        %mul3A_650 = arith.muli %scan3A_195, %mul3A_649 : i32
        %add3A_651 = arith.constant 9 : i32
        %add3A_652 = arith.addi %mul3A_650, %add3A_651 : i32
        %slice3A_653 = vector.extract_strided_slice %get3A_201 {offsets = [9], sizes = [1], strides = [1]} : vector<16xf32> to vector<1xf32>
        %squeeze3A_654 = vector.extract %slice3A_653[0] : f32 from vector<1xf32>
        %get3A_655 = arith.index_cast %add3A_652 : i32 to index
        %get3A_656 = arith.constant 0 : index
        %get3A_657 = tpu.vector_load %arg9[%get3A_655, %get3A_656] {strides = array<i32>} : memref<80x64xf32, #tpu.memory_space<vmem>>, vector<1x16xf32>,
        %get3A_658 = vector.shape_cast %get3A_657 : vector<1x16xf32> to vector<16xf32>
        %mul3A_659 = vector.broadcast %squeeze3A_654 : f32 to vector<16xf32>
        %mul3A_660 = arith.mulf %get3A_658, %mul3A_659 : vector<16xf32>
        %swap3A_661 = arith.index_cast %add3A_652 : i32 to index
        %swap3A_662 = arith.constant 0 : index
        %swap3A_663 = tpu.vector_load %arg11[%swap3A_661, %swap3A_662] {strides = array<i32>} : memref<80x64xf32, #tpu.memory_space<vmem>>, vector<1x16xf32>,
        %swap3A_664 = vector.shape_cast %swap3A_663 : vector<1x16xf32> to vector<16xf32>
        %swap3A_665 = vector.shape_cast %mul3A_660 : vector<16xf32> to vector<1x16xf32>
        tpu.vector_store %arg11[%swap3A_661, %swap3A_662], %swap3A_665 {strides = array<i32>} : memref<80x64xf32, #tpu.memory_space<vmem>>, vector<1x16xf32>,
        %get3A_666 = arith.index_cast %add3A_652 : i32 to index
        %get3A_667 = arith.constant 16 : index
        %get3A_668 = tpu.vector_load %arg9[%get3A_666, %get3A_667] {strides = array<i32>} : memref<80x64xf32, #tpu.memory_space<vmem>>, vector<1x16xf32>,
        %get3A_669 = vector.shape_cast %get3A_668 : vector<1x16xf32> to vector<16xf32>
        %mul3A_670 = vector.broadcast %squeeze3A_654 : f32 to vector<16xf32>
        %mul3A_671 = arith.mulf %get3A_669, %mul3A_670 : vector<16xf32>
        %swap3A_672 = arith.index_cast %add3A_652 : i32 to index
        %swap3A_673 = arith.constant 16 : index
        %swap3A_674 = tpu.vector_load %arg11[%swap3A_672, %swap3A_673] {strides = array<i32>} : memref<80x64xf32, #tpu.memory_space<vmem>>, vector<1x16xf32>,
        %swap3A_675 = vector.shape_cast %swap3A_674 : vector<1x16xf32> to vector<16xf32>
        %swap3A_676 = vector.shape_cast %mul3A_671 : vector<16xf32> to vector<1x16xf32>
        tpu.vector_store %arg11[%swap3A_672, %swap3A_673], %swap3A_676 {strides = array<i32>} : memref<80x64xf32, #tpu.memory_space<vmem>>, vector<1x16xf32>,
        %get3A_677 = arith.index_cast %add3A_652 : i32 to index
        %get3A_678 = arith.constant 32 : index
        %get3A_679 = tpu.vector_load %arg9[%get3A_677, %get3A_678] {strides = array<i32>} : memref<80x64xf32, #tpu.memory_space<vmem>>, vector<1x16xf32>,
        %get3A_680 = vector.shape_cast %get3A_679 : vector<1x16xf32> to vector<16xf32>
        %mul3A_681 = vector.broadcast %squeeze3A_654 : f32 to vector<16xf32>
        %mul3A_682 = arith.mulf %get3A_680, %mul3A_681 : vector<16xf32>
        %swap3A_683 = arith.index_cast %add3A_652 : i32 to index
        %swap3A_684 = arith.constant 32 : index
        %swap3A_685 = tpu.vector_load %arg11[%swap3A_683, %swap3A_684] {strides = array<i32>} : memref<80x64xf32, #tpu.memory_space<vmem>>, vector<1x16xf32>,
        %swap3A_686 = vector.shape_cast %swap3A_685 : vector<1x16xf32> to vector<16xf32>
        %swap3A_687 = vector.shape_cast %mul3A_682 : vector<16xf32> to vector<1x16xf32>
        tpu.vector_store %arg11[%swap3A_683, %swap3A_684], %swap3A_687 {strides = array<i32>} : memref<80x64xf32, #tpu.memory_space<vmem>>, vector<1x16xf32>,
        %get3A_688 = arith.index_cast %add3A_652 : i32 to index
        %get3A_689 = arith.constant 48 : index
        %get3A_690 = tpu.vector_load %arg9[%get3A_688, %get3A_689] {strides = array<i32>} : memref<80x64xf32, #tpu.memory_space<vmem>>, vector<1x16xf32>,
        %get3A_691 = vector.shape_cast %get3A_690 : vector<1x16xf32> to vector<16xf32>
        %mul3A_692 = vector.broadcast %squeeze3A_654 : f32 to vector<16xf32>
        %mul3A_693 = arith.mulf %get3A_691, %mul3A_692 : vector<16xf32>
        %swap3A_694 = arith.index_cast %add3A_652 : i32 to index
        %swap3A_695 = arith.constant 48 : index
        %swap3A_696 = tpu.vector_load %arg11[%swap3A_694, %swap3A_695] {strides = array<i32>} : memref<80x64xf32, #tpu.memory_space<vmem>>, vector<1x16xf32>,
        %swap3A_697 = vector.shape_cast %swap3A_696 : vector<1x16xf32> to vector<16xf32>
        %swap3A_698 = vector.shape_cast %mul3A_693 : vector<16xf32> to vector<1x16xf32>
        tpu.vector_store %arg11[%swap3A_694, %swap3A_695], %swap3A_698 {strides = array<i32>} : memref<80x64xf32, #tpu.memory_space<vmem>>, vector<1x16xf32>,
        %mul3A_699 = arith.constant 16 : i32
        %mul3A_700 = arith.muli %scan3A_195, %mul3A_699 : i32
        %add3A_701 = arith.constant 10 : i32
        %add3A_702 = arith.addi %mul3A_700, %add3A_701 : i32
        %slice3A_703 = vector.extract_strided_slice %get3A_201 {offsets = [10], sizes = [1], strides = [1]} : vector<16xf32> to vector<1xf32>
        %squeeze3A_704 = vector.extract %slice3A_703[0] : f32 from vector<1xf32>
        %get3A_705 = arith.index_cast %add3A_702 : i32 to index
        %get3A_706 = arith.constant 0 : index
        %get3A_707 = tpu.vector_load %arg9[%get3A_705, %get3A_706] {strides = array<i32>} : memref<80x64xf32, #tpu.memory_space<vmem>>, vector<1x16xf32>,
        %get3A_708 = vector.shape_cast %get3A_707 : vector<1x16xf32> to vector<16xf32>
        %mul3A_709 = vector.broadcast %squeeze3A_704 : f32 to vector<16xf32>
        %mul3A_710 = arith.mulf %get3A_708, %mul3A_709 : vector<16xf32>
        %swap3A_711 = arith.index_cast %add3A_702 : i32 to index
        %swap3A_712 = arith.constant 0 : index
        %swap3A_713 = tpu.vector_load %arg11[%swap3A_711, %swap3A_712] {strides = array<i32>} : memref<80x64xf32, #tpu.memory_space<vmem>>, vector<1x16xf32>,
        %swap3A_714 = vector.shape_cast %swap3A_713 : vector<1x16xf32> to vector<16xf32>
        %swap3A_715 = vector.shape_cast %mul3A_710 : vector<16xf32> to vector<1x16xf32>
        tpu.vector_store %arg11[%swap3A_711, %swap3A_712], %swap3A_715 {strides = array<i32>} : memref<80x64xf32, #tpu.memory_space<vmem>>, vector<1x16xf32>,
        %get3A_716 = arith.index_cast %add3A_702 : i32 to index
        %get3A_717 = arith.constant 16 : index
        %get3A_718 = tpu.vector_load %arg9[%get3A_716, %get3A_717] {strides = array<i32>} : memref<80x64xf32, #tpu.memory_space<vmem>>, vector<1x16xf32>,
        %get3A_719 = vector.shape_cast %get3A_718 : vector<1x16xf32> to vector<16xf32>
        %mul3A_720 = vector.broadcast %squeeze3A_704 : f32 to vector<16xf32>
        %mul3A_721 = arith.mulf %get3A_719, %mul3A_720 : vector<16xf32>
        %swap3A_722 = arith.index_cast %add3A_702 : i32 to index
        %swap3A_723 = arith.constant 16 : index
        %swap3A_724 = tpu.vector_load %arg11[%swap3A_722, %swap3A_723] {strides = array<i32>} : memref<80x64xf32, #tpu.memory_space<vmem>>, vector<1x16xf32>,
        %swap3A_725 = vector.shape_cast %swap3A_724 : vector<1x16xf32> to vector<16xf32>
        %swap3A_726 = vector.shape_cast %mul3A_721 : vector<16xf32> to vector<1x16xf32>
        tpu.vector_store %arg11[%swap3A_722, %swap3A_723], %swap3A_726 {strides = array<i32>} : memref<80x64xf32, #tpu.memory_space<vmem>>, vector<1x16xf32>,
        %get3A_727 = arith.index_cast %add3A_702 : i32 to index
        %get3A_728 = arith.constant 32 : index
        %get3A_729 = tpu.vector_load %arg9[%get3A_727, %get3A_728] {strides = array<i32>} : memref<80x64xf32, #tpu.memory_space<vmem>>, vector<1x16xf32>,
        %get3A_730 = vector.shape_cast %get3A_729 : vector<1x16xf32> to vector<16xf32>
        %mul3A_731 = vector.broadcast %squeeze3A_704 : f32 to vector<16xf32>
        %mul3A_732 = arith.mulf %get3A_730, %mul3A_731 : vector<16xf32>
        %swap3A_733 = arith.index_cast %add3A_702 : i32 to index
        %swap3A_734 = arith.constant 32 : index
        %swap3A_735 = tpu.vector_load %arg11[%swap3A_733, %swap3A_734] {strides = array<i32>} : memref<80x64xf32, #tpu.memory_space<vmem>>, vector<1x16xf32>,
        %swap3A_736 = vector.shape_cast %swap3A_735 : vector<1x16xf32> to vector<16xf32>
        %swap3A_737 = vector.shape_cast %mul3A_732 : vector<16xf32> to vector<1x16xf32>
        tpu.vector_store %arg11[%swap3A_733, %swap3A_734], %swap3A_737 {strides = array<i32>} : memref<80x64xf32, #tpu.memory_space<vmem>>, vector<1x16xf32>,
        %get3A_738 = arith.index_cast %add3A_702 : i32 to index
        %get3A_739 = arith.constant 48 : index
        %get3A_740 = tpu.vector_load %arg9[%get3A_738, %get3A_739] {strides = array<i32>} : memref<80x64xf32, #tpu.memory_space<vmem>>, vector<1x16xf32>,
        %get3A_741 = vector.shape_cast %get3A_740 : vector<1x16xf32> to vector<16xf32>
        %mul3A_742 = vector.broadcast %squeeze3A_704 : f32 to vector<16xf32>
        %mul3A_743 = arith.mulf %get3A_741, %mul3A_742 : vector<16xf32>
        %swap3A_744 = arith.index_cast %add3A_702 : i32 to index
        %swap3A_745 = arith.constant 48 : index
        %swap3A_746 = tpu.vector_load %arg11[%swap3A_744, %swap3A_745] {strides = array<i32>} : memref<80x64xf32, #tpu.memory_space<vmem>>, vector<1x16xf32>,
        %swap3A_747 = vector.shape_cast %swap3A_746 : vector<1x16xf32> to vector<16xf32>
        %swap3A_748 = vector.shape_cast %mul3A_743 : vector<16xf32> to vector<1x16xf32>
        tpu.vector_store %arg11[%swap3A_744, %swap3A_745], %swap3A_748 {strides = array<i32>} : memref<80x64xf32, #tpu.memory_space<vmem>>, vector<1x16xf32>,
        %mul3A_749 = arith.constant 16 : i32
        %mul3A_750 = arith.muli %scan3A_195, %mul3A_749 : i32
        %add3A_751 = arith.constant 11 : i32
        %add3A_752 = arith.addi %mul3A_750, %add3A_751 : i32
        %slice3A_753 = vector.extract_strided_slice %get3A_201 {offsets = [11], sizes = [1], strides = [1]} : vector<16xf32> to vector<1xf32>
        %squeeze3A_754 = vector.extract %slice3A_753[0] : f32 from vector<1xf32>
        %get3A_755 = arith.index_cast %add3A_752 : i32 to index
        %get3A_756 = arith.constant 0 : index
        %get3A_757 = tpu.vector_load %arg9[%get3A_755, %get3A_756] {strides = array<i32>} : memref<80x64xf32, #tpu.memory_space<vmem>>, vector<1x16xf32>,
        %get3A_758 = vector.shape_cast %get3A_757 : vector<1x16xf32> to vector<16xf32>
        %mul3A_759 = vector.broadcast %squeeze3A_754 : f32 to vector<16xf32>
        %mul3A_760 = arith.mulf %get3A_758, %mul3A_759 : vector<16xf32>
        %swap3A_761 = arith.index_cast %add3A_752 : i32 to index
        %swap3A_762 = arith.constant 0 : index
        %swap3A_763 = tpu.vector_load %arg11[%swap3A_761, %swap3A_762] {strides = array<i32>} : memref<80x64xf32, #tpu.memory_space<vmem>>, vector<1x16xf32>,
        %swap3A_764 = vector.shape_cast %swap3A_763 : vector<1x16xf32> to vector<16xf32>
        %swap3A_765 = vector.shape_cast %mul3A_760 : vector<16xf32> to vector<1x16xf32>
        tpu.vector_store %arg11[%swap3A_761, %swap3A_762], %swap3A_765 {strides = array<i32>} : memref<80x64xf32, #tpu.memory_space<vmem>>, vector<1x16xf32>,
        %get3A_766 = arith.index_cast %add3A_752 : i32 to index
        %get3A_767 = arith.constant 16 : index
        %get3A_768 = tpu.vector_load %arg9[%get3A_766, %get3A_767] {strides = array<i32>} : memref<80x64xf32, #tpu.memory_space<vmem>>, vector<1x16xf32>,
        %get3A_769 = vector.shape_cast %get3A_768 : vector<1x16xf32> to vector<16xf32>
        %mul3A_770 = vector.broadcast %squeeze3A_754 : f32 to vector<16xf32>
        %mul3A_771 = arith.mulf %get3A_769, %mul3A_770 : vector<16xf32>
        %swap3A_772 = arith.index_cast %add3A_752 : i32 to index
        %swap3A_773 = arith.constant 16 : index
        %swap3A_774 = tpu.vector_load %arg11[%swap3A_772, %swap3A_773] {strides = array<i32>} : memref<80x64xf32, #tpu.memory_space<vmem>>, vector<1x16xf32>,
        %swap3A_775 = vector.shape_cast %swap3A_774 : vector<1x16xf32> to vector<16xf32>
        %swap3A_776 = vector.shape_cast %mul3A_771 : vector<16xf32> to vector<1x16xf32>
        tpu.vector_store %arg11[%swap3A_772, %swap3A_773], %swap3A_776 {strides = array<i32>} : memref<80x64xf32, #tpu.memory_space<vmem>>, vector<1x16xf32>,
        %get3A_777 = arith.index_cast %add3A_752 : i32 to index
        %get3A_778 = arith.constant 32 : index
        %get3A_779 = tpu.vector_load %arg9[%get3A_777, %get3A_778] {strides = array<i32>} : memref<80x64xf32, #tpu.memory_space<vmem>>, vector<1x16xf32>,
        %get3A_780 = vector.shape_cast %get3A_779 : vector<1x16xf32> to vector<16xf32>
        %mul3A_781 = vector.broadcast %squeeze3A_754 : f32 to vector<16xf32>
        %mul3A_782 = arith.mulf %get3A_780, %mul3A_781 : vector<16xf32>
        %swap3A_783 = arith.index_cast %add3A_752 : i32 to index
        %swap3A_784 = arith.constant 32 : index
        %swap3A_785 = tpu.vector_load %arg11[%swap3A_783, %swap3A_784] {strides = array<i32>} : memref<80x64xf32, #tpu.memory_space<vmem>>, vector<1x16xf32>,
        %swap3A_786 = vector.shape_cast %swap3A_785 : vector<1x16xf32> to vector<16xf32>
        %swap3A_787 = vector.shape_cast %mul3A_782 : vector<16xf32> to vector<1x16xf32>
        tpu.vector_store %arg11[%swap3A_783, %swap3A_784], %swap3A_787 {strides = array<i32>} : memref<80x64xf32, #tpu.memory_space<vmem>>, vector<1x16xf32>,
        %get3A_788 = arith.index_cast %add3A_752 : i32 to index
        %get3A_789 = arith.constant 48 : index
        %get3A_790 = tpu.vector_load %arg9[%get3A_788, %get3A_789] {strides = array<i32>} : memref<80x64xf32, #tpu.memory_space<vmem>>, vector<1x16xf32>,
        %get3A_791 = vector.shape_cast %get3A_790 : vector<1x16xf32> to vector<16xf32>
        %mul3A_792 = vector.broadcast %squeeze3A_754 : f32 to vector<16xf32>
        %mul3A_793 = arith.mulf %get3A_791, %mul3A_792 : vector<16xf32>
        %swap3A_794 = arith.index_cast %add3A_752 : i32 to index
        %swap3A_795 = arith.constant 48 : index
        %swap3A_796 = tpu.vector_load %arg11[%swap3A_794, %swap3A_795] {strides = array<i32>} : memref<80x64xf32, #tpu.memory_space<vmem>>, vector<1x16xf32>,
        %swap3A_797 = vector.shape_cast %swap3A_796 : vector<1x16xf32> to vector<16xf32>
        %swap3A_798 = vector.shape_cast %mul3A_793 : vector<16xf32> to vector<1x16xf32>
        tpu.vector_store %arg11[%swap3A_794, %swap3A_795], %swap3A_798 {strides = array<i32>} : memref<80x64xf32, #tpu.memory_space<vmem>>, vector<1x16xf32>,
        %mul3A_799 = arith.constant 16 : i32
        %mul3A_800 = arith.muli %scan3A_195, %mul3A_799 : i32
        %add3A_801 = arith.constant 12 : i32
        %add3A_802 = arith.addi %mul3A_800, %add3A_801 : i32
        %slice3A_803 = vector.extract_strided_slice %get3A_201 {offsets = [12], sizes = [1], strides = [1]} : vector<16xf32> to vector<1xf32>
        %squeeze3A_804 = vector.extract %slice3A_803[0] : f32 from vector<1xf32>
        %get3A_805 = arith.index_cast %add3A_802 : i32 to index
        %get3A_806 = arith.constant 0 : index
        %get3A_807 = tpu.vector_load %arg9[%get3A_805, %get3A_806] {strides = array<i32>} : memref<80x64xf32, #tpu.memory_space<vmem>>, vector<1x16xf32>,
        %get3A_808 = vector.shape_cast %get3A_807 : vector<1x16xf32> to vector<16xf32>
        %mul3A_809 = vector.broadcast %squeeze3A_804 : f32 to vector<16xf32>
        %mul3A_810 = arith.mulf %get3A_808, %mul3A_809 : vector<16xf32>
        %swap3A_811 = arith.index_cast %add3A_802 : i32 to index
        %swap3A_812 = arith.constant 0 : index
        %swap3A_813 = tpu.vector_load %arg11[%swap3A_811, %swap3A_812] {strides = array<i32>} : memref<80x64xf32, #tpu.memory_space<vmem>>, vector<1x16xf32>,
        %swap3A_814 = vector.shape_cast %swap3A_813 : vector<1x16xf32> to vector<16xf32>
        %swap3A_815 = vector.shape_cast %mul3A_810 : vector<16xf32> to vector<1x16xf32>
        tpu.vector_store %arg11[%swap3A_811, %swap3A_812], %swap3A_815 {strides = array<i32>} : memref<80x64xf32, #tpu.memory_space<vmem>>, vector<1x16xf32>,
        %get3A_816 = arith.index_cast %add3A_802 : i32 to index
        %get3A_817 = arith.constant 16 : index
        %get3A_818 = tpu.vector_load %arg9[%get3A_816, %get3A_817] {strides = array<i32>} : memref<80x64xf32, #tpu.memory_space<vmem>>, vector<1x16xf32>,
        %get3A_819 = vector.shape_cast %get3A_818 : vector<1x16xf32> to vector<16xf32>
        %mul3A_820 = vector.broadcast %squeeze3A_804 : f32 to vector<16xf32>
        %mul3A_821 = arith.mulf %get3A_819, %mul3A_820 : vector<16xf32>
        %swap3A_822 = arith.index_cast %add3A_802 : i32 to index
        %swap3A_823 = arith.constant 16 : index
        %swap3A_824 = tpu.vector_load %arg11[%swap3A_822, %swap3A_823] {strides = array<i32>} : memref<80x64xf32, #tpu.memory_space<vmem>>, vector<1x16xf32>,
        %swap3A_825 = vector.shape_cast %swap3A_824 : vector<1x16xf32> to vector<16xf32>
        %swap3A_826 = vector.shape_cast %mul3A_821 : vector<16xf32> to vector<1x16xf32>
        tpu.vector_store %arg11[%swap3A_822, %swap3A_823], %swap3A_826 {strides = array<i32>} : memref<80x64xf32, #tpu.memory_space<vmem>>, vector<1x16xf32>,
        %get3A_827 = arith.index_cast %add3A_802 : i32 to index
        %get3A_828 = arith.constant 32 : index
        %get3A_829 = tpu.vector_load %arg9[%get3A_827, %get3A_828] {strides = array<i32>} : memref<80x64xf32, #tpu.memory_space<vmem>>, vector<1x16xf32>,
        %get3A_830 = vector.shape_cast %get3A_829 : vector<1x16xf32> to vector<16xf32>
        %mul3A_831 = vector.broadcast %squeeze3A_804 : f32 to vector<16xf32>
        %mul3A_832 = arith.mulf %get3A_830, %mul3A_831 : vector<16xf32>
        %swap3A_833 = arith.index_cast %add3A_802 : i32 to index
        %swap3A_834 = arith.constant 32 : index
        %swap3A_835 = tpu.vector_load %arg11[%swap3A_833, %swap3A_834] {strides = array<i32>} : memref<80x64xf32, #tpu.memory_space<vmem>>, vector<1x16xf32>,
        %swap3A_836 = vector.shape_cast %swap3A_835 : vector<1x16xf32> to vector<16xf32>
        %swap3A_837 = vector.shape_cast %mul3A_832 : vector<16xf32> to vector<1x16xf32>
        tpu.vector_store %arg11[%swap3A_833, %swap3A_834], %swap3A_837 {strides = array<i32>} : memref<80x64xf32, #tpu.memory_space<vmem>>, vector<1x16xf32>,
        %get3A_838 = arith.index_cast %add3A_802 : i32 to index
        %get3A_839 = arith.constant 48 : index
        %get3A_840 = tpu.vector_load %arg9[%get3A_838, %get3A_839] {strides = array<i32>} : memref<80x64xf32, #tpu.memory_space<vmem>>, vector<1x16xf32>,
        %get3A_841 = vector.shape_cast %get3A_840 : vector<1x16xf32> to vector<16xf32>
        %mul3A_842 = vector.broadcast %squeeze3A_804 : f32 to vector<16xf32>
        %mul3A_843 = arith.mulf %get3A_841, %mul3A_842 : vector<16xf32>
        %swap3A_844 = arith.index_cast %add3A_802 : i32 to index
        %swap3A_845 = arith.constant 48 : index
        %swap3A_846 = tpu.vector_load %arg11[%swap3A_844, %swap3A_845] {strides = array<i32>} : memref<80x64xf32, #tpu.memory_space<vmem>>, vector<1x16xf32>,
        %swap3A_847 = vector.shape_cast %swap3A_846 : vector<1x16xf32> to vector<16xf32>
        %swap3A_848 = vector.shape_cast %mul3A_843 : vector<16xf32> to vector<1x16xf32>
        tpu.vector_store %arg11[%swap3A_844, %swap3A_845], %swap3A_848 {strides = array<i32>} : memref<80x64xf32, #tpu.memory_space<vmem>>, vector<1x16xf32>,
        %mul3A_849 = arith.constant 16 : i32
        %mul3A_850 = arith.muli %scan3A_195, %mul3A_849 : i32
        %add3A_851 = arith.constant 13 : i32
        %add3A_852 = arith.addi %mul3A_850, %add3A_851 : i32
        %slice3A_853 = vector.extract_strided_slice %get3A_201 {offsets = [13], sizes = [1], strides = [1]} : vector<16xf32> to vector<1xf32>
        %squeeze3A_854 = vector.extract %slice3A_853[0] : f32 from vector<1xf32>
        %get3A_855 = arith.index_cast %add3A_852 : i32 to index
        %get3A_856 = arith.constant 0 : index
        %get3A_857 = tpu.vector_load %arg9[%get3A_855, %get3A_856] {strides = array<i32>} : memref<80x64xf32, #tpu.memory_space<vmem>>, vector<1x16xf32>,
        %get3A_858 = vector.shape_cast %get3A_857 : vector<1x16xf32> to vector<16xf32>
        %mul3A_859 = vector.broadcast %squeeze3A_854 : f32 to vector<16xf32>
        %mul3A_860 = arith.mulf %get3A_858, %mul3A_859 : vector<16xf32>
        %swap3A_861 = arith.index_cast %add3A_852 : i32 to index
        %swap3A_862 = arith.constant 0 : index
        %swap3A_863 = tpu.vector_load %arg11[%swap3A_861, %swap3A_862] {strides = array<i32>} : memref<80x64xf32, #tpu.memory_space<vmem>>, vector<1x16xf32>,
        %swap3A_864 = vector.shape_cast %swap3A_863 : vector<1x16xf32> to vector<16xf32>
        %swap3A_865 = vector.shape_cast %mul3A_860 : vector<16xf32> to vector<1x16xf32>
        tpu.vector_store %arg11[%swap3A_861, %swap3A_862], %swap3A_865 {strides = array<i32>} : memref<80x64xf32, #tpu.memory_space<vmem>>, vector<1x16xf32>,
        %get3A_866 = arith.index_cast %add3A_852 : i32 to index
        %get3A_867 = arith.constant 16 : index
        %get3A_868 = tpu.vector_load %arg9[%get3A_866, %get3A_867] {strides = array<i32>} : memref<80x64xf32, #tpu.memory_space<vmem>>, vector<1x16xf32>,
        %get3A_869 = vector.shape_cast %get3A_868 : vector<1x16xf32> to vector<16xf32>
        %mul3A_870 = vector.broadcast %squeeze3A_854 : f32 to vector<16xf32>
        %mul3A_871 = arith.mulf %get3A_869, %mul3A_870 : vector<16xf32>
        %swap3A_872 = arith.index_cast %add3A_852 : i32 to index
        %swap3A_873 = arith.constant 16 : index
        %swap3A_874 = tpu.vector_load %arg11[%swap3A_872, %swap3A_873] {strides = array<i32>} : memref<80x64xf32, #tpu.memory_space<vmem>>, vector<1x16xf32>,
        %swap3A_875 = vector.shape_cast %swap3A_874 : vector<1x16xf32> to vector<16xf32>
        %swap3A_876 = vector.shape_cast %mul3A_871 : vector<16xf32> to vector<1x16xf32>
        tpu.vector_store %arg11[%swap3A_872, %swap3A_873], %swap3A_876 {strides = array<i32>} : memref<80x64xf32, #tpu.memory_space<vmem>>, vector<1x16xf32>,
        %get3A_877 = arith.index_cast %add3A_852 : i32 to index
        %get3A_878 = arith.constant 32 : index
        %get3A_879 = tpu.vector_load %arg9[%get3A_877, %get3A_878] {strides = array<i32>} : memref<80x64xf32, #tpu.memory_space<vmem>>, vector<1x16xf32>,
        %get3A_880 = vector.shape_cast %get3A_879 : vector<1x16xf32> to vector<16xf32>
        %mul3A_881 = vector.broadcast %squeeze3A_854 : f32 to vector<16xf32>
        %mul3A_882 = arith.mulf %get3A_880, %mul3A_881 : vector<16xf32>
        %swap3A_883 = arith.index_cast %add3A_852 : i32 to index
        %swap3A_884 = arith.constant 32 : index
        %swap3A_885 = tpu.vector_load %arg11[%swap3A_883, %swap3A_884] {strides = array<i32>} : memref<80x64xf32, #tpu.memory_space<vmem>>, vector<1x16xf32>,
        %swap3A_886 = vector.shape_cast %swap3A_885 : vector<1x16xf32> to vector<16xf32>
        %swap3A_887 = vector.shape_cast %mul3A_882 : vector<16xf32> to vector<1x16xf32>
        tpu.vector_store %arg11[%swap3A_883, %swap3A_884], %swap3A_887 {strides = array<i32>} : memref<80x64xf32, #tpu.memory_space<vmem>>, vector<1x16xf32>,
        %get3A_888 = arith.index_cast %add3A_852 : i32 to index
        %get3A_889 = arith.constant 48 : index
        %get3A_890 = tpu.vector_load %arg9[%get3A_888, %get3A_889] {strides = array<i32>} : memref<80x64xf32, #tpu.memory_space<vmem>>, vector<1x16xf32>,
        %get3A_891 = vector.shape_cast %get3A_890 : vector<1x16xf32> to vector<16xf32>
        %mul3A_892 = vector.broadcast %squeeze3A_854 : f32 to vector<16xf32>
        %mul3A_893 = arith.mulf %get3A_891, %mul3A_892 : vector<16xf32>
        %swap3A_894 = arith.index_cast %add3A_852 : i32 to index
        %swap3A_895 = arith.constant 48 : index
        %swap3A_896 = tpu.vector_load %arg11[%swap3A_894, %swap3A_895] {strides = array<i32>} : memref<80x64xf32, #tpu.memory_space<vmem>>, vector<1x16xf32>,
        %swap3A_897 = vector.shape_cast %swap3A_896 : vector<1x16xf32> to vector<16xf32>
        %swap3A_898 = vector.shape_cast %mul3A_893 : vector<16xf32> to vector<1x16xf32>
        tpu.vector_store %arg11[%swap3A_894, %swap3A_895], %swap3A_898 {strides = array<i32>} : memref<80x64xf32, #tpu.memory_space<vmem>>, vector<1x16xf32>,
        %mul3A_899 = arith.constant 16 : i32
        %mul3A_900 = arith.muli %scan3A_195, %mul3A_899 : i32
        %add3A_901 = arith.constant 14 : i32
        %add3A_902 = arith.addi %mul3A_900, %add3A_901 : i32
        %slice3A_903 = vector.extract_strided_slice %get3A_201 {offsets = [14], sizes = [1], strides = [1]} : vector<16xf32> to vector<1xf32>
        %squeeze3A_904 = vector.extract %slice3A_903[0] : f32 from vector<1xf32>
        %get3A_905 = arith.index_cast %add3A_902 : i32 to index
        %get3A_906 = arith.constant 0 : index
        %get3A_907 = tpu.vector_load %arg9[%get3A_905, %get3A_906] {strides = array<i32>} : memref<80x64xf32, #tpu.memory_space<vmem>>, vector<1x16xf32>,
        %get3A_908 = vector.shape_cast %get3A_907 : vector<1x16xf32> to vector<16xf32>
        %mul3A_909 = vector.broadcast %squeeze3A_904 : f32 to vector<16xf32>
        %mul3A_910 = arith.mulf %get3A_908, %mul3A_909 : vector<16xf32>
        %swap3A_911 = arith.index_cast %add3A_902 : i32 to index
        %swap3A_912 = arith.constant 0 : index
        %swap3A_913 = tpu.vector_load %arg11[%swap3A_911, %swap3A_912] {strides = array<i32>} : memref<80x64xf32, #tpu.memory_space<vmem>>, vector<1x16xf32>,
        %swap3A_914 = vector.shape_cast %swap3A_913 : vector<1x16xf32> to vector<16xf32>
        %swap3A_915 = vector.shape_cast %mul3A_910 : vector<16xf32> to vector<1x16xf32>
        tpu.vector_store %arg11[%swap3A_911, %swap3A_912], %swap3A_915 {strides = array<i32>} : memref<80x64xf32, #tpu.memory_space<vmem>>, vector<1x16xf32>,
        %get3A_916 = arith.index_cast %add3A_902 : i32 to index
        %get3A_917 = arith.constant 16 : index
        %get3A_918 = tpu.vector_load %arg9[%get3A_916, %get3A_917] {strides = array<i32>} : memref<80x64xf32, #tpu.memory_space<vmem>>, vector<1x16xf32>,
        %get3A_919 = vector.shape_cast %get3A_918 : vector<1x16xf32> to vector<16xf32>
        %mul3A_920 = vector.broadcast %squeeze3A_904 : f32 to vector<16xf32>
        %mul3A_921 = arith.mulf %get3A_919, %mul3A_920 : vector<16xf32>
        %swap3A_922 = arith.index_cast %add3A_902 : i32 to index
        %swap3A_923 = arith.constant 16 : index
        %swap3A_924 = tpu.vector_load %arg11[%swap3A_922, %swap3A_923] {strides = array<i32>} : memref<80x64xf32, #tpu.memory_space<vmem>>, vector<1x16xf32>,
        %swap3A_925 = vector.shape_cast %swap3A_924 : vector<1x16xf32> to vector<16xf32>
        %swap3A_926 = vector.shape_cast %mul3A_921 : vector<16xf32> to vector<1x16xf32>
        tpu.vector_store %arg11[%swap3A_922, %swap3A_923], %swap3A_926 {strides = array<i32>} : memref<80x64xf32, #tpu.memory_space<vmem>>, vector<1x16xf32>,
        %get3A_927 = arith.index_cast %add3A_902 : i32 to index
        %get3A_928 = arith.constant 32 : index
        %get3A_929 = tpu.vector_load %arg9[%get3A_927, %get3A_928] {strides = array<i32>} : memref<80x64xf32, #tpu.memory_space<vmem>>, vector<1x16xf32>,
        %get3A_930 = vector.shape_cast %get3A_929 : vector<1x16xf32> to vector<16xf32>
        %mul3A_931 = vector.broadcast %squeeze3A_904 : f32 to vector<16xf32>
        %mul3A_932 = arith.mulf %get3A_930, %mul3A_931 : vector<16xf32>
        %swap3A_933 = arith.index_cast %add3A_902 : i32 to index
        %swap3A_934 = arith.constant 32 : index
        %swap3A_935 = tpu.vector_load %arg11[%swap3A_933, %swap3A_934] {strides = array<i32>} : memref<80x64xf32, #tpu.memory_space<vmem>>, vector<1x16xf32>,
        %swap3A_936 = vector.shape_cast %swap3A_935 : vector<1x16xf32> to vector<16xf32>
        %swap3A_937 = vector.shape_cast %mul3A_932 : vector<16xf32> to vector<1x16xf32>
        tpu.vector_store %arg11[%swap3A_933, %swap3A_934], %swap3A_937 {strides = array<i32>} : memref<80x64xf32, #tpu.memory_space<vmem>>, vector<1x16xf32>,
        %get3A_938 = arith.index_cast %add3A_902 : i32 to index
        %get3A_939 = arith.constant 48 : index
        %get3A_940 = tpu.vector_load %arg9[%get3A_938, %get3A_939] {strides = array<i32>} : memref<80x64xf32, #tpu.memory_space<vmem>>, vector<1x16xf32>,
        %get3A_941 = vector.shape_cast %get3A_940 : vector<1x16xf32> to vector<16xf32>
        %mul3A_942 = vector.broadcast %squeeze3A_904 : f32 to vector<16xf32>
        %mul3A_943 = arith.mulf %get3A_941, %mul3A_942 : vector<16xf32>
        %swap3A_944 = arith.index_cast %add3A_902 : i32 to index
        %swap3A_945 = arith.constant 48 : index
        %swap3A_946 = tpu.vector_load %arg11[%swap3A_944, %swap3A_945] {strides = array<i32>} : memref<80x64xf32, #tpu.memory_space<vmem>>, vector<1x16xf32>,
        %swap3A_947 = vector.shape_cast %swap3A_946 : vector<1x16xf32> to vector<16xf32>
        %swap3A_948 = vector.shape_cast %mul3A_943 : vector<16xf32> to vector<1x16xf32>
        tpu.vector_store %arg11[%swap3A_944, %swap3A_945], %swap3A_948 {strides = array<i32>} : memref<80x64xf32, #tpu.memory_space<vmem>>, vector<1x16xf32>,
        %mul3A_949 = arith.constant 16 : i32
        %mul3A_950 = arith.muli %scan3A_195, %mul3A_949 : i32
        %add3A_951 = arith.constant 15 : i32
        %add3A_952 = arith.addi %mul3A_950, %add3A_951 : i32
        %slice3A_953 = vector.extract_strided_slice %get3A_201 {offsets = [15], sizes = [1], strides = [1]} : vector<16xf32> to vector<1xf32>
        %squeeze3A_954 = vector.extract %slice3A_953[0] : f32 from vector<1xf32>
        %get3A_955 = arith.index_cast %add3A_952 : i32 to index
        %get3A_956 = arith.constant 0 : index
        %get3A_957 = tpu.vector_load %arg9[%get3A_955, %get3A_956] {strides = array<i32>} : memref<80x64xf32, #tpu.memory_space<vmem>>, vector<1x16xf32>,
        %get3A_958 = vector.shape_cast %get3A_957 : vector<1x16xf32> to vector<16xf32>
        %mul3A_959 = vector.broadcast %squeeze3A_954 : f32 to vector<16xf32>
        %mul3A_960 = arith.mulf %get3A_958, %mul3A_959 : vector<16xf32>
        %swap3A_961 = arith.index_cast %add3A_952 : i32 to index
        %swap3A_962 = arith.constant 0 : index
        %swap3A_963 = tpu.vector_load %arg11[%swap3A_961, %swap3A_962] {strides = array<i32>} : memref<80x64xf32, #tpu.memory_space<vmem>>, vector<1x16xf32>,
        %swap3A_964 = vector.shape_cast %swap3A_963 : vector<1x16xf32> to vector<16xf32>
        %swap3A_965 = vector.shape_cast %mul3A_960 : vector<16xf32> to vector<1x16xf32>
        tpu.vector_store %arg11[%swap3A_961, %swap3A_962], %swap3A_965 {strides = array<i32>} : memref<80x64xf32, #tpu.memory_space<vmem>>, vector<1x16xf32>,
        %get3A_966 = arith.index_cast %add3A_952 : i32 to index
        %get3A_967 = arith.constant 16 : index
        %get3A_968 = tpu.vector_load %arg9[%get3A_966, %get3A_967] {strides = array<i32>} : memref<80x64xf32, #tpu.memory_space<vmem>>, vector<1x16xf32>,
        %get3A_969 = vector.shape_cast %get3A_968 : vector<1x16xf32> to vector<16xf32>
        %mul3A_970 = vector.broadcast %squeeze3A_954 : f32 to vector<16xf32>
        %mul3A_971 = arith.mulf %get3A_969, %mul3A_970 : vector<16xf32>
        %swap3A_972 = arith.index_cast %add3A_952 : i32 to index
        %swap3A_973 = arith.constant 16 : index
        %swap3A_974 = tpu.vector_load %arg11[%swap3A_972, %swap3A_973] {strides = array<i32>} : memref<80x64xf32, #tpu.memory_space<vmem>>, vector<1x16xf32>,
        %swap3A_975 = vector.shape_cast %swap3A_974 : vector<1x16xf32> to vector<16xf32>
        %swap3A_976 = vector.shape_cast %mul3A_971 : vector<16xf32> to vector<1x16xf32>
        tpu.vector_store %arg11[%swap3A_972, %swap3A_973], %swap3A_976 {strides = array<i32>} : memref<80x64xf32, #tpu.memory_space<vmem>>, vector<1x16xf32>,
        %get3A_977 = arith.index_cast %add3A_952 : i32 to index
        %get3A_978 = arith.constant 32 : index
        %get3A_979 = tpu.vector_load %arg9[%get3A_977, %get3A_978] {strides = array<i32>} : memref<80x64xf32, #tpu.memory_space<vmem>>, vector<1x16xf32>,
        %get3A_980 = vector.shape_cast %get3A_979 : vector<1x16xf32> to vector<16xf32>
        %mul3A_981 = vector.broadcast %squeeze3A_954 : f32 to vector<16xf32>
        %mul3A_982 = arith.mulf %get3A_980, %mul3A_981 : vector<16xf32>
        %swap3A_983 = arith.index_cast %add3A_952 : i32 to index
        %swap3A_984 = arith.constant 32 : index
        %swap3A_985 = tpu.vector_load %arg11[%swap3A_983, %swap3A_984] {strides = array<i32>} : memref<80x64xf32, #tpu.memory_space<vmem>>, vector<1x16xf32>,
        %swap3A_986 = vector.shape_cast %swap3A_985 : vector<1x16xf32> to vector<16xf32>
        %swap3A_987 = vector.shape_cast %mul3A_982 : vector<16xf32> to vector<1x16xf32>
        tpu.vector_store %arg11[%swap3A_983, %swap3A_984], %swap3A_987 {strides = array<i32>} : memref<80x64xf32, #tpu.memory_space<vmem>>, vector<1x16xf32>,
        %get3A_988 = arith.index_cast %add3A_952 : i32 to index
        %get3A_989 = arith.constant 48 : index
        %get3A_990 = tpu.vector_load %arg9[%get3A_988, %get3A_989] {strides = array<i32>} : memref<80x64xf32, #tpu.memory_space<vmem>>, vector<1x16xf32>,
        %get3A_991 = vector.shape_cast %get3A_990 : vector<1x16xf32> to vector<16xf32>
        %mul3A_992 = vector.broadcast %squeeze3A_954 : f32 to vector<16xf32>
        %mul3A_993 = arith.mulf %get3A_991, %mul3A_992 : vector<16xf32>
        %swap3A_994 = arith.index_cast %add3A_952 : i32 to index
        %swap3A_995 = arith.constant 48 : index
        %swap3A_996 = tpu.vector_load %arg11[%swap3A_994, %swap3A_995] {strides = array<i32>} : memref<80x64xf32, #tpu.memory_space<vmem>>, vector<1x16xf32>,
        %swap3A_997 = vector.shape_cast %swap3A_996 : vector<1x16xf32> to vector<16xf32>
        %swap3A_998 = vector.shape_cast %mul3A_993 : vector<16xf32> to vector<1x16xf32>
        tpu.vector_store %arg11[%swap3A_994, %swap3A_995], %swap3A_998 {strides = array<i32>} : memref<80x64xf32, #tpu.memory_space<vmem>>, vector<1x16xf32>,
        %scan3A_999 = arith.constant 0 : i32
        scf.yield %scan3A_999 : i32
      }
      %scan3A_138 = arith.constant 5 : i32
      %add3A_139 = arith.constant 2 : i32
      %add3A_140 = arith.addi %mul3A_119, %add3A_139 : i32
      %dma_start3A_141 = arith.constant 0 : i32
      %dma_start3A_142 = tpu.memref_slice %arg7[%add3A_140, %dma_start3A_141] : memref<252x80xi32, #tpu.memory_space<vmem>> -> memref<1x80xi32, #tpu.memory_space<vmem>>
      %dma_start3A_143 = tpu.memref_squeeze %dma_start3A_142 : memref<1x80xi32, #tpu.memory_space<vmem>> -> memref<80xi32, #tpu.memory_space<vmem>>
      %dma_start3A_144 = arith.constant 0 : i32
      %dma_start3A_145 = arith.constant 0 : i32
      %dma_start3A_146 = tpu.memref_slice %arg2[%dma_start3A_144, %dma_start3A_145] : memref<20000x64xf32, #tpu.memory_space<hbm>> -> memref<20000x64xf32, #tpu.memory_space<hbm>>
      tpu.enqueue_indirect_dma source(%dma_start3A_146 : memref<20000x64xf32, #tpu.memory_space<hbm>>) target(%arg9 : memref<80x64xf32, #tpu.memory_space<vmem>>) offsets(%dma_start3A_143 : memref<80xi32, #tpu.memory_space<vmem>>) semaphore(%arg15 : memref<!tpu.dma_semaphore, #tpu.memory_space<semaphore_mem>>)
      %dma_start3A_147 = arith.constant 0 : i32
      %dma_start3A_148 = tpu.memref_slice %arg8[%mul3A_119, %dma_start3A_147] : memref<250x80xi32, #tpu.memory_space<vmem>> -> memref<1x80xi32, #tpu.memory_space<vmem>>
      %dma_start3A_149 = tpu.memref_squeeze %dma_start3A_148 : memref<1x80xi32, #tpu.memory_space<vmem>> -> memref<80xi32, #tpu.memory_space<vmem>>
      %dma_start3A_150 = arith.constant 0 : i32
      %dma_start3A_151 = arith.constant 0 : i32
      %dma_start3A_152 = tpu.memref_slice %arg14[%dma_start3A_150, %dma_start3A_151] : memref<10000x64xf32, #tpu.memory_space<vmem_shared>> -> memref<10000x64xf32, #tpu.memory_space<vmem_shared>>
      tpu.enqueue_indirect_dma source(%arg11 : memref<80x64xf32, #tpu.memory_space<vmem>>) target(%dma_start3A_152 : memref<10000x64xf32, #tpu.memory_space<vmem_shared>>) offsets(%dma_start3A_149 : memref<80xi32, #tpu.memory_space<vmem>>) semaphore(%arg17 : memref<!tpu.dma_semaphore, #tpu.memory_space<semaphore_mem>>) {add = true}
      %add3A_153 = arith.constant 1 : i32
      %add3A_154 = arith.addi %mul3A_119, %add3A_153 : i32
      %dma_wait3A_155 = arith.constant 0 : i32
      %dma_wait3A_156 = tpu.memref_slice %arg7[%add3A_154, %dma_wait3A_155] : memref<252x80xi32, #tpu.memory_space<vmem>> -> memref<1x80xi32, #tpu.memory_space<vmem>>
      %dma_wait3A_157 = tpu.memref_squeeze %dma_wait3A_156 : memref<1x80xi32, #tpu.memory_space<vmem>> -> memref<80xi32, #tpu.memory_space<vmem>>
      %dma_wait3A_158 = arith.constant 0 : i32
      %dma_wait3A_159 = arith.constant 0 : i32
      %dma_wait3A_160 = tpu.memref_slice %arg2[%dma_wait3A_158, %dma_wait3A_159] : memref<20000x64xf32, #tpu.memory_space<hbm>> -> memref<20000x64xf32, #tpu.memory_space<hbm>>
      tpu.wait_indirect_dma semaphore(%arg16 : memref<!tpu.dma_semaphore, #tpu.memory_space<semaphore_mem>>) src(%dma_wait3A_160 : memref<20000x64xf32, #tpu.memory_space<hbm>>) dst(%arg10 : memref<80x64xf32, #tpu.memory_space<vmem>>)
      %add3A_161 = arith.constant 1 : i32
      %add3A_162 = arith.addi %mul3A_119, %add3A_161 : i32
      %dma_wait3A_163 = arith.constant 0 : i32
      %dma_wait3A_164 = tpu.memref_slice %arg8[%add3A_162, %dma_wait3A_163] : memref<250x80xi32, #tpu.memory_space<vmem>> -> memref<1x80xi32, #tpu.memory_space<vmem>>
      %dma_wait3A_165 = tpu.memref_squeeze %dma_wait3A_164 : memref<1x80xi32, #tpu.memory_space<vmem>> -> memref<80xi32, #tpu.memory_space<vmem>>
      %dma_wait3A_166 = arith.constant 0 : i32
      %dma_wait3A_167 = arith.constant 0 : i32
      %dma_wait3A_168 = tpu.memref_slice %arg14[%dma_wait3A_166, %dma_wait3A_167] : memref<10000x64xf32, #tpu.memory_space<vmem_shared>> -> memref<10000x64xf32, #tpu.memory_space<vmem_shared>>
      tpu.wait_indirect_dma semaphore(%arg18 : memref<!tpu.dma_semaphore, #tpu.memory_space<semaphore_mem>>) src(%arg12 : memref<80x64xf32, #tpu.memory_space<vmem>>) dst(%dma_wait3A_168 : memref<10000x64xf32, #tpu.memory_space<vmem_shared>>)
      %add3A_169 = arith.constant 1 : i32
      %add3A_170 = arith.addi %mul3A_119, %add3A_169 : i32
      %scan3A_171 = arith.constant 0 : i32
      %scan3A_172 = arith.constant 0 : i32
      %scan3A_173 = arith.constant 5 : i32
      %scan3A_174 = arith.addi %scan3A_172, %scan3A_173 : i32
      %scan3A_175 = arith.constant 1 : i32
      %scan3A_176 = scf.for %scan3A_195 = %scan3A_172 to %scan3A_174 step %scan3A_175 iter_args(%scan3A_196 = %scan3A_171) -> (i32)  : i32 {
        %mul3A_197 = arith.constant 16 : i32
        %mul3A_198 = arith.muli %scan3A_195, %mul3A_197 : i32
        %get3A = arith.index_cast %add3A_170 : i32 to index
        %get3A_199 = arith.index_cast %mul3A_198 : i32 to index
        %get3A_200 = tpu.vector_load %arg13[%get3A, %get3A_199] {strides = array<i32>} : memref<250x80xf32, #tpu.memory_space<vmem>>, vector<1x16xf32>,
        %get3A_201 = vector.shape_cast %get3A_200 : vector<1x16xf32> to vector<16xf32>
        %mul3A_202 = arith.constant 16 : i32
        %mul3A_203 = arith.muli %scan3A_195, %mul3A_202 : i32
        %add3A_204 = arith.constant 0 : i32
        %add3A_205 = arith.addi %mul3A_203, %add3A_204 : i32
        %slice3A = vector.extract_strided_slice %get3A_201 {offsets = [0], sizes = [1], strides = [1]} : vector<16xf32> to vector<1xf32>
        %squeeze3A = vector.extract %slice3A[0] : f32 from vector<1xf32>
        %get3A_206 = arith.index_cast %add3A_205 : i32 to index
        %get3A_207 = arith.constant 0 : index
        %get3A_208 = tpu.vector_load %arg10[%get3A_206, %get3A_207] {strides = array<i32>} : memref<80x64xf32, #tpu.memory_space<vmem>>, vector<1x16xf32>,
        %get3A_209 = vector.shape_cast %get3A_208 : vector<1x16xf32> to vector<16xf32>
        %mul3A_210 = vector.broadcast %squeeze3A : f32 to vector<16xf32>
        %mul3A_211 = arith.mulf %get3A_209, %mul3A_210 : vector<16xf32>
        %swap3A = arith.index_cast %add3A_205 : i32 to index
        %swap3A_212 = arith.constant 0 : index
        %swap3A_213 = tpu.vector_load %arg12[%swap3A, %swap3A_212] {strides = array<i32>} : memref<80x64xf32, #tpu.memory_space<vmem>>, vector<1x16xf32>,
        %swap3A_214 = vector.shape_cast %swap3A_213 : vector<1x16xf32> to vector<16xf32>
        %swap3A_215 = vector.shape_cast %mul3A_211 : vector<16xf32> to vector<1x16xf32>
        tpu.vector_store %arg12[%swap3A, %swap3A_212], %swap3A_215 {strides = array<i32>} : memref<80x64xf32, #tpu.memory_space<vmem>>, vector<1x16xf32>,
        %get3A_216 = arith.index_cast %add3A_205 : i32 to index
        %get3A_217 = arith.constant 16 : index
        %get3A_218 = tpu.vector_load %arg10[%get3A_216, %get3A_217] {strides = array<i32>} : memref<80x64xf32, #tpu.memory_space<vmem>>, vector<1x16xf32>,
        %get3A_219 = vector.shape_cast %get3A_218 : vector<1x16xf32> to vector<16xf32>
        %mul3A_220 = vector.broadcast %squeeze3A : f32 to vector<16xf32>
        %mul3A_221 = arith.mulf %get3A_219, %mul3A_220 : vector<16xf32>
        %swap3A_222 = arith.index_cast %add3A_205 : i32 to index
        %swap3A_223 = arith.constant 16 : index
        %swap3A_224 = tpu.vector_load %arg12[%swap3A_222, %swap3A_223] {strides = array<i32>} : memref<80x64xf32, #tpu.memory_space<vmem>>, vector<1x16xf32>,
        %swap3A_225 = vector.shape_cast %swap3A_224 : vector<1x16xf32> to vector<16xf32>
        %swap3A_226 = vector.shape_cast %mul3A_221 : vector<16xf32> to vector<1x16xf32>
        tpu.vector_store %arg12[%swap3A_222, %swap3A_223], %swap3A_226 {strides = array<i32>} : memref<80x64xf32, #tpu.memory_space<vmem>>, vector<1x16xf32>,
        %get3A_227 = arith.index_cast %add3A_205 : i32 to index
        %get3A_228 = arith.constant 32 : index
        %get3A_229 = tpu.vector_load %arg10[%get3A_227, %get3A_228] {strides = array<i32>} : memref<80x64xf32, #tpu.memory_space<vmem>>, vector<1x16xf32>,
        %get3A_230 = vector.shape_cast %get3A_229 : vector<1x16xf32> to vector<16xf32>
        %mul3A_231 = vector.broadcast %squeeze3A : f32 to vector<16xf32>
        %mul3A_232 = arith.mulf %get3A_230, %mul3A_231 : vector<16xf32>
        %swap3A_233 = arith.index_cast %add3A_205 : i32 to index
        %swap3A_234 = arith.constant 32 : index
        %swap3A_235 = tpu.vector_load %arg12[%swap3A_233, %swap3A_234] {strides = array<i32>} : memref<80x64xf32, #tpu.memory_space<vmem>>, vector<1x16xf32>,
        %swap3A_236 = vector.shape_cast %swap3A_235 : vector<1x16xf32> to vector<16xf32>
        %swap3A_237 = vector.shape_cast %mul3A_232 : vector<16xf32> to vector<1x16xf32>
        tpu.vector_store %arg12[%swap3A_233, %swap3A_234], %swap3A_237 {strides = array<i32>} : memref<80x64xf32, #tpu.memory_space<vmem>>, vector<1x16xf32>,
        %get3A_238 = arith.index_cast %add3A_205 : i32 to index
        %get3A_239 = arith.constant 48 : index
        %get3A_240 = tpu.vector_load %arg10[%get3A_238, %get3A_239] {strides = array<i32>} : memref<80x64xf32, #tpu.memory_space<vmem>>, vector<1x16xf32>,
        %get3A_241 = vector.shape_cast %get3A_240 : vector<1x16xf32> to vector<16xf32>
        %mul3A_242 = vector.broadcast %squeeze3A : f32 to vector<16xf32>
        %mul3A_243 = arith.mulf %get3A_241, %mul3A_242 : vector<16xf32>
        %swap3A_244 = arith.index_cast %add3A_205 : i32 to index
        %swap3A_245 = arith.constant 48 : index
        %swap3A_246 = tpu.vector_load %arg12[%swap3A_244, %swap3A_245] {strides = array<i32>} : memref<80x64xf32, #tpu.memory_space<vmem>>, vector<1x16xf32>,
        %swap3A_247 = vector.shape_cast %swap3A_246 : vector<1x16xf32> to vector<16xf32>
        %swap3A_248 = vector.shape_cast %mul3A_243 : vector<16xf32> to vector<1x16xf32>
        tpu.vector_store %arg12[%swap3A_244, %swap3A_245], %swap3A_248 {strides = array<i32>} : memref<80x64xf32, #tpu.memory_space<vmem>>, vector<1x16xf32>,
        %mul3A_249 = arith.constant 16 : i32
        %mul3A_250 = arith.muli %scan3A_195, %mul3A_249 : i32
        %add3A_251 = arith.constant 1 : i32
        %add3A_252 = arith.addi %mul3A_250, %add3A_251 : i32
        %slice3A_253 = vector.extract_strided_slice %get3A_201 {offsets = [1], sizes = [1], strides = [1]} : vector<16xf32> to vector<1xf32>
        %squeeze3A_254 = vector.extract %slice3A_253[0] : f32 from vector<1xf32>
        %get3A_255 = arith.index_cast %add3A_252 : i32 to index
        %get3A_256 = arith.constant 0 : index
        %get3A_257 = tpu.vector_load %arg10[%get3A_255, %get3A_256] {strides = array<i32>} : memref<80x64xf32, #tpu.memory_space<vmem>>, vector<1x16xf32>,
        %get3A_258 = vector.shape_cast %get3A_257 : vector<1x16xf32> to vector<16xf32>
        %mul3A_259 = vector.broadcast %squeeze3A_254 : f32 to vector<16xf32>
        %mul3A_260 = arith.mulf %get3A_258, %mul3A_259 : vector<16xf32>
        %swap3A_261 = arith.index_cast %add3A_252 : i32 to index
        %swap3A_262 = arith.constant 0 : index
        %swap3A_263 = tpu.vector_load %arg12[%swap3A_261, %swap3A_262] {strides = array<i32>} : memref<80x64xf32, #tpu.memory_space<vmem>>, vector<1x16xf32>,
        %swap3A_264 = vector.shape_cast %swap3A_263 : vector<1x16xf32> to vector<16xf32>
        %swap3A_265 = vector.shape_cast %mul3A_260 : vector<16xf32> to vector<1x16xf32>
        tpu.vector_store %arg12[%swap3A_261, %swap3A_262], %swap3A_265 {strides = array<i32>} : memref<80x64xf32, #tpu.memory_space<vmem>>, vector<1x16xf32>,
        %get3A_266 = arith.index_cast %add3A_252 : i32 to index
        %get3A_267 = arith.constant 16 : index
        %get3A_268 = tpu.vector_load %arg10[%get3A_266, %get3A_267] {strides = array<i32>} : memref<80x64xf32, #tpu.memory_space<vmem>>, vector<1x16xf32>,
        %get3A_269 = vector.shape_cast %get3A_268 : vector<1x16xf32> to vector<16xf32>
        %mul3A_270 = vector.broadcast %squeeze3A_254 : f32 to vector<16xf32>
        %mul3A_271 = arith.mulf %get3A_269, %mul3A_270 : vector<16xf32>
        %swap3A_272 = arith.index_cast %add3A_252 : i32 to index
        %swap3A_273 = arith.constant 16 : index
        %swap3A_274 = tpu.vector_load %arg12[%swap3A_272, %swap3A_273] {strides = array<i32>} : memref<80x64xf32, #tpu.memory_space<vmem>>, vector<1x16xf32>,
        %swap3A_275 = vector.shape_cast %swap3A_274 : vector<1x16xf32> to vector<16xf32>
        %swap3A_276 = vector.shape_cast %mul3A_271 : vector<16xf32> to vector<1x16xf32>
        tpu.vector_store %arg12[%swap3A_272, %swap3A_273], %swap3A_276 {strides = array<i32>} : memref<80x64xf32, #tpu.memory_space<vmem>>, vector<1x16xf32>,
        %get3A_277 = arith.index_cast %add3A_252 : i32 to index
        %get3A_278 = arith.constant 32 : index
        %get3A_279 = tpu.vector_load %arg10[%get3A_277, %get3A_278] {strides = array<i32>} : memref<80x64xf32, #tpu.memory_space<vmem>>, vector<1x16xf32>,
        %get3A_280 = vector.shape_cast %get3A_279 : vector<1x16xf32> to vector<16xf32>
        %mul3A_281 = vector.broadcast %squeeze3A_254 : f32 to vector<16xf32>
        %mul3A_282 = arith.mulf %get3A_280, %mul3A_281 : vector<16xf32>
        %swap3A_283 = arith.index_cast %add3A_252 : i32 to index
        %swap3A_284 = arith.constant 32 : index
        %swap3A_285 = tpu.vector_load %arg12[%swap3A_283, %swap3A_284] {strides = array<i32>} : memref<80x64xf32, #tpu.memory_space<vmem>>, vector<1x16xf32>,
        %swap3A_286 = vector.shape_cast %swap3A_285 : vector<1x16xf32> to vector<16xf32>
        %swap3A_287 = vector.shape_cast %mul3A_282 : vector<16xf32> to vector<1x16xf32>
        tpu.vector_store %arg12[%swap3A_283, %swap3A_284], %swap3A_287 {strides = array<i32>} : memref<80x64xf32, #tpu.memory_space<vmem>>, vector<1x16xf32>,
        %get3A_288 = arith.index_cast %add3A_252 : i32 to index
        %get3A_289 = arith.constant 48 : index
        %get3A_290 = tpu.vector_load %arg10[%get3A_288, %get3A_289] {strides = array<i32>} : memref<80x64xf32, #tpu.memory_space<vmem>>, vector<1x16xf32>,
        %get3A_291 = vector.shape_cast %get3A_290 : vector<1x16xf32> to vector<16xf32>
        %mul3A_292 = vector.broadcast %squeeze3A_254 : f32 to vector<16xf32>
        %mul3A_293 = arith.mulf %get3A_291, %mul3A_292 : vector<16xf32>
        %swap3A_294 = arith.index_cast %add3A_252 : i32 to index
        %swap3A_295 = arith.constant 48 : index
        %swap3A_296 = tpu.vector_load %arg12[%swap3A_294, %swap3A_295] {strides = array<i32>} : memref<80x64xf32, #tpu.memory_space<vmem>>, vector<1x16xf32>,
        %swap3A_297 = vector.shape_cast %swap3A_296 : vector<1x16xf32> to vector<16xf32>
        %swap3A_298 = vector.shape_cast %mul3A_293 : vector<16xf32> to vector<1x16xf32>
        tpu.vector_store %arg12[%swap3A_294, %swap3A_295], %swap3A_298 {strides = array<i32>} : memref<80x64xf32, #tpu.memory_space<vmem>>, vector<1x16xf32>,
        %mul3A_299 = arith.constant 16 : i32
        %mul3A_300 = arith.muli %scan3A_195, %mul3A_299 : i32
        %add3A_301 = arith.constant 2 : i32
        %add3A_302 = arith.addi %mul3A_300, %add3A_301 : i32
        %slice3A_303 = vector.extract_strided_slice %get3A_201 {offsets = [2], sizes = [1], strides = [1]} : vector<16xf32> to vector<1xf32>
        %squeeze3A_304 = vector.extract %slice3A_303[0] : f32 from vector<1xf32>
        %get3A_305 = arith.index_cast %add3A_302 : i32 to index
        %get3A_306 = arith.constant 0 : index
        %get3A_307 = tpu.vector_load %arg10[%get3A_305, %get3A_306] {strides = array<i32>} : memref<80x64xf32, #tpu.memory_space<vmem>>, vector<1x16xf32>,
        %get3A_308 = vector.shape_cast %get3A_307 : vector<1x16xf32> to vector<16xf32>
        %mul3A_309 = vector.broadcast %squeeze3A_304 : f32 to vector<16xf32>
        %mul3A_310 = arith.mulf %get3A_308, %mul3A_309 : vector<16xf32>
        %swap3A_311 = arith.index_cast %add3A_302 : i32 to index
        %swap3A_312 = arith.constant 0 : index
        %swap3A_313 = tpu.vector_load %arg12[%swap3A_311, %swap3A_312] {strides = array<i32>} : memref<80x64xf32, #tpu.memory_space<vmem>>, vector<1x16xf32>,
        %swap3A_314 = vector.shape_cast %swap3A_313 : vector<1x16xf32> to vector<16xf32>
        %swap3A_315 = vector.shape_cast %mul3A_310 : vector<16xf32> to vector<1x16xf32>
        tpu.vector_store %arg12[%swap3A_311, %swap3A_312], %swap3A_315 {strides = array<i32>} : memref<80x64xf32, #tpu.memory_space<vmem>>, vector<1x16xf32>,
        %get3A_316 = arith.index_cast %add3A_302 : i32 to index
        %get3A_317 = arith.constant 16 : index
        %get3A_318 = tpu.vector_load %arg10[%get3A_316, %get3A_317] {strides = array<i32>} : memref<80x64xf32, #tpu.memory_space<vmem>>, vector<1x16xf32>,
        %get3A_319 = vector.shape_cast %get3A_318 : vector<1x16xf32> to vector<16xf32>
        %mul3A_320 = vector.broadcast %squeeze3A_304 : f32 to vector<16xf32>
        %mul3A_321 = arith.mulf %get3A_319, %mul3A_320 : vector<16xf32>
        %swap3A_322 = arith.index_cast %add3A_302 : i32 to index
        %swap3A_323 = arith.constant 16 : index
        %swap3A_324 = tpu.vector_load %arg12[%swap3A_322, %swap3A_323] {strides = array<i32>} : memref<80x64xf32, #tpu.memory_space<vmem>>, vector<1x16xf32>,
        %swap3A_325 = vector.shape_cast %swap3A_324 : vector<1x16xf32> to vector<16xf32>
        %swap3A_326 = vector.shape_cast %mul3A_321 : vector<16xf32> to vector<1x16xf32>
        tpu.vector_store %arg12[%swap3A_322, %swap3A_323], %swap3A_326 {strides = array<i32>} : memref<80x64xf32, #tpu.memory_space<vmem>>, vector<1x16xf32>,
        %get3A_327 = arith.index_cast %add3A_302 : i32 to index
        %get3A_328 = arith.constant 32 : index
        %get3A_329 = tpu.vector_load %arg10[%get3A_327, %get3A_328] {strides = array<i32>} : memref<80x64xf32, #tpu.memory_space<vmem>>, vector<1x16xf32>,
        %get3A_330 = vector.shape_cast %get3A_329 : vector<1x16xf32> to vector<16xf32>
        %mul3A_331 = vector.broadcast %squeeze3A_304 : f32 to vector<16xf32>
        %mul3A_332 = arith.mulf %get3A_330, %mul3A_331 : vector<16xf32>
        %swap3A_333 = arith.index_cast %add3A_302 : i32 to index
        %swap3A_334 = arith.constant 32 : index
        %swap3A_335 = tpu.vector_load %arg12[%swap3A_333, %swap3A_334] {strides = array<i32>} : memref<80x64xf32, #tpu.memory_space<vmem>>, vector<1x16xf32>,
        %swap3A_336 = vector.shape_cast %swap3A_335 : vector<1x16xf32> to vector<16xf32>
        %swap3A_337 = vector.shape_cast %mul3A_332 : vector<16xf32> to vector<1x16xf32>
        tpu.vector_store %arg12[%swap3A_333, %swap3A_334], %swap3A_337 {strides = array<i32>} : memref<80x64xf32, #tpu.memory_space<vmem>>, vector<1x16xf32>,
        %get3A_338 = arith.index_cast %add3A_302 : i32 to index
        %get3A_339 = arith.constant 48 : index
        %get3A_340 = tpu.vector_load %arg10[%get3A_338, %get3A_339] {strides = array<i32>} : memref<80x64xf32, #tpu.memory_space<vmem>>, vector<1x16xf32>,
        %get3A_341 = vector.shape_cast %get3A_340 : vector<1x16xf32> to vector<16xf32>
        %mul3A_342 = vector.broadcast %squeeze3A_304 : f32 to vector<16xf32>
        %mul3A_343 = arith.mulf %get3A_341, %mul3A_342 : vector<16xf32>
        %swap3A_344 = arith.index_cast %add3A_302 : i32 to index
        %swap3A_345 = arith.constant 48 : index
        %swap3A_346 = tpu.vector_load %arg12[%swap3A_344, %swap3A_345] {strides = array<i32>} : memref<80x64xf32, #tpu.memory_space<vmem>>, vector<1x16xf32>,
        %swap3A_347 = vector.shape_cast %swap3A_346 : vector<1x16xf32> to vector<16xf32>
        %swap3A_348 = vector.shape_cast %mul3A_343 : vector<16xf32> to vector<1x16xf32>
        tpu.vector_store %arg12[%swap3A_344, %swap3A_345], %swap3A_348 {strides = array<i32>} : memref<80x64xf32, #tpu.memory_space<vmem>>, vector<1x16xf32>,
        %mul3A_349 = arith.constant 16 : i32
        %mul3A_350 = arith.muli %scan3A_195, %mul3A_349 : i32
        %add3A_351 = arith.constant 3 : i32
        %add3A_352 = arith.addi %mul3A_350, %add3A_351 : i32
        %slice3A_353 = vector.extract_strided_slice %get3A_201 {offsets = [3], sizes = [1], strides = [1]} : vector<16xf32> to vector<1xf32>
        %squeeze3A_354 = vector.extract %slice3A_353[0] : f32 from vector<1xf32>
        %get3A_355 = arith.index_cast %add3A_352 : i32 to index
        %get3A_356 = arith.constant 0 : index
        %get3A_357 = tpu.vector_load %arg10[%get3A_355, %get3A_356] {strides = array<i32>} : memref<80x64xf32, #tpu.memory_space<vmem>>, vector<1x16xf32>,
        %get3A_358 = vector.shape_cast %get3A_357 : vector<1x16xf32> to vector<16xf32>
        %mul3A_359 = vector.broadcast %squeeze3A_354 : f32 to vector<16xf32>
        %mul3A_360 = arith.mulf %get3A_358, %mul3A_359 : vector<16xf32>
        %swap3A_361 = arith.index_cast %add3A_352 : i32 to index
        %swap3A_362 = arith.constant 0 : index
        %swap3A_363 = tpu.vector_load %arg12[%swap3A_361, %swap3A_362] {strides = array<i32>} : memref<80x64xf32, #tpu.memory_space<vmem>>, vector<1x16xf32>,
        %swap3A_364 = vector.shape_cast %swap3A_363 : vector<1x16xf32> to vector<16xf32>
        %swap3A_365 = vector.shape_cast %mul3A_360 : vector<16xf32> to vector<1x16xf32>
        tpu.vector_store %arg12[%swap3A_361, %swap3A_362], %swap3A_365 {strides = array<i32>} : memref<80x64xf32, #tpu.memory_space<vmem>>, vector<1x16xf32>,
        %get3A_366 = arith.index_cast %add3A_352 : i32 to index
        %get3A_367 = arith.constant 16 : index
        %get3A_368 = tpu.vector_load %arg10[%get3A_366, %get3A_367] {strides = array<i32>} : memref<80x64xf32, #tpu.memory_space<vmem>>, vector<1x16xf32>,
        %get3A_369 = vector.shape_cast %get3A_368 : vector<1x16xf32> to vector<16xf32>
        %mul3A_370 = vector.broadcast %squeeze3A_354 : f32 to vector<16xf32>
        %mul3A_371 = arith.mulf %get3A_369, %mul3A_370 : vector<16xf32>
        %swap3A_372 = arith.index_cast %add3A_352 : i32 to index
        %swap3A_373 = arith.constant 16 : index
        %swap3A_374 = tpu.vector_load %arg12[%swap3A_372, %swap3A_373] {strides = array<i32>} : memref<80x64xf32, #tpu.memory_space<vmem>>, vector<1x16xf32>,
        %swap3A_375 = vector.shape_cast %swap3A_374 : vector<1x16xf32> to vector<16xf32>
        %swap3A_376 = vector.shape_cast %mul3A_371 : vector<16xf32> to vector<1x16xf32>
        tpu.vector_store %arg12[%swap3A_372, %swap3A_373], %swap3A_376 {strides = array<i32>} : memref<80x64xf32, #tpu.memory_space<vmem>>, vector<1x16xf32>,
        %get3A_377 = arith.index_cast %add3A_352 : i32 to index
        %get3A_378 = arith.constant 32 : index
        %get3A_379 = tpu.vector_load %arg10[%get3A_377, %get3A_378] {strides = array<i32>} : memref<80x64xf32, #tpu.memory_space<vmem>>, vector<1x16xf32>,
        %get3A_380 = vector.shape_cast %get3A_379 : vector<1x16xf32> to vector<16xf32>
        %mul3A_381 = vector.broadcast %squeeze3A_354 : f32 to vector<16xf32>
        %mul3A_382 = arith.mulf %get3A_380, %mul3A_381 : vector<16xf32>
        %swap3A_383 = arith.index_cast %add3A_352 : i32 to index
        %swap3A_384 = arith.constant 32 : index
        %swap3A_385 = tpu.vector_load %arg12[%swap3A_383, %swap3A_384] {strides = array<i32>} : memref<80x64xf32, #tpu.memory_space<vmem>>, vector<1x16xf32>,
        %swap3A_386 = vector.shape_cast %swap3A_385 : vector<1x16xf32> to vector<16xf32>
        %swap3A_387 = vector.shape_cast %mul3A_382 : vector<16xf32> to vector<1x16xf32>
        tpu.vector_store %arg12[%swap3A_383, %swap3A_384], %swap3A_387 {strides = array<i32>} : memref<80x64xf32, #tpu.memory_space<vmem>>, vector<1x16xf32>,
        %get3A_388 = arith.index_cast %add3A_352 : i32 to index
        %get3A_389 = arith.constant 48 : index
        %get3A_390 = tpu.vector_load %arg10[%get3A_388, %get3A_389] {strides = array<i32>} : memref<80x64xf32, #tpu.memory_space<vmem>>, vector<1x16xf32>,
        %get3A_391 = vector.shape_cast %get3A_390 : vector<1x16xf32> to vector<16xf32>
        %mul3A_392 = vector.broadcast %squeeze3A_354 : f32 to vector<16xf32>
        %mul3A_393 = arith.mulf %get3A_391, %mul3A_392 : vector<16xf32>
        %swap3A_394 = arith.index_cast %add3A_352 : i32 to index
        %swap3A_395 = arith.constant 48 : index
        %swap3A_396 = tpu.vector_load %arg12[%swap3A_394, %swap3A_395] {strides = array<i32>} : memref<80x64xf32, #tpu.memory_space<vmem>>, vector<1x16xf32>,
        %swap3A_397 = vector.shape_cast %swap3A_396 : vector<1x16xf32> to vector<16xf32>
        %swap3A_398 = vector.shape_cast %mul3A_393 : vector<16xf32> to vector<1x16xf32>
        tpu.vector_store %arg12[%swap3A_394, %swap3A_395], %swap3A_398 {strides = array<i32>} : memref<80x64xf32, #tpu.memory_space<vmem>>, vector<1x16xf32>,
        %mul3A_399 = arith.constant 16 : i32
        %mul3A_400 = arith.muli %scan3A_195, %mul3A_399 : i32
        %add3A_401 = arith.constant 4 : i32
        %add3A_402 = arith.addi %mul3A_400, %add3A_401 : i32
        %slice3A_403 = vector.extract_strided_slice %get3A_201 {offsets = [4], sizes = [1], strides = [1]} : vector<16xf32> to vector<1xf32>
        %squeeze3A_404 = vector.extract %slice3A_403[0] : f32 from vector<1xf32>
        %get3A_405 = arith.index_cast %add3A_402 : i32 to index
        %get3A_406 = arith.constant 0 : index
        %get3A_407 = tpu.vector_load %arg10[%get3A_405, %get3A_406] {strides = array<i32>} : memref<80x64xf32, #tpu.memory_space<vmem>>, vector<1x16xf32>,
        %get3A_408 = vector.shape_cast %get3A_407 : vector<1x16xf32> to vector<16xf32>
        %mul3A_409 = vector.broadcast %squeeze3A_404 : f32 to vector<16xf32>
        %mul3A_410 = arith.mulf %get3A_408, %mul3A_409 : vector<16xf32>
        %swap3A_411 = arith.index_cast %add3A_402 : i32 to index
        %swap3A_412 = arith.constant 0 : index
        %swap3A_413 = tpu.vector_load %arg12[%swap3A_411, %swap3A_412] {strides = array<i32>} : memref<80x64xf32, #tpu.memory_space<vmem>>, vector<1x16xf32>,
        %swap3A_414 = vector.shape_cast %swap3A_413 : vector<1x16xf32> to vector<16xf32>
        %swap3A_415 = vector.shape_cast %mul3A_410 : vector<16xf32> to vector<1x16xf32>
        tpu.vector_store %arg12[%swap3A_411, %swap3A_412], %swap3A_415 {strides = array<i32>} : memref<80x64xf32, #tpu.memory_space<vmem>>, vector<1x16xf32>,
        %get3A_416 = arith.index_cast %add3A_402 : i32 to index
        %get3A_417 = arith.constant 16 : index
        %get3A_418 = tpu.vector_load %arg10[%get3A_416, %get3A_417] {strides = array<i32>} : memref<80x64xf32, #tpu.memory_space<vmem>>, vector<1x16xf32>,
        %get3A_419 = vector.shape_cast %get3A_418 : vector<1x16xf32> to vector<16xf32>
        %mul3A_420 = vector.broadcast %squeeze3A_404 : f32 to vector<16xf32>
        %mul3A_421 = arith.mulf %get3A_419, %mul3A_420 : vector<16xf32>
        %swap3A_422 = arith.index_cast %add3A_402 : i32 to index
        %swap3A_423 = arith.constant 16 : index
        %swap3A_424 = tpu.vector_load %arg12[%swap3A_422, %swap3A_423] {strides = array<i32>} : memref<80x64xf32, #tpu.memory_space<vmem>>, vector<1x16xf32>,
        %swap3A_425 = vector.shape_cast %swap3A_424 : vector<1x16xf32> to vector<16xf32>
        %swap3A_426 = vector.shape_cast %mul3A_421 : vector<16xf32> to vector<1x16xf32>
        tpu.vector_store %arg12[%swap3A_422, %swap3A_423], %swap3A_426 {strides = array<i32>} : memref<80x64xf32, #tpu.memory_space<vmem>>, vector<1x16xf32>,
        %get3A_427 = arith.index_cast %add3A_402 : i32 to index
        %get3A_428 = arith.constant 32 : index
        %get3A_429 = tpu.vector_load %arg10[%get3A_427, %get3A_428] {strides = array<i32>} : memref<80x64xf32, #tpu.memory_space<vmem>>, vector<1x16xf32>,
        %get3A_430 = vector.shape_cast %get3A_429 : vector<1x16xf32> to vector<16xf32>
        %mul3A_431 = vector.broadcast %squeeze3A_404 : f32 to vector<16xf32>
        %mul3A_432 = arith.mulf %get3A_430, %mul3A_431 : vector<16xf32>
        %swap3A_433 = arith.index_cast %add3A_402 : i32 to index
        %swap3A_434 = arith.constant 32 : index
        %swap3A_435 = tpu.vector_load %arg12[%swap3A_433, %swap3A_434] {strides = array<i32>} : memref<80x64xf32, #tpu.memory_space<vmem>>, vector<1x16xf32>,
        %swap3A_436 = vector.shape_cast %swap3A_435 : vector<1x16xf32> to vector<16xf32>
        %swap3A_437 = vector.shape_cast %mul3A_432 : vector<16xf32> to vector<1x16xf32>
        tpu.vector_store %arg12[%swap3A_433, %swap3A_434], %swap3A_437 {strides = array<i32>} : memref<80x64xf32, #tpu.memory_space<vmem>>, vector<1x16xf32>,
        %get3A_438 = arith.index_cast %add3A_402 : i32 to index
        %get3A_439 = arith.constant 48 : index
        %get3A_440 = tpu.vector_load %arg10[%get3A_438, %get3A_439] {strides = array<i32>} : memref<80x64xf32, #tpu.memory_space<vmem>>, vector<1x16xf32>,
        %get3A_441 = vector.shape_cast %get3A_440 : vector<1x16xf32> to vector<16xf32>
        %mul3A_442 = vector.broadcast %squeeze3A_404 : f32 to vector<16xf32>
        %mul3A_443 = arith.mulf %get3A_441, %mul3A_442 : vector<16xf32>
        %swap3A_444 = arith.index_cast %add3A_402 : i32 to index
        %swap3A_445 = arith.constant 48 : index
        %swap3A_446 = tpu.vector_load %arg12[%swap3A_444, %swap3A_445] {strides = array<i32>} : memref<80x64xf32, #tpu.memory_space<vmem>>, vector<1x16xf32>,
        %swap3A_447 = vector.shape_cast %swap3A_446 : vector<1x16xf32> to vector<16xf32>
        %swap3A_448 = vector.shape_cast %mul3A_443 : vector<16xf32> to vector<1x16xf32>
        tpu.vector_store %arg12[%swap3A_444, %swap3A_445], %swap3A_448 {strides = array<i32>} : memref<80x64xf32, #tpu.memory_space<vmem>>, vector<1x16xf32>,
        %mul3A_449 = arith.constant 16 : i32
        %mul3A_450 = arith.muli %scan3A_195, %mul3A_449 : i32
        %add3A_451 = arith.constant 5 : i32
        %add3A_452 = arith.addi %mul3A_450, %add3A_451 : i32
        %slice3A_453 = vector.extract_strided_slice %get3A_201 {offsets = [5], sizes = [1], strides = [1]} : vector<16xf32> to vector<1xf32>
        %squeeze3A_454 = vector.extract %slice3A_453[0] : f32 from vector<1xf32>
        %get3A_455 = arith.index_cast %add3A_452 : i32 to index
        %get3A_456 = arith.constant 0 : index
        %get3A_457 = tpu.vector_load %arg10[%get3A_455, %get3A_456] {strides = array<i32>} : memref<80x64xf32, #tpu.memory_space<vmem>>, vector<1x16xf32>,
        %get3A_458 = vector.shape_cast %get3A_457 : vector<1x16xf32> to vector<16xf32>
        %mul3A_459 = vector.broadcast %squeeze3A_454 : f32 to vector<16xf32>
        %mul3A_460 = arith.mulf %get3A_458, %mul3A_459 : vector<16xf32>
        %swap3A_461 = arith.index_cast %add3A_452 : i32 to index
        %swap3A_462 = arith.constant 0 : index
        %swap3A_463 = tpu.vector_load %arg12[%swap3A_461, %swap3A_462] {strides = array<i32>} : memref<80x64xf32, #tpu.memory_space<vmem>>, vector<1x16xf32>,
        %swap3A_464 = vector.shape_cast %swap3A_463 : vector<1x16xf32> to vector<16xf32>
        %swap3A_465 = vector.shape_cast %mul3A_460 : vector<16xf32> to vector<1x16xf32>
        tpu.vector_store %arg12[%swap3A_461, %swap3A_462], %swap3A_465 {strides = array<i32>} : memref<80x64xf32, #tpu.memory_space<vmem>>, vector<1x16xf32>,
        %get3A_466 = arith.index_cast %add3A_452 : i32 to index
        %get3A_467 = arith.constant 16 : index
        %get3A_468 = tpu.vector_load %arg10[%get3A_466, %get3A_467] {strides = array<i32>} : memref<80x64xf32, #tpu.memory_space<vmem>>, vector<1x16xf32>,
        %get3A_469 = vector.shape_cast %get3A_468 : vector<1x16xf32> to vector<16xf32>
        %mul3A_470 = vector.broadcast %squeeze3A_454 : f32 to vector<16xf32>
        %mul3A_471 = arith.mulf %get3A_469, %mul3A_470 : vector<16xf32>
        %swap3A_472 = arith.index_cast %add3A_452 : i32 to index
        %swap3A_473 = arith.constant 16 : index
        %swap3A_474 = tpu.vector_load %arg12[%swap3A_472, %swap3A_473] {strides = array<i32>} : memref<80x64xf32, #tpu.memory_space<vmem>>, vector<1x16xf32>,
        %swap3A_475 = vector.shape_cast %swap3A_474 : vector<1x16xf32> to vector<16xf32>
        %swap3A_476 = vector.shape_cast %mul3A_471 : vector<16xf32> to vector<1x16xf32>
        tpu.vector_store %arg12[%swap3A_472, %swap3A_473], %swap3A_476 {strides = array<i32>} : memref<80x64xf32, #tpu.memory_space<vmem>>, vector<1x16xf32>,
        %get3A_477 = arith.index_cast %add3A_452 : i32 to index
        %get3A_478 = arith.constant 32 : index
        %get3A_479 = tpu.vector_load %arg10[%get3A_477, %get3A_478] {strides = array<i32>} : memref<80x64xf32, #tpu.memory_space<vmem>>, vector<1x16xf32>,
        %get3A_480 = vector.shape_cast %get3A_479 : vector<1x16xf32> to vector<16xf32>
        %mul3A_481 = vector.broadcast %squeeze3A_454 : f32 to vector<16xf32>
        %mul3A_482 = arith.mulf %get3A_480, %mul3A_481 : vector<16xf32>
        %swap3A_483 = arith.index_cast %add3A_452 : i32 to index
        %swap3A_484 = arith.constant 32 : index
        %swap3A_485 = tpu.vector_load %arg12[%swap3A_483, %swap3A_484] {strides = array<i32>} : memref<80x64xf32, #tpu.memory_space<vmem>>, vector<1x16xf32>,
        %swap3A_486 = vector.shape_cast %swap3A_485 : vector<1x16xf32> to vector<16xf32>
        %swap3A_487 = vector.shape_cast %mul3A_482 : vector<16xf32> to vector<1x16xf32>
        tpu.vector_store %arg12[%swap3A_483, %swap3A_484], %swap3A_487 {strides = array<i32>} : memref<80x64xf32, #tpu.memory_space<vmem>>, vector<1x16xf32>,
        %get3A_488 = arith.index_cast %add3A_452 : i32 to index
        %get3A_489 = arith.constant 48 : index
        %get3A_490 = tpu.vector_load %arg10[%get3A_488, %get3A_489] {strides = array<i32>} : memref<80x64xf32, #tpu.memory_space<vmem>>, vector<1x16xf32>,
        %get3A_491 = vector.shape_cast %get3A_490 : vector<1x16xf32> to vector<16xf32>
        %mul3A_492 = vector.broadcast %squeeze3A_454 : f32 to vector<16xf32>
        %mul3A_493 = arith.mulf %get3A_491, %mul3A_492 : vector<16xf32>
        %swap3A_494 = arith.index_cast %add3A_452 : i32 to index
        %swap3A_495 = arith.constant 48 : index
        %swap3A_496 = tpu.vector_load %arg12[%swap3A_494, %swap3A_495] {strides = array<i32>} : memref<80x64xf32, #tpu.memory_space<vmem>>, vector<1x16xf32>,
        %swap3A_497 = vector.shape_cast %swap3A_496 : vector<1x16xf32> to vector<16xf32>
        %swap3A_498 = vector.shape_cast %mul3A_493 : vector<16xf32> to vector<1x16xf32>
        tpu.vector_store %arg12[%swap3A_494, %swap3A_495], %swap3A_498 {strides = array<i32>} : memref<80x64xf32, #tpu.memory_space<vmem>>, vector<1x16xf32>,
        %mul3A_499 = arith.constant 16 : i32
        %mul3A_500 = arith.muli %scan3A_195, %mul3A_499 : i32
        %add3A_501 = arith.constant 6 : i32
        %add3A_502 = arith.addi %mul3A_500, %add3A_501 : i32
        %slice3A_503 = vector.extract_strided_slice %get3A_201 {offsets = [6], sizes = [1], strides = [1]} : vector<16xf32> to vector<1xf32>
        %squeeze3A_504 = vector.extract %slice3A_503[0] : f32 from vector<1xf32>
        %get3A_505 = arith.index_cast %add3A_502 : i32 to index
        %get3A_506 = arith.constant 0 : index
        %get3A_507 = tpu.vector_load %arg10[%get3A_505, %get3A_506] {strides = array<i32>} : memref<80x64xf32, #tpu.memory_space<vmem>>, vector<1x16xf32>,
        %get3A_508 = vector.shape_cast %get3A_507 : vector<1x16xf32> to vector<16xf32>
        %mul3A_509 = vector.broadcast %squeeze3A_504 : f32 to vector<16xf32>
        %mul3A_510 = arith.mulf %get3A_508, %mul3A_509 : vector<16xf32>
        %swap3A_511 = arith.index_cast %add3A_502 : i32 to index
        %swap3A_512 = arith.constant 0 : index
        %swap3A_513 = tpu.vector_load %arg12[%swap3A_511, %swap3A_512] {strides = array<i32>} : memref<80x64xf32, #tpu.memory_space<vmem>>, vector<1x16xf32>,
        %swap3A_514 = vector.shape_cast %swap3A_513 : vector<1x16xf32> to vector<16xf32>
        %swap3A_515 = vector.shape_cast %mul3A_510 : vector<16xf32> to vector<1x16xf32>
        tpu.vector_store %arg12[%swap3A_511, %swap3A_512], %swap3A_515 {strides = array<i32>} : memref<80x64xf32, #tpu.memory_space<vmem>>, vector<1x16xf32>,
        %get3A_516 = arith.index_cast %add3A_502 : i32 to index
        %get3A_517 = arith.constant 16 : index
        %get3A_518 = tpu.vector_load %arg10[%get3A_516, %get3A_517] {strides = array<i32>} : memref<80x64xf32, #tpu.memory_space<vmem>>, vector<1x16xf32>,
        %get3A_519 = vector.shape_cast %get3A_518 : vector<1x16xf32> to vector<16xf32>
        %mul3A_520 = vector.broadcast %squeeze3A_504 : f32 to vector<16xf32>
        %mul3A_521 = arith.mulf %get3A_519, %mul3A_520 : vector<16xf32>
        %swap3A_522 = arith.index_cast %add3A_502 : i32 to index
        %swap3A_523 = arith.constant 16 : index
        %swap3A_524 = tpu.vector_load %arg12[%swap3A_522, %swap3A_523] {strides = array<i32>} : memref<80x64xf32, #tpu.memory_space<vmem>>, vector<1x16xf32>,
        %swap3A_525 = vector.shape_cast %swap3A_524 : vector<1x16xf32> to vector<16xf32>
        %swap3A_526 = vector.shape_cast %mul3A_521 : vector<16xf32> to vector<1x16xf32>
        tpu.vector_store %arg12[%swap3A_522, %swap3A_523], %swap3A_526 {strides = array<i32>} : memref<80x64xf32, #tpu.memory_space<vmem>>, vector<1x16xf32>,
        %get3A_527 = arith.index_cast %add3A_502 : i32 to index
        %get3A_528 = arith.constant 32 : index
        %get3A_529 = tpu.vector_load %arg10[%get3A_527, %get3A_528] {strides = array<i32>} : memref<80x64xf32, #tpu.memory_space<vmem>>, vector<1x16xf32>,
        %get3A_530 = vector.shape_cast %get3A_529 : vector<1x16xf32> to vector<16xf32>
        %mul3A_531 = vector.broadcast %squeeze3A_504 : f32 to vector<16xf32>
        %mul3A_532 = arith.mulf %get3A_530, %mul3A_531 : vector<16xf32>
        %swap3A_533 = arith.index_cast %add3A_502 : i32 to index
        %swap3A_534 = arith.constant 32 : index
        %swap3A_535 = tpu.vector_load %arg12[%swap3A_533, %swap3A_534] {strides = array<i32>} : memref<80x64xf32, #tpu.memory_space<vmem>>, vector<1x16xf32>,
        %swap3A_536 = vector.shape_cast %swap3A_535 : vector<1x16xf32> to vector<16xf32>
        %swap3A_537 = vector.shape_cast %mul3A_532 : vector<16xf32> to vector<1x16xf32>
        tpu.vector_store %arg12[%swap3A_533, %swap3A_534], %swap3A_537 {strides = array<i32>} : memref<80x64xf32, #tpu.memory_space<vmem>>, vector<1x16xf32>,
        %get3A_538 = arith.index_cast %add3A_502 : i32 to index
        %get3A_539 = arith.constant 48 : index
        %get3A_540 = tpu.vector_load %arg10[%get3A_538, %get3A_539] {strides = array<i32>} : memref<80x64xf32, #tpu.memory_space<vmem>>, vector<1x16xf32>,
        %get3A_541 = vector.shape_cast %get3A_540 : vector<1x16xf32> to vector<16xf32>
        %mul3A_542 = vector.broadcast %squeeze3A_504 : f32 to vector<16xf32>
        %mul3A_543 = arith.mulf %get3A_541, %mul3A_542 : vector<16xf32>
        %swap3A_544 = arith.index_cast %add3A_502 : i32 to index
        %swap3A_545 = arith.constant 48 : index
        %swap3A_546 = tpu.vector_load %arg12[%swap3A_544, %swap3A_545] {strides = array<i32>} : memref<80x64xf32, #tpu.memory_space<vmem>>, vector<1x16xf32>,
        %swap3A_547 = vector.shape_cast %swap3A_546 : vector<1x16xf32> to vector<16xf32>
        %swap3A_548 = vector.shape_cast %mul3A_543 : vector<16xf32> to vector<1x16xf32>
        tpu.vector_store %arg12[%swap3A_544, %swap3A_545], %swap3A_548 {strides = array<i32>} : memref<80x64xf32, #tpu.memory_space<vmem>>, vector<1x16xf32>,
        %mul3A_549 = arith.constant 16 : i32
        %mul3A_550 = arith.muli %scan3A_195, %mul3A_549 : i32
        %add3A_551 = arith.constant 7 : i32
        %add3A_552 = arith.addi %mul3A_550, %add3A_551 : i32
        %slice3A_553 = vector.extract_strided_slice %get3A_201 {offsets = [7], sizes = [1], strides = [1]} : vector<16xf32> to vector<1xf32>
        %squeeze3A_554 = vector.extract %slice3A_553[0] : f32 from vector<1xf32>
        %get3A_555 = arith.index_cast %add3A_552 : i32 to index
        %get3A_556 = arith.constant 0 : index
        %get3A_557 = tpu.vector_load %arg10[%get3A_555, %get3A_556] {strides = array<i32>} : memref<80x64xf32, #tpu.memory_space<vmem>>, vector<1x16xf32>,
        %get3A_558 = vector.shape_cast %get3A_557 : vector<1x16xf32> to vector<16xf32>
        %mul3A_559 = vector.broadcast %squeeze3A_554 : f32 to vector<16xf32>
        %mul3A_560 = arith.mulf %get3A_558, %mul3A_559 : vector<16xf32>
        %swap3A_561 = arith.index_cast %add3A_552 : i32 to index
        %swap3A_562 = arith.constant 0 : index
        %swap3A_563 = tpu.vector_load %arg12[%swap3A_561, %swap3A_562] {strides = array<i32>} : memref<80x64xf32, #tpu.memory_space<vmem>>, vector<1x16xf32>,
        %swap3A_564 = vector.shape_cast %swap3A_563 : vector<1x16xf32> to vector<16xf32>
        %swap3A_565 = vector.shape_cast %mul3A_560 : vector<16xf32> to vector<1x16xf32>
        tpu.vector_store %arg12[%swap3A_561, %swap3A_562], %swap3A_565 {strides = array<i32>} : memref<80x64xf32, #tpu.memory_space<vmem>>, vector<1x16xf32>,
        %get3A_566 = arith.index_cast %add3A_552 : i32 to index
        %get3A_567 = arith.constant 16 : index
        %get3A_568 = tpu.vector_load %arg10[%get3A_566, %get3A_567] {strides = array<i32>} : memref<80x64xf32, #tpu.memory_space<vmem>>, vector<1x16xf32>,
        %get3A_569 = vector.shape_cast %get3A_568 : vector<1x16xf32> to vector<16xf32>
        %mul3A_570 = vector.broadcast %squeeze3A_554 : f32 to vector<16xf32>
        %mul3A_571 = arith.mulf %get3A_569, %mul3A_570 : vector<16xf32>
        %swap3A_572 = arith.index_cast %add3A_552 : i32 to index
        %swap3A_573 = arith.constant 16 : index
        %swap3A_574 = tpu.vector_load %arg12[%swap3A_572, %swap3A_573] {strides = array<i32>} : memref<80x64xf32, #tpu.memory_space<vmem>>, vector<1x16xf32>,
        %swap3A_575 = vector.shape_cast %swap3A_574 : vector<1x16xf32> to vector<16xf32>
        %swap3A_576 = vector.shape_cast %mul3A_571 : vector<16xf32> to vector<1x16xf32>
        tpu.vector_store %arg12[%swap3A_572, %swap3A_573], %swap3A_576 {strides = array<i32>} : memref<80x64xf32, #tpu.memory_space<vmem>>, vector<1x16xf32>,
        %get3A_577 = arith.index_cast %add3A_552 : i32 to index
        %get3A_578 = arith.constant 32 : index
        %get3A_579 = tpu.vector_load %arg10[%get3A_577, %get3A_578] {strides = array<i32>} : memref<80x64xf32, #tpu.memory_space<vmem>>, vector<1x16xf32>,
        %get3A_580 = vector.shape_cast %get3A_579 : vector<1x16xf32> to vector<16xf32>
        %mul3A_581 = vector.broadcast %squeeze3A_554 : f32 to vector<16xf32>
        %mul3A_582 = arith.mulf %get3A_580, %mul3A_581 : vector<16xf32>
        %swap3A_583 = arith.index_cast %add3A_552 : i32 to index
        %swap3A_584 = arith.constant 32 : index
        %swap3A_585 = tpu.vector_load %arg12[%swap3A_583, %swap3A_584] {strides = array<i32>} : memref<80x64xf32, #tpu.memory_space<vmem>>, vector<1x16xf32>,
        %swap3A_586 = vector.shape_cast %swap3A_585 : vector<1x16xf32> to vector<16xf32>
        %swap3A_587 = vector.shape_cast %mul3A_582 : vector<16xf32> to vector<1x16xf32>
        tpu.vector_store %arg12[%swap3A_583, %swap3A_584], %swap3A_587 {strides = array<i32>} : memref<80x64xf32, #tpu.memory_space<vmem>>, vector<1x16xf32>,
        %get3A_588 = arith.index_cast %add3A_552 : i32 to index
        %get3A_589 = arith.constant 48 : index
        %get3A_590 = tpu.vector_load %arg10[%get3A_588, %get3A_589] {strides = array<i32>} : memref<80x64xf32, #tpu.memory_space<vmem>>, vector<1x16xf32>,
        %get3A_591 = vector.shape_cast %get3A_590 : vector<1x16xf32> to vector<16xf32>
        %mul3A_592 = vector.broadcast %squeeze3A_554 : f32 to vector<16xf32>
        %mul3A_593 = arith.mulf %get3A_591, %mul3A_592 : vector<16xf32>
        %swap3A_594 = arith.index_cast %add3A_552 : i32 to index
        %swap3A_595 = arith.constant 48 : index
        %swap3A_596 = tpu.vector_load %arg12[%swap3A_594, %swap3A_595] {strides = array<i32>} : memref<80x64xf32, #tpu.memory_space<vmem>>, vector<1x16xf32>,
        %swap3A_597 = vector.shape_cast %swap3A_596 : vector<1x16xf32> to vector<16xf32>
        %swap3A_598 = vector.shape_cast %mul3A_593 : vector<16xf32> to vector<1x16xf32>
        tpu.vector_store %arg12[%swap3A_594, %swap3A_595], %swap3A_598 {strides = array<i32>} : memref<80x64xf32, #tpu.memory_space<vmem>>, vector<1x16xf32>,
        %mul3A_599 = arith.constant 16 : i32
        %mul3A_600 = arith.muli %scan3A_195, %mul3A_599 : i32
        %add3A_601 = arith.constant 8 : i32
        %add3A_602 = arith.addi %mul3A_600, %add3A_601 : i32
        %slice3A_603 = vector.extract_strided_slice %get3A_201 {offsets = [8], sizes = [1], strides = [1]} : vector<16xf32> to vector<1xf32>
        %squeeze3A_604 = vector.extract %slice3A_603[0] : f32 from vector<1xf32>
        %get3A_605 = arith.index_cast %add3A_602 : i32 to index
        %get3A_606 = arith.constant 0 : index
        %get3A_607 = tpu.vector_load %arg10[%get3A_605, %get3A_606] {strides = array<i32>} : memref<80x64xf32, #tpu.memory_space<vmem>>, vector<1x16xf32>,
        %get3A_608 = vector.shape_cast %get3A_607 : vector<1x16xf32> to vector<16xf32>
        %mul3A_609 = vector.broadcast %squeeze3A_604 : f32 to vector<16xf32>
        %mul3A_610 = arith.mulf %get3A_608, %mul3A_609 : vector<16xf32>
        %swap3A_611 = arith.index_cast %add3A_602 : i32 to index
        %swap3A_612 = arith.constant 0 : index
        %swap3A_613 = tpu.vector_load %arg12[%swap3A_611, %swap3A_612] {strides = array<i32>} : memref<80x64xf32, #tpu.memory_space<vmem>>, vector<1x16xf32>,
        %swap3A_614 = vector.shape_cast %swap3A_613 : vector<1x16xf32> to vector<16xf32>
        %swap3A_615 = vector.shape_cast %mul3A_610 : vector<16xf32> to vector<1x16xf32>
        tpu.vector_store %arg12[%swap3A_611, %swap3A_612], %swap3A_615 {strides = array<i32>} : memref<80x64xf32, #tpu.memory_space<vmem>>, vector<1x16xf32>,
        %get3A_616 = arith.index_cast %add3A_602 : i32 to index
        %get3A_617 = arith.constant 16 : index
        %get3A_618 = tpu.vector_load %arg10[%get3A_616, %get3A_617] {strides = array<i32>} : memref<80x64xf32, #tpu.memory_space<vmem>>, vector<1x16xf32>,
        %get3A_619 = vector.shape_cast %get3A_618 : vector<1x16xf32> to vector<16xf32>
        %mul3A_620 = vector.broadcast %squeeze3A_604 : f32 to vector<16xf32>
        %mul3A_621 = arith.mulf %get3A_619, %mul3A_620 : vector<16xf32>
        %swap3A_622 = arith.index_cast %add3A_602 : i32 to index
        %swap3A_623 = arith.constant 16 : index
        %swap3A_624 = tpu.vector_load %arg12[%swap3A_622, %swap3A_623] {strides = array<i32>} : memref<80x64xf32, #tpu.memory_space<vmem>>, vector<1x16xf32>,
        %swap3A_625 = vector.shape_cast %swap3A_624 : vector<1x16xf32> to vector<16xf32>
        %swap3A_626 = vector.shape_cast %mul3A_621 : vector<16xf32> to vector<1x16xf32>
        tpu.vector_store %arg12[%swap3A_622, %swap3A_623], %swap3A_626 {strides = array<i32>} : memref<80x64xf32, #tpu.memory_space<vmem>>, vector<1x16xf32>,
        %get3A_627 = arith.index_cast %add3A_602 : i32 to index
        %get3A_628 = arith.constant 32 : index
        %get3A_629 = tpu.vector_load %arg10[%get3A_627, %get3A_628] {strides = array<i32>} : memref<80x64xf32, #tpu.memory_space<vmem>>, vector<1x16xf32>,
        %get3A_630 = vector.shape_cast %get3A_629 : vector<1x16xf32> to vector<16xf32>
        %mul3A_631 = vector.broadcast %squeeze3A_604 : f32 to vector<16xf32>
        %mul3A_632 = arith.mulf %get3A_630, %mul3A_631 : vector<16xf32>
        %swap3A_633 = arith.index_cast %add3A_602 : i32 to index
        %swap3A_634 = arith.constant 32 : index
        %swap3A_635 = tpu.vector_load %arg12[%swap3A_633, %swap3A_634] {strides = array<i32>} : memref<80x64xf32, #tpu.memory_space<vmem>>, vector<1x16xf32>,
        %swap3A_636 = vector.shape_cast %swap3A_635 : vector<1x16xf32> to vector<16xf32>
        %swap3A_637 = vector.shape_cast %mul3A_632 : vector<16xf32> to vector<1x16xf32>
        tpu.vector_store %arg12[%swap3A_633, %swap3A_634], %swap3A_637 {strides = array<i32>} : memref<80x64xf32, #tpu.memory_space<vmem>>, vector<1x16xf32>,
        %get3A_638 = arith.index_cast %add3A_602 : i32 to index
        %get3A_639 = arith.constant 48 : index
        %get3A_640 = tpu.vector_load %arg10[%get3A_638, %get3A_639] {strides = array<i32>} : memref<80x64xf32, #tpu.memory_space<vmem>>, vector<1x16xf32>,
        %get3A_641 = vector.shape_cast %get3A_640 : vector<1x16xf32> to vector<16xf32>
        %mul3A_642 = vector.broadcast %squeeze3A_604 : f32 to vector<16xf32>
        %mul3A_643 = arith.mulf %get3A_641, %mul3A_642 : vector<16xf32>
        %swap3A_644 = arith.index_cast %add3A_602 : i32 to index
        %swap3A_645 = arith.constant 48 : index
        %swap3A_646 = tpu.vector_load %arg12[%swap3A_644, %swap3A_645] {strides = array<i32>} : memref<80x64xf32, #tpu.memory_space<vmem>>, vector<1x16xf32>,
        %swap3A_647 = vector.shape_cast %swap3A_646 : vector<1x16xf32> to vector<16xf32>
        %swap3A_648 = vector.shape_cast %mul3A_643 : vector<16xf32> to vector<1x16xf32>
        tpu.vector_store %arg12[%swap3A_644, %swap3A_645], %swap3A_648 {strides = array<i32>} : memref<80x64xf32, #tpu.memory_space<vmem>>, vector<1x16xf32>,
        %mul3A_649 = arith.constant 16 : i32
        %mul3A_650 = arith.muli %scan3A_195, %mul3A_649 : i32
        %add3A_651 = arith.constant 9 : i32
        %add3A_652 = arith.addi %mul3A_650, %add3A_651 : i32
        %slice3A_653 = vector.extract_strided_slice %get3A_201 {offsets = [9], sizes = [1], strides = [1]} : vector<16xf32> to vector<1xf32>
        %squeeze3A_654 = vector.extract %slice3A_653[0] : f32 from vector<1xf32>
        %get3A_655 = arith.index_cast %add3A_652 : i32 to index
        %get3A_656 = arith.constant 0 : index
        %get3A_657 = tpu.vector_load %arg10[%get3A_655, %get3A_656] {strides = array<i32>} : memref<80x64xf32, #tpu.memory_space<vmem>>, vector<1x16xf32>,
        %get3A_658 = vector.shape_cast %get3A_657 : vector<1x16xf32> to vector<16xf32>
        %mul3A_659 = vector.broadcast %squeeze3A_654 : f32 to vector<16xf32>
        %mul3A_660 = arith.mulf %get3A_658, %mul3A_659 : vector<16xf32>
        %swap3A_661 = arith.index_cast %add3A_652 : i32 to index
        %swap3A_662 = arith.constant 0 : index
        %swap3A_663 = tpu.vector_load %arg12[%swap3A_661, %swap3A_662] {strides = array<i32>} : memref<80x64xf32, #tpu.memory_space<vmem>>, vector<1x16xf32>,
        %swap3A_664 = vector.shape_cast %swap3A_663 : vector<1x16xf32> to vector<16xf32>
        %swap3A_665 = vector.shape_cast %mul3A_660 : vector<16xf32> to vector<1x16xf32>
        tpu.vector_store %arg12[%swap3A_661, %swap3A_662], %swap3A_665 {strides = array<i32>} : memref<80x64xf32, #tpu.memory_space<vmem>>, vector<1x16xf32>,
        %get3A_666 = arith.index_cast %add3A_652 : i32 to index
        %get3A_667 = arith.constant 16 : index
        %get3A_668 = tpu.vector_load %arg10[%get3A_666, %get3A_667] {strides = array<i32>} : memref<80x64xf32, #tpu.memory_space<vmem>>, vector<1x16xf32>,
        %get3A_669 = vector.shape_cast %get3A_668 : vector<1x16xf32> to vector<16xf32>
        %mul3A_670 = vector.broadcast %squeeze3A_654 : f32 to vector<16xf32>
        %mul3A_671 = arith.mulf %get3A_669, %mul3A_670 : vector<16xf32>
        %swap3A_672 = arith.index_cast %add3A_652 : i32 to index
        %swap3A_673 = arith.constant 16 : index
        %swap3A_674 = tpu.vector_load %arg12[%swap3A_672, %swap3A_673] {strides = array<i32>} : memref<80x64xf32, #tpu.memory_space<vmem>>, vector<1x16xf32>,
        %swap3A_675 = vector.shape_cast %swap3A_674 : vector<1x16xf32> to vector<16xf32>
        %swap3A_676 = vector.shape_cast %mul3A_671 : vector<16xf32> to vector<1x16xf32>
        tpu.vector_store %arg12[%swap3A_672, %swap3A_673], %swap3A_676 {strides = array<i32>} : memref<80x64xf32, #tpu.memory_space<vmem>>, vector<1x16xf32>,
        %get3A_677 = arith.index_cast %add3A_652 : i32 to index
        %get3A_678 = arith.constant 32 : index
        %get3A_679 = tpu.vector_load %arg10[%get3A_677, %get3A_678] {strides = array<i32>} : memref<80x64xf32, #tpu.memory_space<vmem>>, vector<1x16xf32>,
        %get3A_680 = vector.shape_cast %get3A_679 : vector<1x16xf32> to vector<16xf32>
        %mul3A_681 = vector.broadcast %squeeze3A_654 : f32 to vector<16xf32>
        %mul3A_682 = arith.mulf %get3A_680, %mul3A_681 : vector<16xf32>
        %swap3A_683 = arith.index_cast %add3A_652 : i32 to index
        %swap3A_684 = arith.constant 32 : index
        %swap3A_685 = tpu.vector_load %arg12[%swap3A_683, %swap3A_684] {strides = array<i32>} : memref<80x64xf32, #tpu.memory_space<vmem>>, vector<1x16xf32>,
        %swap3A_686 = vector.shape_cast %swap3A_685 : vector<1x16xf32> to vector<16xf32>
        %swap3A_687 = vector.shape_cast %mul3A_682 : vector<16xf32> to vector<1x16xf32>
        tpu.vector_store %arg12[%swap3A_683, %swap3A_684], %swap3A_687 {strides = array<i32>} : memref<80x64xf32, #tpu.memory_space<vmem>>, vector<1x16xf32>,
        %get3A_688 = arith.index_cast %add3A_652 : i32 to index
        %get3A_689 = arith.constant 48 : index
        %get3A_690 = tpu.vector_load %arg10[%get3A_688, %get3A_689] {strides = array<i32>} : memref<80x64xf32, #tpu.memory_space<vmem>>, vector<1x16xf32>,
        %get3A_691 = vector.shape_cast %get3A_690 : vector<1x16xf32> to vector<16xf32>
        %mul3A_692 = vector.broadcast %squeeze3A_654 : f32 to vector<16xf32>
        %mul3A_693 = arith.mulf %get3A_691, %mul3A_692 : vector<16xf32>
        %swap3A_694 = arith.index_cast %add3A_652 : i32 to index
        %swap3A_695 = arith.constant 48 : index
        %swap3A_696 = tpu.vector_load %arg12[%swap3A_694, %swap3A_695] {strides = array<i32>} : memref<80x64xf32, #tpu.memory_space<vmem>>, vector<1x16xf32>,
        %swap3A_697 = vector.shape_cast %swap3A_696 : vector<1x16xf32> to vector<16xf32>
        %swap3A_698 = vector.shape_cast %mul3A_693 : vector<16xf32> to vector<1x16xf32>
        tpu.vector_store %arg12[%swap3A_694, %swap3A_695], %swap3A_698 {strides = array<i32>} : memref<80x64xf32, #tpu.memory_space<vmem>>, vector<1x16xf32>,
        %mul3A_699 = arith.constant 16 : i32
        %mul3A_700 = arith.muli %scan3A_195, %mul3A_699 : i32
        %add3A_701 = arith.constant 10 : i32
        %add3A_702 = arith.addi %mul3A_700, %add3A_701 : i32
        %slice3A_703 = vector.extract_strided_slice %get3A_201 {offsets = [10], sizes = [1], strides = [1]} : vector<16xf32> to vector<1xf32>
        %squeeze3A_704 = vector.extract %slice3A_703[0] : f32 from vector<1xf32>
        %get3A_705 = arith.index_cast %add3A_702 : i32 to index
        %get3A_706 = arith.constant 0 : index
        %get3A_707 = tpu.vector_load %arg10[%get3A_705, %get3A_706] {strides = array<i32>} : memref<80x64xf32, #tpu.memory_space<vmem>>, vector<1x16xf32>,
        %get3A_708 = vector.shape_cast %get3A_707 : vector<1x16xf32> to vector<16xf32>
        %mul3A_709 = vector.broadcast %squeeze3A_704 : f32 to vector<16xf32>
        %mul3A_710 = arith.mulf %get3A_708, %mul3A_709 : vector<16xf32>
        %swap3A_711 = arith.index_cast %add3A_702 : i32 to index
        %swap3A_712 = arith.constant 0 : index
        %swap3A_713 = tpu.vector_load %arg12[%swap3A_711, %swap3A_712] {strides = array<i32>} : memref<80x64xf32, #tpu.memory_space<vmem>>, vector<1x16xf32>,
        %swap3A_714 = vector.shape_cast %swap3A_713 : vector<1x16xf32> to vector<16xf32>
        %swap3A_715 = vector.shape_cast %mul3A_710 : vector<16xf32> to vector<1x16xf32>
        tpu.vector_store %arg12[%swap3A_711, %swap3A_712], %swap3A_715 {strides = array<i32>} : memref<80x64xf32, #tpu.memory_space<vmem>>, vector<1x16xf32>,
        %get3A_716 = arith.index_cast %add3A_702 : i32 to index
        %get3A_717 = arith.constant 16 : index
        %get3A_718 = tpu.vector_load %arg10[%get3A_716, %get3A_717] {strides = array<i32>} : memref<80x64xf32, #tpu.memory_space<vmem>>, vector<1x16xf32>,
        %get3A_719 = vector.shape_cast %get3A_718 : vector<1x16xf32> to vector<16xf32>
        %mul3A_720 = vector.broadcast %squeeze3A_704 : f32 to vector<16xf32>
        %mul3A_721 = arith.mulf %get3A_719, %mul3A_720 : vector<16xf32>
        %swap3A_722 = arith.index_cast %add3A_702 : i32 to index
        %swap3A_723 = arith.constant 16 : index
        %swap3A_724 = tpu.vector_load %arg12[%swap3A_722, %swap3A_723] {strides = array<i32>} : memref<80x64xf32, #tpu.memory_space<vmem>>, vector<1x16xf32>,
        %swap3A_725 = vector.shape_cast %swap3A_724 : vector<1x16xf32> to vector<16xf32>
        %swap3A_726 = vector.shape_cast %mul3A_721 : vector<16xf32> to vector<1x16xf32>
        tpu.vector_store %arg12[%swap3A_722, %swap3A_723], %swap3A_726 {strides = array<i32>} : memref<80x64xf32, #tpu.memory_space<vmem>>, vector<1x16xf32>,
        %get3A_727 = arith.index_cast %add3A_702 : i32 to index
        %get3A_728 = arith.constant 32 : index
        %get3A_729 = tpu.vector_load %arg10[%get3A_727, %get3A_728] {strides = array<i32>} : memref<80x64xf32, #tpu.memory_space<vmem>>, vector<1x16xf32>,
        %get3A_730 = vector.shape_cast %get3A_729 : vector<1x16xf32> to vector<16xf32>
        %mul3A_731 = vector.broadcast %squeeze3A_704 : f32 to vector<16xf32>
        %mul3A_732 = arith.mulf %get3A_730, %mul3A_731 : vector<16xf32>
        %swap3A_733 = arith.index_cast %add3A_702 : i32 to index
        %swap3A_734 = arith.constant 32 : index
        %swap3A_735 = tpu.vector_load %arg12[%swap3A_733, %swap3A_734] {strides = array<i32>} : memref<80x64xf32, #tpu.memory_space<vmem>>, vector<1x16xf32>,
        %swap3A_736 = vector.shape_cast %swap3A_735 : vector<1x16xf32> to vector<16xf32>
        %swap3A_737 = vector.shape_cast %mul3A_732 : vector<16xf32> to vector<1x16xf32>
        tpu.vector_store %arg12[%swap3A_733, %swap3A_734], %swap3A_737 {strides = array<i32>} : memref<80x64xf32, #tpu.memory_space<vmem>>, vector<1x16xf32>,
        %get3A_738 = arith.index_cast %add3A_702 : i32 to index
        %get3A_739 = arith.constant 48 : index
        %get3A_740 = tpu.vector_load %arg10[%get3A_738, %get3A_739] {strides = array<i32>} : memref<80x64xf32, #tpu.memory_space<vmem>>, vector<1x16xf32>,
        %get3A_741 = vector.shape_cast %get3A_740 : vector<1x16xf32> to vector<16xf32>
        %mul3A_742 = vector.broadcast %squeeze3A_704 : f32 to vector<16xf32>
        %mul3A_743 = arith.mulf %get3A_741, %mul3A_742 : vector<16xf32>
        %swap3A_744 = arith.index_cast %add3A_702 : i32 to index
        %swap3A_745 = arith.constant 48 : index
        %swap3A_746 = tpu.vector_load %arg12[%swap3A_744, %swap3A_745] {strides = array<i32>} : memref<80x64xf32, #tpu.memory_space<vmem>>, vector<1x16xf32>,
        %swap3A_747 = vector.shape_cast %swap3A_746 : vector<1x16xf32> to vector<16xf32>
        %swap3A_748 = vector.shape_cast %mul3A_743 : vector<16xf32> to vector<1x16xf32>
        tpu.vector_store %arg12[%swap3A_744, %swap3A_745], %swap3A_748 {strides = array<i32>} : memref<80x64xf32, #tpu.memory_space<vmem>>, vector<1x16xf32>,
        %mul3A_749 = arith.constant 16 : i32
        %mul3A_750 = arith.muli %scan3A_195, %mul3A_749 : i32
        %add3A_751 = arith.constant 11 : i32
        %add3A_752 = arith.addi %mul3A_750, %add3A_751 : i32
        %slice3A_753 = vector.extract_strided_slice %get3A_201 {offsets = [11], sizes = [1], strides = [1]} : vector<16xf32> to vector<1xf32>
        %squeeze3A_754 = vector.extract %slice3A_753[0] : f32 from vector<1xf32>
        %get3A_755 = arith.index_cast %add3A_752 : i32 to index
        %get3A_756 = arith.constant 0 : index
        %get3A_757 = tpu.vector_load %arg10[%get3A_755, %get3A_756] {strides = array<i32>} : memref<80x64xf32, #tpu.memory_space<vmem>>, vector<1x16xf32>,
        %get3A_758 = vector.shape_cast %get3A_757 : vector<1x16xf32> to vector<16xf32>
        %mul3A_759 = vector.broadcast %squeeze3A_754 : f32 to vector<16xf32>
        %mul3A_760 = arith.mulf %get3A_758, %mul3A_759 : vector<16xf32>
        %swap3A_761 = arith.index_cast %add3A_752 : i32 to index
        %swap3A_762 = arith.constant 0 : index
        %swap3A_763 = tpu.vector_load %arg12[%swap3A_761, %swap3A_762] {strides = array<i32>} : memref<80x64xf32, #tpu.memory_space<vmem>>, vector<1x16xf32>,
        %swap3A_764 = vector.shape_cast %swap3A_763 : vector<1x16xf32> to vector<16xf32>
        %swap3A_765 = vector.shape_cast %mul3A_760 : vector<16xf32> to vector<1x16xf32>
        tpu.vector_store %arg12[%swap3A_761, %swap3A_762], %swap3A_765 {strides = array<i32>} : memref<80x64xf32, #tpu.memory_space<vmem>>, vector<1x16xf32>,
        %get3A_766 = arith.index_cast %add3A_752 : i32 to index
        %get3A_767 = arith.constant 16 : index
        %get3A_768 = tpu.vector_load %arg10[%get3A_766, %get3A_767] {strides = array<i32>} : memref<80x64xf32, #tpu.memory_space<vmem>>, vector<1x16xf32>,
        %get3A_769 = vector.shape_cast %get3A_768 : vector<1x16xf32> to vector<16xf32>
        %mul3A_770 = vector.broadcast %squeeze3A_754 : f32 to vector<16xf32>
        %mul3A_771 = arith.mulf %get3A_769, %mul3A_770 : vector<16xf32>
        %swap3A_772 = arith.index_cast %add3A_752 : i32 to index
        %swap3A_773 = arith.constant 16 : index
        %swap3A_774 = tpu.vector_load %arg12[%swap3A_772, %swap3A_773] {strides = array<i32>} : memref<80x64xf32, #tpu.memory_space<vmem>>, vector<1x16xf32>,
        %swap3A_775 = vector.shape_cast %swap3A_774 : vector<1x16xf32> to vector<16xf32>
        %swap3A_776 = vector.shape_cast %mul3A_771 : vector<16xf32> to vector<1x16xf32>
        tpu.vector_store %arg12[%swap3A_772, %swap3A_773], %swap3A_776 {strides = array<i32>} : memref<80x64xf32, #tpu.memory_space<vmem>>, vector<1x16xf32>,
        %get3A_777 = arith.index_cast %add3A_752 : i32 to index
        %get3A_778 = arith.constant 32 : index
        %get3A_779 = tpu.vector_load %arg10[%get3A_777, %get3A_778] {strides = array<i32>} : memref<80x64xf32, #tpu.memory_space<vmem>>, vector<1x16xf32>,
        %get3A_780 = vector.shape_cast %get3A_779 : vector<1x16xf32> to vector<16xf32>
        %mul3A_781 = vector.broadcast %squeeze3A_754 : f32 to vector<16xf32>
        %mul3A_782 = arith.mulf %get3A_780, %mul3A_781 : vector<16xf32>
        %swap3A_783 = arith.index_cast %add3A_752 : i32 to index
        %swap3A_784 = arith.constant 32 : index
        %swap3A_785 = tpu.vector_load %arg12[%swap3A_783, %swap3A_784] {strides = array<i32>} : memref<80x64xf32, #tpu.memory_space<vmem>>, vector<1x16xf32>,
        %swap3A_786 = vector.shape_cast %swap3A_785 : vector<1x16xf32> to vector<16xf32>
        %swap3A_787 = vector.shape_cast %mul3A_782 : vector<16xf32> to vector<1x16xf32>
        tpu.vector_store %arg12[%swap3A_783, %swap3A_784], %swap3A_787 {strides = array<i32>} : memref<80x64xf32, #tpu.memory_space<vmem>>, vector<1x16xf32>,
        %get3A_788 = arith.index_cast %add3A_752 : i32 to index
        %get3A_789 = arith.constant 48 : index
        %get3A_790 = tpu.vector_load %arg10[%get3A_788, %get3A_789] {strides = array<i32>} : memref<80x64xf32, #tpu.memory_space<vmem>>, vector<1x16xf32>,
        %get3A_791 = vector.shape_cast %get3A_790 : vector<1x16xf32> to vector<16xf32>
        %mul3A_792 = vector.broadcast %squeeze3A_754 : f32 to vector<16xf32>
        %mul3A_793 = arith.mulf %get3A_791, %mul3A_792 : vector<16xf32>
        %swap3A_794 = arith.index_cast %add3A_752 : i32 to index
        %swap3A_795 = arith.constant 48 : index
        %swap3A_796 = tpu.vector_load %arg12[%swap3A_794, %swap3A_795] {strides = array<i32>} : memref<80x64xf32, #tpu.memory_space<vmem>>, vector<1x16xf32>,
        %swap3A_797 = vector.shape_cast %swap3A_796 : vector<1x16xf32> to vector<16xf32>
        %swap3A_798 = vector.shape_cast %mul3A_793 : vector<16xf32> to vector<1x16xf32>
        tpu.vector_store %arg12[%swap3A_794, %swap3A_795], %swap3A_798 {strides = array<i32>} : memref<80x64xf32, #tpu.memory_space<vmem>>, vector<1x16xf32>,
        %mul3A_799 = arith.constant 16 : i32
        %mul3A_800 = arith.muli %scan3A_195, %mul3A_799 : i32
        %add3A_801 = arith.constant 12 : i32
        %add3A_802 = arith.addi %mul3A_800, %add3A_801 : i32
        %slice3A_803 = vector.extract_strided_slice %get3A_201 {offsets = [12], sizes = [1], strides = [1]} : vector<16xf32> to vector<1xf32>
        %squeeze3A_804 = vector.extract %slice3A_803[0] : f32 from vector<1xf32>
        %get3A_805 = arith.index_cast %add3A_802 : i32 to index
        %get3A_806 = arith.constant 0 : index
        %get3A_807 = tpu.vector_load %arg10[%get3A_805, %get3A_806] {strides = array<i32>} : memref<80x64xf32, #tpu.memory_space<vmem>>, vector<1x16xf32>,
        %get3A_808 = vector.shape_cast %get3A_807 : vector<1x16xf32> to vector<16xf32>
        %mul3A_809 = vector.broadcast %squeeze3A_804 : f32 to vector<16xf32>
        %mul3A_810 = arith.mulf %get3A_808, %mul3A_809 : vector<16xf32>
        %swap3A_811 = arith.index_cast %add3A_802 : i32 to index
        %swap3A_812 = arith.constant 0 : index
        %swap3A_813 = tpu.vector_load %arg12[%swap3A_811, %swap3A_812] {strides = array<i32>} : memref<80x64xf32, #tpu.memory_space<vmem>>, vector<1x16xf32>,
        %swap3A_814 = vector.shape_cast %swap3A_813 : vector<1x16xf32> to vector<16xf32>
        %swap3A_815 = vector.shape_cast %mul3A_810 : vector<16xf32> to vector<1x16xf32>
        tpu.vector_store %arg12[%swap3A_811, %swap3A_812], %swap3A_815 {strides = array<i32>} : memref<80x64xf32, #tpu.memory_space<vmem>>, vector<1x16xf32>,
        %get3A_816 = arith.index_cast %add3A_802 : i32 to index
        %get3A_817 = arith.constant 16 : index
        %get3A_818 = tpu.vector_load %arg10[%get3A_816, %get3A_817] {strides = array<i32>} : memref<80x64xf32, #tpu.memory_space<vmem>>, vector<1x16xf32>,
        %get3A_819 = vector.shape_cast %get3A_818 : vector<1x16xf32> to vector<16xf32>
        %mul3A_820 = vector.broadcast %squeeze3A_804 : f32 to vector<16xf32>
        %mul3A_821 = arith.mulf %get3A_819, %mul3A_820 : vector<16xf32>
        %swap3A_822 = arith.index_cast %add3A_802 : i32 to index
        %swap3A_823 = arith.constant 16 : index
        %swap3A_824 = tpu.vector_load %arg12[%swap3A_822, %swap3A_823] {strides = array<i32>} : memref<80x64xf32, #tpu.memory_space<vmem>>, vector<1x16xf32>,
        %swap3A_825 = vector.shape_cast %swap3A_824 : vector<1x16xf32> to vector<16xf32>
        %swap3A_826 = vector.shape_cast %mul3A_821 : vector<16xf32> to vector<1x16xf32>
        tpu.vector_store %arg12[%swap3A_822, %swap3A_823], %swap3A_826 {strides = array<i32>} : memref<80x64xf32, #tpu.memory_space<vmem>>, vector<1x16xf32>,
        %get3A_827 = arith.index_cast %add3A_802 : i32 to index
        %get3A_828 = arith.constant 32 : index
        %get3A_829 = tpu.vector_load %arg10[%get3A_827, %get3A_828] {strides = array<i32>} : memref<80x64xf32, #tpu.memory_space<vmem>>, vector<1x16xf32>,
        %get3A_830 = vector.shape_cast %get3A_829 : vector<1x16xf32> to vector<16xf32>
        %mul3A_831 = vector.broadcast %squeeze3A_804 : f32 to vector<16xf32>
        %mul3A_832 = arith.mulf %get3A_830, %mul3A_831 : vector<16xf32>
        %swap3A_833 = arith.index_cast %add3A_802 : i32 to index
        %swap3A_834 = arith.constant 32 : index
        %swap3A_835 = tpu.vector_load %arg12[%swap3A_833, %swap3A_834] {strides = array<i32>} : memref<80x64xf32, #tpu.memory_space<vmem>>, vector<1x16xf32>,
        %swap3A_836 = vector.shape_cast %swap3A_835 : vector<1x16xf32> to vector<16xf32>
        %swap3A_837 = vector.shape_cast %mul3A_832 : vector<16xf32> to vector<1x16xf32>
        tpu.vector_store %arg12[%swap3A_833, %swap3A_834], %swap3A_837 {strides = array<i32>} : memref<80x64xf32, #tpu.memory_space<vmem>>, vector<1x16xf32>,
        %get3A_838 = arith.index_cast %add3A_802 : i32 to index
        %get3A_839 = arith.constant 48 : index
        %get3A_840 = tpu.vector_load %arg10[%get3A_838, %get3A_839] {strides = array<i32>} : memref<80x64xf32, #tpu.memory_space<vmem>>, vector<1x16xf32>,
        %get3A_841 = vector.shape_cast %get3A_840 : vector<1x16xf32> to vector<16xf32>
        %mul3A_842 = vector.broadcast %squeeze3A_804 : f32 to vector<16xf32>
        %mul3A_843 = arith.mulf %get3A_841, %mul3A_842 : vector<16xf32>
        %swap3A_844 = arith.index_cast %add3A_802 : i32 to index
        %swap3A_845 = arith.constant 48 : index
        %swap3A_846 = tpu.vector_load %arg12[%swap3A_844, %swap3A_845] {strides = array<i32>} : memref<80x64xf32, #tpu.memory_space<vmem>>, vector<1x16xf32>,
        %swap3A_847 = vector.shape_cast %swap3A_846 : vector<1x16xf32> to vector<16xf32>
        %swap3A_848 = vector.shape_cast %mul3A_843 : vector<16xf32> to vector<1x16xf32>
        tpu.vector_store %arg12[%swap3A_844, %swap3A_845], %swap3A_848 {strides = array<i32>} : memref<80x64xf32, #tpu.memory_space<vmem>>, vector<1x16xf32>,
        %mul3A_849 = arith.constant 16 : i32
        %mul3A_850 = arith.muli %scan3A_195, %mul3A_849 : i32
        %add3A_851 = arith.constant 13 : i32
        %add3A_852 = arith.addi %mul3A_850, %add3A_851 : i32
        %slice3A_853 = vector.extract_strided_slice %get3A_201 {offsets = [13], sizes = [1], strides = [1]} : vector<16xf32> to vector<1xf32>
        %squeeze3A_854 = vector.extract %slice3A_853[0] : f32 from vector<1xf32>
        %get3A_855 = arith.index_cast %add3A_852 : i32 to index
        %get3A_856 = arith.constant 0 : index
        %get3A_857 = tpu.vector_load %arg10[%get3A_855, %get3A_856] {strides = array<i32>} : memref<80x64xf32, #tpu.memory_space<vmem>>, vector<1x16xf32>,
        %get3A_858 = vector.shape_cast %get3A_857 : vector<1x16xf32> to vector<16xf32>
        %mul3A_859 = vector.broadcast %squeeze3A_854 : f32 to vector<16xf32>
        %mul3A_860 = arith.mulf %get3A_858, %mul3A_859 : vector<16xf32>
        %swap3A_861 = arith.index_cast %add3A_852 : i32 to index
        %swap3A_862 = arith.constant 0 : index
        %swap3A_863 = tpu.vector_load %arg12[%swap3A_861, %swap3A_862] {strides = array<i32>} : memref<80x64xf32, #tpu.memory_space<vmem>>, vector<1x16xf32>,
        %swap3A_864 = vector.shape_cast %swap3A_863 : vector<1x16xf32> to vector<16xf32>
        %swap3A_865 = vector.shape_cast %mul3A_860 : vector<16xf32> to vector<1x16xf32>
        tpu.vector_store %arg12[%swap3A_861, %swap3A_862], %swap3A_865 {strides = array<i32>} : memref<80x64xf32, #tpu.memory_space<vmem>>, vector<1x16xf32>,
        %get3A_866 = arith.index_cast %add3A_852 : i32 to index
        %get3A_867 = arith.constant 16 : index
        %get3A_868 = tpu.vector_load %arg10[%get3A_866, %get3A_867] {strides = array<i32>} : memref<80x64xf32, #tpu.memory_space<vmem>>, vector<1x16xf32>,
        %get3A_869 = vector.shape_cast %get3A_868 : vector<1x16xf32> to vector<16xf32>
        %mul3A_870 = vector.broadcast %squeeze3A_854 : f32 to vector<16xf32>
        %mul3A_871 = arith.mulf %get3A_869, %mul3A_870 : vector<16xf32>
        %swap3A_872 = arith.index_cast %add3A_852 : i32 to index
        %swap3A_873 = arith.constant 16 : index
        %swap3A_874 = tpu.vector_load %arg12[%swap3A_872, %swap3A_873] {strides = array<i32>} : memref<80x64xf32, #tpu.memory_space<vmem>>, vector<1x16xf32>,
        %swap3A_875 = vector.shape_cast %swap3A_874 : vector<1x16xf32> to vector<16xf32>
        %swap3A_876 = vector.shape_cast %mul3A_871 : vector<16xf32> to vector<1x16xf32>
        tpu.vector_store %arg12[%swap3A_872, %swap3A_873], %swap3A_876 {strides = array<i32>} : memref<80x64xf32, #tpu.memory_space<vmem>>, vector<1x16xf32>,
        %get3A_877 = arith.index_cast %add3A_852 : i32 to index
        %get3A_878 = arith.constant 32 : index
        %get3A_879 = tpu.vector_load %arg10[%get3A_877, %get3A_878] {strides = array<i32>} : memref<80x64xf32, #tpu.memory_space<vmem>>, vector<1x16xf32>,
        %get3A_880 = vector.shape_cast %get3A_879 : vector<1x16xf32> to vector<16xf32>
        %mul3A_881 = vector.broadcast %squeeze3A_854 : f32 to vector<16xf32>
        %mul3A_882 = arith.mulf %get3A_880, %mul3A_881 : vector<16xf32>
        %swap3A_883 = arith.index_cast %add3A_852 : i32 to index
        %swap3A_884 = arith.constant 32 : index
        %swap3A_885 = tpu.vector_load %arg12[%swap3A_883, %swap3A_884] {strides = array<i32>} : memref<80x64xf32, #tpu.memory_space<vmem>>, vector<1x16xf32>,
        %swap3A_886 = vector.shape_cast %swap3A_885 : vector<1x16xf32> to vector<16xf32>
        %swap3A_887 = vector.shape_cast %mul3A_882 : vector<16xf32> to vector<1x16xf32>
        tpu.vector_store %arg12[%swap3A_883, %swap3A_884], %swap3A_887 {strides = array<i32>} : memref<80x64xf32, #tpu.memory_space<vmem>>, vector<1x16xf32>,
        %get3A_888 = arith.index_cast %add3A_852 : i32 to index
        %get3A_889 = arith.constant 48 : index
        %get3A_890 = tpu.vector_load %arg10[%get3A_888, %get3A_889] {strides = array<i32>} : memref<80x64xf32, #tpu.memory_space<vmem>>, vector<1x16xf32>,
        %get3A_891 = vector.shape_cast %get3A_890 : vector<1x16xf32> to vector<16xf32>
        %mul3A_892 = vector.broadcast %squeeze3A_854 : f32 to vector<16xf32>
        %mul3A_893 = arith.mulf %get3A_891, %mul3A_892 : vector<16xf32>
        %swap3A_894 = arith.index_cast %add3A_852 : i32 to index
        %swap3A_895 = arith.constant 48 : index
        %swap3A_896 = tpu.vector_load %arg12[%swap3A_894, %swap3A_895] {strides = array<i32>} : memref<80x64xf32, #tpu.memory_space<vmem>>, vector<1x16xf32>,
        %swap3A_897 = vector.shape_cast %swap3A_896 : vector<1x16xf32> to vector<16xf32>
        %swap3A_898 = vector.shape_cast %mul3A_893 : vector<16xf32> to vector<1x16xf32>
        tpu.vector_store %arg12[%swap3A_894, %swap3A_895], %swap3A_898 {strides = array<i32>} : memref<80x64xf32, #tpu.memory_space<vmem>>, vector<1x16xf32>,
        %mul3A_899 = arith.constant 16 : i32
        %mul3A_900 = arith.muli %scan3A_195, %mul3A_899 : i32
        %add3A_901 = arith.constant 14 : i32
        %add3A_902 = arith.addi %mul3A_900, %add3A_901 : i32
        %slice3A_903 = vector.extract_strided_slice %get3A_201 {offsets = [14], sizes = [1], strides = [1]} : vector<16xf32> to vector<1xf32>
        %squeeze3A_904 = vector.extract %slice3A_903[0] : f32 from vector<1xf32>
        %get3A_905 = arith.index_cast %add3A_902 : i32 to index
        %get3A_906 = arith.constant 0 : index
        %get3A_907 = tpu.vector_load %arg10[%get3A_905, %get3A_906] {strides = array<i32>} : memref<80x64xf32, #tpu.memory_space<vmem>>, vector<1x16xf32>,
        %get3A_908 = vector.shape_cast %get3A_907 : vector<1x16xf32> to vector<16xf32>
        %mul3A_909 = vector.broadcast %squeeze3A_904 : f32 to vector<16xf32>
        %mul3A_910 = arith.mulf %get3A_908, %mul3A_909 : vector<16xf32>
        %swap3A_911 = arith.index_cast %add3A_902 : i32 to index
        %swap3A_912 = arith.constant 0 : index
        %swap3A_913 = tpu.vector_load %arg12[%swap3A_911, %swap3A_912] {strides = array<i32>} : memref<80x64xf32, #tpu.memory_space<vmem>>, vector<1x16xf32>,
        %swap3A_914 = vector.shape_cast %swap3A_913 : vector<1x16xf32> to vector<16xf32>
        %swap3A_915 = vector.shape_cast %mul3A_910 : vector<16xf32> to vector<1x16xf32>
        tpu.vector_store %arg12[%swap3A_911, %swap3A_912], %swap3A_915 {strides = array<i32>} : memref<80x64xf32, #tpu.memory_space<vmem>>, vector<1x16xf32>,
        %get3A_916 = arith.index_cast %add3A_902 : i32 to index
        %get3A_917 = arith.constant 16 : index
        %get3A_918 = tpu.vector_load %arg10[%get3A_916, %get3A_917] {strides = array<i32>} : memref<80x64xf32, #tpu.memory_space<vmem>>, vector<1x16xf32>,
        %get3A_919 = vector.shape_cast %get3A_918 : vector<1x16xf32> to vector<16xf32>
        %mul3A_920 = vector.broadcast %squeeze3A_904 : f32 to vector<16xf32>
        %mul3A_921 = arith.mulf %get3A_919, %mul3A_920 : vector<16xf32>
        %swap3A_922 = arith.index_cast %add3A_902 : i32 to index
        %swap3A_923 = arith.constant 16 : index
        %swap3A_924 = tpu.vector_load %arg12[%swap3A_922, %swap3A_923] {strides = array<i32>} : memref<80x64xf32, #tpu.memory_space<vmem>>, vector<1x16xf32>,
        %swap3A_925 = vector.shape_cast %swap3A_924 : vector<1x16xf32> to vector<16xf32>
        %swap3A_926 = vector.shape_cast %mul3A_921 : vector<16xf32> to vector<1x16xf32>
        tpu.vector_store %arg12[%swap3A_922, %swap3A_923], %swap3A_926 {strides = array<i32>} : memref<80x64xf32, #tpu.memory_space<vmem>>, vector<1x16xf32>,
        %get3A_927 = arith.index_cast %add3A_902 : i32 to index
        %get3A_928 = arith.constant 32 : index
        %get3A_929 = tpu.vector_load %arg10[%get3A_927, %get3A_928] {strides = array<i32>} : memref<80x64xf32, #tpu.memory_space<vmem>>, vector<1x16xf32>,
        %get3A_930 = vector.shape_cast %get3A_929 : vector<1x16xf32> to vector<16xf32>
        %mul3A_931 = vector.broadcast %squeeze3A_904 : f32 to vector<16xf32>
        %mul3A_932 = arith.mulf %get3A_930, %mul3A_931 : vector<16xf32>
        %swap3A_933 = arith.index_cast %add3A_902 : i32 to index
        %swap3A_934 = arith.constant 32 : index
        %swap3A_935 = tpu.vector_load %arg12[%swap3A_933, %swap3A_934] {strides = array<i32>} : memref<80x64xf32, #tpu.memory_space<vmem>>, vector<1x16xf32>,
        %swap3A_936 = vector.shape_cast %swap3A_935 : vector<1x16xf32> to vector<16xf32>
        %swap3A_937 = vector.shape_cast %mul3A_932 : vector<16xf32> to vector<1x16xf32>
        tpu.vector_store %arg12[%swap3A_933, %swap3A_934], %swap3A_937 {strides = array<i32>} : memref<80x64xf32, #tpu.memory_space<vmem>>, vector<1x16xf32>,
        %get3A_938 = arith.index_cast %add3A_902 : i32 to index
        %get3A_939 = arith.constant 48 : index
        %get3A_940 = tpu.vector_load %arg10[%get3A_938, %get3A_939] {strides = array<i32>} : memref<80x64xf32, #tpu.memory_space<vmem>>, vector<1x16xf32>,
        %get3A_941 = vector.shape_cast %get3A_940 : vector<1x16xf32> to vector<16xf32>
        %mul3A_942 = vector.broadcast %squeeze3A_904 : f32 to vector<16xf32>
        %mul3A_943 = arith.mulf %get3A_941, %mul3A_942 : vector<16xf32>
        %swap3A_944 = arith.index_cast %add3A_902 : i32 to index
        %swap3A_945 = arith.constant 48 : index
        %swap3A_946 = tpu.vector_load %arg12[%swap3A_944, %swap3A_945] {strides = array<i32>} : memref<80x64xf32, #tpu.memory_space<vmem>>, vector<1x16xf32>,
        %swap3A_947 = vector.shape_cast %swap3A_946 : vector<1x16xf32> to vector<16xf32>
        %swap3A_948 = vector.shape_cast %mul3A_943 : vector<16xf32> to vector<1x16xf32>
        tpu.vector_store %arg12[%swap3A_944, %swap3A_945], %swap3A_948 {strides = array<i32>} : memref<80x64xf32, #tpu.memory_space<vmem>>, vector<1x16xf32>,
        %mul3A_949 = arith.constant 16 : i32
        %mul3A_950 = arith.muli %scan3A_195, %mul3A_949 : i32
        %add3A_951 = arith.constant 15 : i32
        %add3A_952 = arith.addi %mul3A_950, %add3A_951 : i32
        %slice3A_953 = vector.extract_strided_slice %get3A_201 {offsets = [15], sizes = [1], strides = [1]} : vector<16xf32> to vector<1xf32>
        %squeeze3A_954 = vector.extract %slice3A_953[0] : f32 from vector<1xf32>
        %get3A_955 = arith.index_cast %add3A_952 : i32 to index
        %get3A_956 = arith.constant 0 : index
        %get3A_957 = tpu.vector_load %arg10[%get3A_955, %get3A_956] {strides = array<i32>} : memref<80x64xf32, #tpu.memory_space<vmem>>, vector<1x16xf32>,
        %get3A_958 = vector.shape_cast %get3A_957 : vector<1x16xf32> to vector<16xf32>
        %mul3A_959 = vector.broadcast %squeeze3A_954 : f32 to vector<16xf32>
        %mul3A_960 = arith.mulf %get3A_958, %mul3A_959 : vector<16xf32>
        %swap3A_961 = arith.index_cast %add3A_952 : i32 to index
        %swap3A_962 = arith.constant 0 : index
        %swap3A_963 = tpu.vector_load %arg12[%swap3A_961, %swap3A_962] {strides = array<i32>} : memref<80x64xf32, #tpu.memory_space<vmem>>, vector<1x16xf32>,
        %swap3A_964 = vector.shape_cast %swap3A_963 : vector<1x16xf32> to vector<16xf32>
        %swap3A_965 = vector.shape_cast %mul3A_960 : vector<16xf32> to vector<1x16xf32>
        tpu.vector_store %arg12[%swap3A_961, %swap3A_962], %swap3A_965 {strides = array<i32>} : memref<80x64xf32, #tpu.memory_space<vmem>>, vector<1x16xf32>,
        %get3A_966 = arith.index_cast %add3A_952 : i32 to index
        %get3A_967 = arith.constant 16 : index
        %get3A_968 = tpu.vector_load %arg10[%get3A_966, %get3A_967] {strides = array<i32>} : memref<80x64xf32, #tpu.memory_space<vmem>>, vector<1x16xf32>,
        %get3A_969 = vector.shape_cast %get3A_968 : vector<1x16xf32> to vector<16xf32>
        %mul3A_970 = vector.broadcast %squeeze3A_954 : f32 to vector<16xf32>
        %mul3A_971 = arith.mulf %get3A_969, %mul3A_970 : vector<16xf32>
        %swap3A_972 = arith.index_cast %add3A_952 : i32 to index
        %swap3A_973 = arith.constant 16 : index
        %swap3A_974 = tpu.vector_load %arg12[%swap3A_972, %swap3A_973] {strides = array<i32>} : memref<80x64xf32, #tpu.memory_space<vmem>>, vector<1x16xf32>,
        %swap3A_975 = vector.shape_cast %swap3A_974 : vector<1x16xf32> to vector<16xf32>
        %swap3A_976 = vector.shape_cast %mul3A_971 : vector<16xf32> to vector<1x16xf32>
        tpu.vector_store %arg12[%swap3A_972, %swap3A_973], %swap3A_976 {strides = array<i32>} : memref<80x64xf32, #tpu.memory_space<vmem>>, vector<1x16xf32>,
        %get3A_977 = arith.index_cast %add3A_952 : i32 to index
        %get3A_978 = arith.constant 32 : index
        %get3A_979 = tpu.vector_load %arg10[%get3A_977, %get3A_978] {strides = array<i32>} : memref<80x64xf32, #tpu.memory_space<vmem>>, vector<1x16xf32>,
        %get3A_980 = vector.shape_cast %get3A_979 : vector<1x16xf32> to vector<16xf32>
        %mul3A_981 = vector.broadcast %squeeze3A_954 : f32 to vector<16xf32>
        %mul3A_982 = arith.mulf %get3A_980, %mul3A_981 : vector<16xf32>
        %swap3A_983 = arith.index_cast %add3A_952 : i32 to index
        %swap3A_984 = arith.constant 32 : index
        %swap3A_985 = tpu.vector_load %arg12[%swap3A_983, %swap3A_984] {strides = array<i32>} : memref<80x64xf32, #tpu.memory_space<vmem>>, vector<1x16xf32>,
        %swap3A_986 = vector.shape_cast %swap3A_985 : vector<1x16xf32> to vector<16xf32>
        %swap3A_987 = vector.shape_cast %mul3A_982 : vector<16xf32> to vector<1x16xf32>
        tpu.vector_store %arg12[%swap3A_983, %swap3A_984], %swap3A_987 {strides = array<i32>} : memref<80x64xf32, #tpu.memory_space<vmem>>, vector<1x16xf32>,
        %get3A_988 = arith.index_cast %add3A_952 : i32 to index
        %get3A_989 = arith.constant 48 : index
        %get3A_990 = tpu.vector_load %arg10[%get3A_988, %get3A_989] {strides = array<i32>} : memref<80x64xf32, #tpu.memory_space<vmem>>, vector<1x16xf32>,
        %get3A_991 = vector.shape_cast %get3A_990 : vector<1x16xf32> to vector<16xf32>
        %mul3A_992 = vector.broadcast %squeeze3A_954 : f32 to vector<16xf32>
        %mul3A_993 = arith.mulf %get3A_991, %mul3A_992 : vector<16xf32>
        %swap3A_994 = arith.index_cast %add3A_952 : i32 to index
        %swap3A_995 = arith.constant 48 : index
        %swap3A_996 = tpu.vector_load %arg12[%swap3A_994, %swap3A_995] {strides = array<i32>} : memref<80x64xf32, #tpu.memory_space<vmem>>, vector<1x16xf32>,
        %swap3A_997 = vector.shape_cast %swap3A_996 : vector<1x16xf32> to vector<16xf32>
        %swap3A_998 = vector.shape_cast %mul3A_993 : vector<16xf32> to vector<1x16xf32>
        tpu.vector_store %arg12[%swap3A_994, %swap3A_995], %swap3A_998 {strides = array<i32>} : memref<80x64xf32, #tpu.memory_space<vmem>>, vector<1x16xf32>,
        %scan3A_999 = arith.constant 0 : i32
        scf.yield %scan3A_999 : i32
      }
      %scan3A_177 = arith.constant 5 : i32
      %add3A_178 = arith.constant 3 : i32
      %add3A_179 = arith.addi %mul3A_119, %add3A_178 : i32
      %dma_start3A_180 = arith.constant 0 : i32
      %dma_start3A_181 = tpu.memref_slice %arg7[%add3A_179, %dma_start3A_180] : memref<252x80xi32, #tpu.memory_space<vmem>> -> memref<1x80xi32, #tpu.memory_space<vmem>>
      %dma_start3A_182 = tpu.memref_squeeze %dma_start3A_181 : memref<1x80xi32, #tpu.memory_space<vmem>> -> memref<80xi32, #tpu.memory_space<vmem>>
      %dma_start3A_183 = arith.constant 0 : i32
      %dma_start3A_184 = arith.constant 0 : i32
      %dma_start3A_185 = tpu.memref_slice %arg2[%dma_start3A_183, %dma_start3A_184] : memref<20000x64xf32, #tpu.memory_space<hbm>> -> memref<20000x64xf32, #tpu.memory_space<hbm>>
      tpu.enqueue_indirect_dma source(%dma_start3A_185 : memref<20000x64xf32, #tpu.memory_space<hbm>>) target(%arg10 : memref<80x64xf32, #tpu.memory_space<vmem>>) offsets(%dma_start3A_182 : memref<80xi32, #tpu.memory_space<vmem>>) semaphore(%arg16 : memref<!tpu.dma_semaphore, #tpu.memory_space<semaphore_mem>>)
      %add3A_186 = arith.constant 1 : i32
      %add3A_187 = arith.addi %mul3A_119, %add3A_186 : i32
      %dma_start3A_188 = arith.constant 0 : i32
      %dma_start3A_189 = tpu.memref_slice %arg8[%add3A_187, %dma_start3A_188] : memref<250x80xi32, #tpu.memory_space<vmem>> -> memref<1x80xi32, #tpu.memory_space<vmem>>
      %dma_start3A_190 = tpu.memref_squeeze %dma_start3A_189 : memref<1x80xi32, #tpu.memory_space<vmem>> -> memref<80xi32, #tpu.memory_space<vmem>>
      %dma_start3A_191 = arith.constant 0 : i32
      %dma_start3A_192 = arith.constant 0 : i32
      %dma_start3A_193 = tpu.memref_slice %arg14[%dma_start3A_191, %dma_start3A_192] : memref<10000x64xf32, #tpu.memory_space<vmem_shared>> -> memref<10000x64xf32, #tpu.memory_space<vmem_shared>>
      tpu.enqueue_indirect_dma source(%arg12 : memref<80x64xf32, #tpu.memory_space<vmem>>) target(%dma_start3A_193 : memref<10000x64xf32, #tpu.memory_space<vmem_shared>>) offsets(%dma_start3A_190 : memref<80xi32, #tpu.memory_space<vmem>>) semaphore(%arg18 : memref<!tpu.dma_semaphore, #tpu.memory_space<semaphore_mem>>) {add = true}
      %scan3A_194 = arith.constant 0 : i32
      scf.yield %scan3A_194 : i32
    }
    %scan3A_78 = arith.constant 125 : i32
    %dma_wait3A = arith.constant 0 : i32
    %dma_wait3A_79 = arith.constant 0 : i32
    %dma_wait3A_80 = tpu.memref_slice %arg8[%dma_wait3A, %dma_wait3A_79] : memref<250x80xi32, #tpu.memory_space<vmem>> -> memref<1x80xi32, #tpu.memory_space<vmem>>
    %dma_wait3A_81 = tpu.memref_squeeze %dma_wait3A_80 : memref<1x80xi32, #tpu.memory_space<vmem>> -> memref<80xi32, #tpu.memory_space<vmem>>
    %dma_wait3A_82 = arith.constant 0 : i32
    %dma_wait3A_83 = arith.constant 0 : i32
    %dma_wait3A_84 = tpu.memref_slice %arg14[%dma_wait3A_82, %dma_wait3A_83] : memref<10000x64xf32, #tpu.memory_space<vmem_shared>> -> memref<10000x64xf32, #tpu.memory_space<vmem_shared>>
    tpu.wait_indirect_dma semaphore(%arg17 : memref<!tpu.dma_semaphore, #tpu.memory_space<semaphore_mem>>) src(%arg11 : memref<80x64xf32, #tpu.memory_space<vmem>>) dst(%dma_wait3A_84 : memref<10000x64xf32, #tpu.memory_space<vmem_shared>>)
    %dma_wait3A_85 = arith.constant 1 : i32
    %dma_wait3A_86 = arith.constant 0 : i32
    %dma_wait3A_87 = tpu.memref_slice %arg8[%dma_wait3A_85, %dma_wait3A_86] : memref<250x80xi32, #tpu.memory_space<vmem>> -> memref<1x80xi32, #tpu.memory_space<vmem>>
    %dma_wait3A_88 = tpu.memref_squeeze %dma_wait3A_87 : memref<1x80xi32, #tpu.memory_space<vmem>> -> memref<80xi32, #tpu.memory_space<vmem>>
    %dma_wait3A_89 = arith.constant 0 : i32
    %dma_wait3A_90 = arith.constant 0 : i32
    %dma_wait3A_91 = tpu.memref_slice %arg14[%dma_wait3A_89, %dma_wait3A_90] : memref<10000x64xf32, #tpu.memory_space<vmem_shared>> -> memref<10000x64xf32, #tpu.memory_space<vmem_shared>>
    tpu.wait_indirect_dma semaphore(%arg18 : memref<!tpu.dma_semaphore, #tpu.memory_space<semaphore_mem>>) src(%arg12 : memref<80x64xf32, #tpu.memory_space<vmem>>) dst(%dma_wait3A_91 : memref<10000x64xf32, #tpu.memory_space<vmem_shared>>)
    %dma_wait3A_92 = arith.constant 250 : i32
    %dma_wait3A_93 = arith.constant 0 : i32
    %dma_wait3A_94 = tpu.memref_slice %arg7[%dma_wait3A_92, %dma_wait3A_93] : memref<252x80xi32, #tpu.memory_space<vmem>> -> memref<1x80xi32, #tpu.memory_space<vmem>>
    %dma_wait3A_95 = tpu.memref_squeeze %dma_wait3A_94 : memref<1x80xi32, #tpu.memory_space<vmem>> -> memref<80xi32, #tpu.memory_space<vmem>>
    %dma_wait3A_96 = arith.constant 0 : i32
    %dma_wait3A_97 = arith.constant 0 : i32
    %dma_wait3A_98 = tpu.memref_slice %arg2[%dma_wait3A_96, %dma_wait3A_97] : memref<20000x64xf32, #tpu.memory_space<hbm>> -> memref<20000x64xf32, #tpu.memory_space<hbm>>
    tpu.wait_indirect_dma semaphore(%arg15 : memref<!tpu.dma_semaphore, #tpu.memory_space<semaphore_mem>>) src(%dma_wait3A_98 : memref<20000x64xf32, #tpu.memory_space<hbm>>) dst(%arg9 : memref<80x64xf32, #tpu.memory_space<vmem>>)
    %dma_wait3A_99 = arith.constant 251 : i32
    %dma_wait3A_100 = arith.constant 0 : i32
    %dma_wait3A_101 = tpu.memref_slice %arg7[%dma_wait3A_99, %dma_wait3A_100] : memref<252x80xi32, #tpu.memory_space<vmem>> -> memref<1x80xi32, #tpu.memory_space<vmem>>
    %dma_wait3A_102 = tpu.memref_squeeze %dma_wait3A_101 : memref<1x80xi32, #tpu.memory_space<vmem>> -> memref<80xi32, #tpu.memory_space<vmem>>
    %dma_wait3A_103 = arith.constant 0 : i32
    %dma_wait3A_104 = arith.constant 0 : i32
    %dma_wait3A_105 = tpu.memref_slice %arg2[%dma_wait3A_103, %dma_wait3A_104] : memref<20000x64xf32, #tpu.memory_space<hbm>> -> memref<20000x64xf32, #tpu.memory_space<hbm>>
    tpu.wait_indirect_dma semaphore(%arg16 : memref<!tpu.dma_semaphore, #tpu.memory_space<semaphore_mem>>) src(%dma_wait3A_105 : memref<20000x64xf32, #tpu.memory_space<hbm>>) dst(%arg10 : memref<80x64xf32, #tpu.memory_space<vmem>>)
    %barrier3A_106 = arith.constant 0 : index
    tpu.barrier barrier_id(%barrier3A_106)
    %mul3A_107 = arith.constant 624 : i32
    %mul3A_108 = arith.muli %arg1, %mul3A_107 : i32
    %mul3A_109 = arith.constant 624 : i32
    %mul3A_110 = arith.muli %arg1, %mul3A_109 : i32
    "tpu.region"() ({
      %run_scoped3A = tpu.sem_alloc : memref<!tpu.dma_semaphore, #tpu.memory_space<semaphore_mem>>
      %dma_start3A_116 = arith.constant 0 : i32
      %dma_start3A_117 = tpu.memref_slice %arg6[%arg0, %mul3A_110, %dma_start3A_116] : memref<2x10000x64xf32, #tpu.memory_space<hbm>> -> memref<1x624x64xf32, #tpu.memory_space<hbm>>
      %dma_start3A_118 = tpu.memref_squeeze %dma_start3A_117 : memref<1x624x64xf32, #tpu.memory_space<hbm>> -> memref<624x64xf32, #tpu.memory_space<hbm>>
      %dma_start3A_119 = arith.constant 0 : i32
      %dma_start3A_120 = tpu.memref_slice %arg14[%mul3A_108, %dma_start3A_119] : memref<10000x64xf32, #tpu.memory_space<vmem_shared>> -> memref<624x64xf32, #tpu.memory_space<vmem_shared>>
      tpu.enqueue_dma source(%dma_start3A_120 : memref<624x64xf32, #tpu.memory_space<vmem_shared>>) target(%dma_start3A_118 : memref<624x64xf32, #tpu.memory_space<hbm>>) target_semaphore(%run_scoped3A : memref<!tpu.dma_semaphore, #tpu.memory_space<semaphore_mem>>)
      %dma_wait3A_121 = arith.constant 0 : i32
      %dma_wait3A_122 = tpu.memref_slice %arg6[%arg0, %mul3A_110, %dma_wait3A_121] : memref<2x10000x64xf32, #tpu.memory_space<hbm>> -> memref<1x624x64xf32, #tpu.memory_space<hbm>>
      %dma_wait3A_123 = tpu.memref_squeeze %dma_wait3A_122 : memref<1x624x64xf32, #tpu.memory_space<hbm>> -> memref<624x64xf32, #tpu.memory_space<hbm>>
      %dma_wait3A_124 = arith.constant 0 : i32
      %dma_wait3A_125 = tpu.memref_slice %arg14[%mul3A_108, %dma_wait3A_124] : memref<10000x64xf32, #tpu.memory_space<vmem_shared>> -> memref<624x64xf32, #tpu.memory_space<vmem_shared>>
      tpu.wait_dma2 semaphore(%run_scoped3A : memref<!tpu.dma_semaphore, #tpu.memory_space<semaphore_mem>>) src(%dma_wait3A_125 : memref<624x64xf32, #tpu.memory_space<vmem_shared>>) dst(%dma_wait3A_123 : memref<624x64xf32, #tpu.memory_space<hbm>>)
      tpu.yield
    }) : () -> ()
    %eq3A_111 = arith.constant 15 : i32
    %eq3A_112 = arith.cmpi eq, %arg1, %eq3A_111 : i32
    %convert_element_type3A_113 = arith.extui %eq3A_112 : i1 to i32
    %cond3A_114 = arith.constant 0 : i32
    %cond3A_115 = arith.cmpi ne, %convert_element_type3A_113, %cond3A_114 : i32
    scf.if %cond3A_115 {
      "tpu.region"() ({
        %run_scoped3A = tpu.sem_alloc : memref<!tpu.dma_semaphore, #tpu.memory_space<semaphore_mem>>
        %dma_start3A_116 = arith.constant 9984 : i32
        %dma_start3A_117 = arith.constant 0 : i32
        %dma_start3A_118 = tpu.memref_slice %arg6[%arg0, %dma_start3A_116, %dma_start3A_117] : memref<2x10000x64xf32, #tpu.memory_space<hbm>> -> memref<1x16x64xf32, #tpu.memory_space<hbm>>
        %dma_start3A_119 = tpu.memref_squeeze %dma_start3A_118 : memref<1x16x64xf32, #tpu.memory_space<hbm>> -> memref<16x64xf32, #tpu.memory_space<hbm>>
        %dma_start3A_120 = arith.constant 9984 : i32
        %dma_start3A_121 = arith.constant 0 : i32
        %dma_start3A_122 = tpu.memref_slice %arg14[%dma_start3A_120, %dma_start3A_121] : memref<10000x64xf32, #tpu.memory_space<vmem_shared>> -> memref<16x64xf32, #tpu.memory_space<vmem_shared>>
        tpu.enqueue_dma source(%dma_start3A_122 : memref<16x64xf32, #tpu.memory_space<vmem_shared>>) target(%dma_start3A_119 : memref<16x64xf32, #tpu.memory_space<hbm>>) target_semaphore(%run_scoped3A : memref<!tpu.dma_semaphore, #tpu.memory_space<semaphore_mem>>)
        %dma_wait3A_123 = arith.constant 9984 : i32
        %dma_wait3A_124 = arith.constant 0 : i32
        %dma_wait3A_125 = tpu.memref_slice %arg6[%arg0, %dma_wait3A_123, %dma_wait3A_124] : memref<2x10000x64xf32, #tpu.memory_space<hbm>> -> memref<1x16x64xf32, #tpu.memory_space<hbm>>
        %dma_wait3A_126 = tpu.memref_squeeze %dma_wait3A_125 : memref<1x16x64xf32, #tpu.memory_space<hbm>> -> memref<16x64xf32, #tpu.memory_space<hbm>>
        %dma_wait3A_127 = arith.constant 9984 : i32
        %dma_wait3A_128 = arith.constant 0 : i32
        %dma_wait3A_129 = tpu.memref_slice %arg14[%dma_wait3A_127, %dma_wait3A_128] : memref<10000x64xf32, #tpu.memory_space<vmem_shared>> -> memref<16x64xf32, #tpu.memory_space<vmem_shared>>
        tpu.wait_dma2 semaphore(%run_scoped3A : memref<!tpu.dma_semaphore, #tpu.memory_space<semaphore_mem>>) src(%dma_wait3A_129 : memref<16x64xf32, #tpu.memory_space<vmem_shared>>) dst(%dma_wait3A_126 : memref<16x64xf32, #tpu.memory_space<hbm>>)
        tpu.yield
      }) : () -> ()
    } else {
    }
    return
  }
}

module attributes {stable_mosaic.version = 14 : i64} {
  func.func @_mm_body(%arg0: i32, %arg1: memref<2x1000x64xf32, #tpu.memory_space<vmem>>, %arg2: memref<2x64x128xf32, #tpu.memory_space<vmem>>, %arg3: memref<1x128xf32, #tpu.memory_space<vmem>>, %arg4: memref<1000x128xf32, #tpu.memory_space<vmem>>) attributes {dimension_semantics = [#tpu.dimension_semantics<arbitrary>], iteration_bounds = array<i64: 10>, scalar_prefetch = 0 : i64, scratch_operands = 0 : i64, tpu.core_type = #tpu.core_type<tc>, window_params = [{transform_indices = @transform_0, window_bounds = array<i64: 2, 1000, 64>}, {pipeline_mode = #tpu.pipeline_mode<synchronous>, transform_indices = @transform_1, window_bounds = array<i64: 2, 64, 128>}, {pipeline_mode = #tpu.pipeline_mode<synchronous>, transform_indices = @transform_2, window_bounds = array<i64: 1, 128>}, {transform_indices = @transform_3, window_bounds = array<i64: 1000, 128>}]} {
    %get3A = arith.constant 0 : index
    %get3A_0 = arith.constant 0 : index
    %get3A_1 = arith.constant 0 : index
    %get3A_2 = vector.load %arg1[%get3A, %get3A_0, %get3A_1] : memref<2x1000x64xf32, #tpu.memory_space<vmem>>, vector<1x1000x64xf32>
    %get3A_3 = vector.shape_cast %get3A_2 : vector<1x1000x64xf32> to vector<1000x64xf32>
    %get3A_4 = arith.constant 0 : index
    %get3A_5 = arith.constant 0 : index
    %get3A_6 = arith.constant 0 : index
    %get3A_7 = vector.load %arg2[%get3A_4, %get3A_5, %get3A_6] : memref<2x64x128xf32, #tpu.memory_space<vmem>>, vector<1x64x128xf32>
    %get3A_8 = vector.shape_cast %get3A_7 : vector<1x64x128xf32> to vector<64x128xf32>
    %dot_general3A = arith.constant dense<0.000000e+00> : vector<1000x128xf32>
    %dot_general3A_9 = tpu.matmul %get3A_3, %get3A_8, %dot_general3A {dimension_numbers = #tpu.dot_dimension_numbers<[1], [0], [0], [1], [0, 0, 1, 1], [], []>, transpose_lhs_hint = false} : vector<1000x64xf32>, vector<64x128xf32>, vector<1000x128xf32> -> vector<1000x128xf32>
    %get3A_10 = arith.constant 1 : index
    %get3A_11 = arith.constant 0 : index
    %get3A_12 = arith.constant 0 : index
    %get3A_13 = vector.load %arg1[%get3A_10, %get3A_11, %get3A_12] : memref<2x1000x64xf32, #tpu.memory_space<vmem>>, vector<1x1000x64xf32>
    %get3A_14 = vector.shape_cast %get3A_13 : vector<1x1000x64xf32> to vector<1000x64xf32>
    %get3A_15 = arith.constant 1 : index
    %get3A_16 = arith.constant 0 : index
    %get3A_17 = arith.constant 0 : index
    %get3A_18 = vector.load %arg2[%get3A_15, %get3A_16, %get3A_17] : memref<2x64x128xf32, #tpu.memory_space<vmem>>, vector<1x64x128xf32>
    %get3A_19 = vector.shape_cast %get3A_18 : vector<1x64x128xf32> to vector<64x128xf32>
    %dot_general3A_20 = arith.constant dense<0.000000e+00> : vector<1000x128xf32>
    %dot_general3A_21 = tpu.matmul %get3A_14, %get3A_19, %dot_general3A_20 {dimension_numbers = #tpu.dot_dimension_numbers<[1], [0], [0], [1], [0, 0, 1, 1], [], []>, transpose_lhs_hint = false} : vector<1000x64xf32>, vector<64x128xf32>, vector<1000x128xf32> -> vector<1000x128xf32>
    %add3A = arith.addf %dot_general3A_9, %dot_general3A_21 : vector<1000x128xf32>
    %get3A_22 = arith.constant 0 : index
    %get3A_23 = arith.constant 0 : index
    %get3A_24 = vector.load %arg3[%get3A_22, %get3A_23] : memref<1x128xf32, #tpu.memory_space<vmem>>, vector<1x128xf32>
    %add3A_25 = vector.broadcast %get3A_24 : vector<1x128xf32> to vector<1000x128xf32>
    %add3A_26 = arith.addf %add3A, %add3A_25 : vector<1000x128xf32>
    %swap3A = arith.constant 0 : index
    %swap3A_27 = arith.constant 0 : index
    %swap3A_28 = vector.load %arg4[%swap3A, %swap3A_27] : memref<1000x128xf32, #tpu.memory_space<vmem>>, vector<1000x128xf32>
    tpu.vector_store %arg4[%swap3A, %swap3A_27], %add3A_26 {strides = array<i32>} : memref<1000x128xf32, #tpu.memory_space<vmem>>, vector<1000x128xf32>,
    return
  }
  func.func @transform_0(%arg0: i32) -> (i32, i32, i32) {
    %c0_i32 = arith.constant 0 : i32
    %c0_i32_0 = arith.constant 0 : i32
    %c0_i32_1 = arith.constant 0 : i32
    return %c0_i32, %arg0, %c0_i32_0 : i32, i32, i32
  }
  func.func @transform_1(%arg0: i32) -> (i32, i32, i32) {
    %c0_i32 = arith.constant 0 : i32
    %c0_i32_0 = arith.constant 0 : i32
    %c0_i32_1 = arith.constant 0 : i32
    %c0_i32_2 = arith.constant 0 : i32
    return %c0_i32, %c0_i32_0, %c0_i32_1 : i32, i32, i32
  }
  func.func @transform_2(%arg0: i32) -> (i32, i32) {
    %c0_i32 = arith.constant 0 : i32
    %c0_i32_0 = arith.constant 0 : i32
    %c0_i32_1 = arith.constant 0 : i32
    return %c0_i32, %c0_i32_0 : i32, i32
  }
  func.func @transform_3(%arg0: i32) -> (i32, i32) {
    %c0_i32 = arith.constant 0 : i32
    %c0_i32_0 = arith.constant 0 : i32
    return %arg0, %c0_i32 : i32, i32
  }
}

</mosaic_0001>

<sc_bundles>
// kernel: kernel.4.cloned.1.call-start
scs
__scs_entry_jumppad:
0x0: {  	(pc) =	sbr.rel $0x88, $3  }
0x1: {  	(tag) =	ssettag $0x0;
	lr =	simm.s32 $0x1  }
0x2: {  	[smem:$0x3F9C] =	sst lr;
	_ =	strace $0xD0000000  }
0x3: {  	_ = 	snop  }
0x4: {  	_ = 	snop  }
0x5: {  	_ = 	snop  }
0x6: {  	_ = 	snop  }
0x7: {  	_ = 	snop  }
__scs_overlays_trampoline_lowered:
0x8: {  	[smem:$0x3FAB] =	sst s0  }
0x9: {  	[smem:$0x3FAC] =	sst s1  }
0xa: {  	[smem:$0x3FAD] =	sst s2  }
0xb: {  	[smem:$0x3FAE] =	sst s3  }
0xc: {  	[smem:$0x3FAF] =	sst s4  }
0xd: {  	[smem:$0x3FB0] =	sst s5  }
0xe: {  	[smem:$0x3FB1] =	sst s6  }
0xf: {  	[smem:$0x3FB2] =	sst s7  }
0x10: {  	[smem:$0x3FB3] =	sst s8  }
0x11: {  	[smem:$0x3FB4] =	sst s9;
	s0 =	simm.s32 @!p0 $0x0  }
0x12: {  	s1 =	sld [smem:$0x3F9A];
	s0 =	simm.s32 @p0 $0x1  }
0x13: {  	[smem:$0x3FB5] =	sst s0;
	s0 =	simm.s32 @!p1 $0x0  }
0x14: {  	s2 =	sld [smem:$0x3F99];
	s0 =	simm.s32 @p1 $0x1  }
0x15: {  	[smem:$0x3FB6] =	sst s0;
	s0 =	simm.s32 @!p2 $0x0  }
0x16: {  	s3 =	sld [smem:$0x3FDB];
	s0 =	simm.s32 @p2 $0x1  }
0x17: {  	s4 =	simm.s32 $0x1BF5;
	[smem:$0x3FB8] =	sst s0  }
0x18: {  	s0 =	sld [smem:$0x3F9B];
	_ =	swait.ge [sflag:s4], $0x0  }
0x19: {  	s7 =	sld [smem:$0x3F9C]  }
0x1a: {  	s8 =	sadd.s32 $0xFFFFE003, lr  }
0x1b: {  	s9 =	sadd.s32 $0xFFFFFEF7, lr;
	s5 =	simm.s32 $0xFFFFFFFF;
	p2 =	slt.u32 s8, $0xFFFFF086  }
0x1c: {  	p1 =	slt.u32 s9, $0xF7A;
	s5 =	simm.s32 @!p2 $0x0  }
0x1d: {  	s5 =	simm.s32 @p1 $0x1;
	p0 =	seq.s32 s7, s2  }
0x1e: {  	s7 =	smul.u32 @!p0 $0xF7A, s2;
	p2 =	seq.s32 @!p0 s5, $0x0  }
0x1f: {  	s9 =	smul.u32 $0xF7A, s1;
	s8 =	simm.s32 @!p0 $0x1BF5;
	p2 =	por !p2, p0  }
0x20: {  	[sflag:s8] =	ssyncset.s32 @!p0 $0xFFFFF086;
	s6 =	sadd.s32 @!p0 s3, s7;
	s7 =	simm.s32 @!p0 $0x108  }
0x21: {  	s3 =	sadd.s32 s3, s9;
	s6 =	sadd.s32 @!p0 $0x88, s6;
	s7 =	simm.s32 @p2 $0x1082  }
0x22: {  	[simem:s7], [sflag:s8] =	dma.local @!p0 [hbm:s6], $0xF7A  }
0x23: {  	s9 =	sor.u32 $0xD0000000, s2;
	s6 =	simm.s32 $0x108;
	_ =	swait.ge @!p0 [sflag:s8], $0x0  }
0x24: {  	s3 =	sadd.s32 $0x88, s3;
	s6 =	simm.s32 @!p1 $0x1082;
	[sflag:s4] =	ssyncset.s32 $0xFFFFF086  }
0x25: {  	[simem:s6], [sflag:s4] =	dma.local [hbm:s3], $0xF7A  }
0x26: {  	[smem:$0x3F9C] =	sst s1;
	(tag) =	ssettag s2;
	_ =	strace s9  }
0x27: {  	s1 =	sld [smem:$0x3FAC]  }
0x28: {  	s2 =	sld [smem:$0x3FAD]  }
0x29: {  	s4 =	sld [smem:$0x3FAF]  }
0x2a: {  	p0 =	seq.s32 s5, $0x0;
	s5 =	sld [smem:$0x3FB0]  }
0x2b: {  	s6 =	sld [smem:$0x3FB1]  }
0x2c: {  	s7 =	sld [smem:$0x3FB2]  }
0x2d: {  	s3 =	simm.s32 $0x108;
	s8 =	sld [smem:$0x3FB3]  }
0x2e: {  	s3 =	simm.s32 @!p0 $0x1082;
	s9 =	sld [smem:$0x3FB4]  }
0x2f: {  	lr =	sadd.s32 s0, s3;
	s0 =	sld [smem:$0x3FAB]  }
0x30: {  	s3 =	sld [smem:$0x3FAE]  }
0x31: {  	[smem:$0x3FB7] =	sst s10  }
0x32: {  	s10 =	sld [smem:$0x3FB5];
	_ =	sdelay $0x3  }
0x33: {  	p0 =	seq.s32 s10, $0x1;
	s10 =	sld [smem:$0x3FB7];
	_ =	sdelay $0x3  }
0x34: {  	[smem:$0x3FB7] =	sst s10  }
0x35: {  	s10 =	sld [smem:$0x3FB6];
	_ =	sdelay $0x3  }
0x36: {  	p1 =	seq.s32 s10, $0x1;
	s10 =	sld [smem:$0x3FB7];
	_ =	sdelay $0x3  }
0x37: {  	[smem:$0x3FB7] =	sst s10  }
0x38: {  	s10 =	sld [smem:$0x3FB8]  }
0x39: {  	_ = 	snop;
	(pc) =	sbr.ind lr, $3  }
0x3a: {  	_ = 	snop  }
0x3b: {  	_ = 	snop  }
0x3c: {  	p2 =	seq.s32 s10, $0x1;
	s10 =	sld [smem:$0x3FB7]  }
0x3d: {  	_ =	shalt  }
0x3e: {  	_ =	shalt  }
0x3f: {  	_ =	shalt  }
0x40: {  	_ =	shalt  }
0x41: {  	_ =	shalt  }
0x42: {  	_ =	shalt  }
0x43: {  	_ =	shalt  }
0x44: {  	_ =	shalt  }
0x45: {  	_ =	shalt  }
0x46: {  	_ =	shalt  }
0x47: {  	_ =	shalt  }
0x48: {  	_ =	shalt  }
0x49: {  	_ =	shalt  }
0x4a: {  	_ =	shalt  }
0x4b: {  	_ =	shalt  }
0x4c: {  	_ =	shalt  }
0x4d: {  	_ =	shalt  }
0x4e: {  	_ =	shalt  }
0x4f: {  	_ =	shalt  }
0x50: {  	_ =	shalt  }
0x51: {  	_ =	shalt  }
0x52: {  	_ =	shalt  }
0x53: {  	_ =	shalt  }
0x54: {  	_ =	shalt  }
0x55: {  	_ =	shalt  }
0x56: {  	_ =	shalt  }
0x57: {  	_ =	shalt  }
0x58: {  	_ =	shalt  }
0x59: {  	_ =	shalt  }
0x5a: {  	_ =	shalt  }
0x5b: {  	_ =	shalt  }
0x5c: {  	_ =	shalt  }
0x5d: {  	_ =	shalt  }
0x5e: {  	_ =	shalt  }
0x5f: {  	_ =	shalt  }
0x60: {  	_ =	shalt  }
0x61: {  	_ =	shalt  }
0x62: {  	_ =	shalt  }
0x63: {  	_ =	shalt  }
0x64: {  	_ =	shalt  }
0x65: {  	_ =	shalt  }
0x66: {  	_ =	shalt  }
0x67: {  	_ =	shalt  }
0x68: {  	_ =	shalt  }
0x69: {  	_ =	shalt  }
0x6a: {  	_ =	shalt  }
0x6b: {  	_ =	shalt  }
0x6c: {  	_ =	shalt  }
0x6d: {  	_ =	shalt  }
0x6e: {  	_ =	shalt  }
0x6f: {  	_ =	shalt  }
0x70: {  	_ =	shalt  }
0x71: {  	_ =	shalt  }
0x72: {  	_ =	shalt  }
0x73: {  	_ =	shalt  }
0x74: {  	_ =	shalt  }
0x75: {  	_ =	shalt  }
0x76: {  	_ =	shalt  }
0x77: {  	_ =	shalt  }
0x78: {  	_ =	shalt  }
0x79: {  	_ =	shalt  }
0x7a: {  	_ =	shalt  }
0x7b: {  	_ =	shalt  }
0x7c: {  	_ =	shalt  }
0x7d: {  	_ =	shalt  }
0x7e: {  	_ =	shalt  }
0x7f: {  	_ =	shalt  }
0x80: {  	_ =	shalt  }
0x81: {  	_ =	shalt  }
0x82: {  	_ =	shalt  }
0x83: {  	_ =	shalt  }
0x84: {  	_ =	shalt  }
0x85: {  	_ =	shalt  }
0x86: {  	_ =	shalt  }
0x87: {  	_ =	shalt  }
.Lfunc_end0:
.L_simem_size_0:
called_computation_lowered:
.L_overlay_start_0:
0x88: {  	s2 =	sld [smem:$0x3FD9]  }
0x89: {  	s3 =	sld [smem:$0x3FFE];
	_ =	sdelay $0x1  }
0x8a: {  	s1 =	srdreg.scid  }
0x8b: {  	s0 =	sand.u32 $0x1, s1  }
0x8c: {  	s17 =	sshll.u32 s0, $0xA;
	s2 =	sadd.s32 s3, s2  }
0x8d: {  	s2 =	sadd.s32 s2, s17  }
0x8e: {  	[smem:$0x3FC3] =	sst s2  }
0x8f: {  	_ = 	snop  }
0x90: {  	s2 =	sld [smem:$0x3FC9]  }
0x91: {  	s18 =	sld [smem:$0x3FC7]  }
0x92: {  	s4 =	sld [smem:$0x3FD0];
	(tm) =	ssettm $0x1  }
0x93: {  	s5 =	sld [smem:$0x3FFB];
	_ =	sdelay $0x3  }
0x94: {  	_ =	strace s5  }
0x95: {  	s5 =	sld [smem:$0x3FFC];
	_ =	sdelay $0x3  }
0x96: {  	_ =	strace s5  }
0x97: {  	s5 =	sld [smem:$0x3FFD];
	_ =	sdelay $0x3  }
0x98: {  	_ =	strace s5  }
0x99: {  	_ =	strace $0x8FFFFFFF  }
0x9a: {  	s19 =	sld [smem:$0x3FDB];
	_ =	sdelay $0x1  }
0x9b: {  	s6 =	simm.s32 $_scs_section_size  }
0x9c: {  	s7 =	simm.s32 $_size__tile_overlayer_lowered;
	s8 =	simm.s32 $_tile_overlayer_lowered  }
0x9d: {  	s22 =	simm.s32 $0x1BFF;
	s21 =	sshll.u32 s8, $0x1;
	s5 =	sadd.s32 s6, s19  }
0x9e: {  	s9 =	simm.s32 $0x0;
	s20 =	sshll.u32 s7, $0x1;
	s7 =	sadd.s32 s21, s5  }
0x9f: {  	[timem:s9], [sflag:s22] =	dma.local [hbm:s7], s20  }
0xa0: {  	_ =	swait.ge [sflag:s22], s20  }
0xa1: {  	s6 =	ssub.s32 $0x0, s20;
	[sflag:s22] =	ssyncset.done $0x0  }
0xa2: {  	[sflag:s22] =	ssyncadd.s32 s6;
	_ =	sdelay $0x1  }
0xa3: {  	s23 =	simm.s32 $0x1B8B  }
0xa4: {  	_ =	swait.ge [sflag:s23], $0x1  }
0xa5: {  	[sflag:s23] =	ssyncset.done $0x0  }
0xa6: {  	s25 =	simm.s32 $0x1B8E;
	s24 =	sld [smem:$0x3FFE];
	[sflag:s23] =	ssyncadd.s32 $0xFFFFFFFF  }
0xa7: {  	s26 =	simm.s32 $execute0_lowered;
	[smem:$0x3FD2] =	sst s25  }
0xa8: {  	s7 =	sshll.u32 s26, $0x1;
	_ =	strace $0x80000046;
	[dreg:$0x1] =	wrdreg $0xFFFFFFFF  }
0xa9: {  	s28 =	simm.s32 $_size_execute0_lowered;
	s5 =	sadd.s32 s5, s7;
	[dreg:$0x0] =	wrdreg $0x0  }
0xaa: {  	s7 =	sshll.u32 s28, $0x1;
	[dreg:$0x2] =	wrdreg s5  }
0xab: {  	[dreg:$0x3] =	wrdreg s7  }
0xac: {  	[dreg:$0x4] =	wrdreg $0xC0  }
0xad: {  	_ =	task [dreg:s9], $0x5FFFF  }
0xae: {  	[dreg:$0x1] =	wrdreg $0xFFFFFFFF  }
0xaf: {  	[dreg:$0x0] =	wrdreg $0x60  }
0xb0: {  	[dreg:$0x2] =	wrdreg s2  }
0xb1: {  	[dreg:$0x3] =	wrdreg s24  }
0xb2: {  	[dreg:$0x4] =	wrdreg s18  }
0xb3: {  	[dreg:$0x5] =	wrdreg s4  }
0xb4: {  	[dreg:$0x6] =	wrdreg $0x13B000  }
0xb5: {  	[dreg:$0x7] =	wrdreg $0x9  }
0xb6: {  	_ =	task.clear_ibuf [dreg:s9], $0x8FFFF;
	_ =	strace $0x90000046  }
0xb7: {  	s29 =	simm.s32 $0x9;
	_ =	strace $0x80000048  }
0xb8: {  	_ =	swait.ge [sflag:s29], $0x1  }
0xb9: {  	[sflag:s29] =	ssyncadd.s32 $0xFFFFFFFF  }
0xba: {  	_ =	strace $0x90000048  }
0xbb: {  	_ =	sfence  }
0xbc: {  	s30 =	sld [smem:$0x0];
	_ =	sdelay $0x2  }
0xbd: {  	s31 =	sshll.u32 s1, $0xD;
	s1 =	sshrl.u32 s1, $0x2  }
0xbe: {  	s3 =	sand.u32 $0x4000, s31;
	s1 =	sadd.s32 s1, s30  }
0xbf: {  	s0 =	sor.u32 s3, s0;
	s1 =	sshll.u32 s1, $0x11  }
0xc0: {  	s0 =	sor.u32 s1, s0  }
0xc1: {  	s0 =	sadd.s32 $0x8F2B, s0  }
0xc2: {  	[sflag:s0] =	ssyncadd.remote.s32 $0x1  }
0xc3: {  	_ =	sfence.sel $0xFFFF  }
0xc4: {  	[dreg:$0x0] =	wrdreg $0xFFFFFFFF;
	(pc) =	sbr.abs _section_cstart, $3  }
0xc5: {  	[dreg:$0x1] =	wrdreg $0xFFFFFFFF  }
0xc6: {  	_ =	task.clear_ibuf [dreg:s9], $0x2FFFF;
	_ =	strace $0x9FFFFFFF  }
0xc7: {  	(tm) =	ssettm $0x7FFFFFFF  }
tec
execute0_lowered:
.L_overlay_start_1:
0x0: {  	(tag) =	ssettag $0x1  }
0x1: {  	s1 =	rddreg [dreg:$0x0]  }
0x2: {  	s0 =	rddreg [dreg:$0x1]  }
0x3: {  	s2 =	rddreg [dreg:$0x2];
	s3 =	srdreg.scid  }
0x4: {  	s12 =	stileid.u32;
	s5 =	rddreg [dreg:$0x3];
	s4 =	simm.s32 $0x0  }
0x5: {  	s29 =	simm.s32 $0xD8E0;
	s30 =	simm.s32 $0x1;
	s7 =	smul.u32 $0x4E20, s12  }
0x6: {  	s31 =	simm.s32 $0x3;
	s28 =	simm.s32 $0x0;
	s11 =	smul.u32 $0x27000, s12  }
0x7: {  	s6 =	sand.u32 $0x1, s3;
	s3 =	rddreg [dreg:$0x4];
	s19 =	smul.u32 $0x9C00, s12  }
0x8: {  	[smem:$0x7FF] =	sst s4;
	p0 =	sne.s32 s12, $0xF;
	s8 =	smul.u32 $0x4E200, s6  }
0x9: {  	s9 =	ssub.s32 $0x2, s6;
	_ =	strace $0x80000047;
	s24 =	smul.u32 $0x9C400, s6  }
0xa: {  	s16 =	sadd.s32 $0x9C000, s3;
	s6 =	simm.s32 $0x4EC0;
	s10 =	sshrl.u32 s9, $0x1  }
0xb: {  	s11 =	sshrl.u32 s11, $0x2;
	s8 =	sadd.s32 s7, s8;
	s9 =	ssub.s32 s9, s10  }
0xc: {  	s7 =	sshrl.u32 s7, $0x3;
	s20 =	sadd.s32 s11, s3;
	s26 =	sadd.s32 s19, s24  }
0xd: {  	s8 =	sshrl.u32 s8, $0x3;
	s2 =	sadd.s32 s2, s7;
	s21 =	sadd.s32 $0x1400, s20  }
0xe: {  	s22 =	sadd.s32 $0x2800, s20;
	s23 =	sadd.s32 $0x3C00, s20;
	[dreg:$0x8] =	wrdreg s2  }
0xf: {  	s25 =	sadd.s32 $0x5000, s20;
	s13 =	sadd.s32 $0x6400, s20;
	[dreg:$0x9] =	wrdreg s21  }
0x10: {  	s14 =	sadd.s32 $0x7800, s20;
	s15 =	sadd.s32 $0x8C00, s20;
	[dreg:$0xa] =	wrdreg s22  }
0x11: {  	s20 =	simm.s32 $0x5;
	s8 =	sadd.s32 s8, s0;
	[dreg:$0xb] =	wrdreg s23  }
0x12: {  	s0 =	sadd.s32 s0, s7;
	[dreg:$0xc] =	wrdreg s25;
	s2 =	sshrl.u32 s24, $0x3  }
0x13: {  	s23 =	simm.s32 $0xC4E0;
	s24 =	simm.s32 $0x50;
	s25 =	simm.s32 $0x9CE0  }
0x14: {  	s22 =	simm.s32 $0x4;
	s8 =	sadd.s32 $0x9E00, s8;
	[dreg:$0x7] =	wrdreg s0  }
0x15: {  	s0 =	sshrl.u32 s26, $0x3;
	s2 =	sadd.s32 s5, s2;
	s26 =	simm.s32 $0xB0E0  }
0x16: {  	[dreg:$0x6] =	wrdreg s8;
	s8 =	sadd.s32 s19, s3;
	s17 =	sadd.s32 s5, s0  }
0x17: {  	v0 =	vimm.s32 $0x0;
	v1 =	vimm.f32 $0.0e+00;
	s18 =	sadd.s32 $0x13800, s2;
	s19 =	smax.u32 s9, $0x1;
	s2 =	simm.s32 $0x2  }
.LBB2_1:
0x18: {  	s0 =	rddreg [dreg:$0x6]  }
0x19: {  	[tilespmem:s4], [sflag:$0x5] =	stream.linear.gather [hbm4b:s0+s4], $0x4E20, $0x38;
	[tilespmem:$0x1D740] =	vst v63  }
0x1a: {  	_ =	swait.ge [sflag:s20], $0x4E20  }
0x1b: {  	[sflag:s20] =	ssyncset.done $0x0  }
0x1c: {  	s12 =	rddreg [dreg:$0x7];
	[sflag:s20] =	ssyncadd.s32 $0xFFFFB1E0  }
0x1d: {  	[tilespmem:s6], [sflag:$0x5] =	stream.linear.gather [hbm4b:s12+s4], $0x4E20, $0x38;
	[tilespmem:$0x1D740] =	vst v63  }
0x1e: {  	_ =	swait.ge [sflag:s20], $0x4E20  }
0x1f: {  	[sflag:s20] =	ssyncset.done $0x0  }
0x20: {  	s5 =	simm.s32 $0xECE0;
	s21 =	rddreg [dreg:$0x8];
	[sflag:s20] =	ssyncadd.s32 $0xFFFFB1E0  }
0x21: {  	[tilespmem:s5], [sflag:$0x5] =	stream.linear.gather [hbm4b:s21+s4], $0x4E20, $0x38;
	[tilespmem:$0x1D740] =	vst v63  }
0x22: {  	_ =	swait.ge [sflag:s20], $0x4E20  }
0x23: {  	[sflag:s20] =	ssyncset.done $0x0  }
0x24: {  	[sflag:s20] =	ssyncadd.s32 $0xFFFFB1E0  }
0x25: {  	[tilespmem:$0x4E20] =	vst v0  }
0x26: {  	[tilespmem:$0x4E30] =	vst v0  }
0x27: {  	[tilespmem:$0x4E40] =	vst v0  }
0x28: {  	[tilespmem:$0x4E50] =	vst v0  }
0x29: {  	[tilespmem:$0x4E60] =	vst v0  }
0x2a: {  	[tilespmem:$0x4E70] =	vst v0  }
0x2b: {  	[tilespmem:$0x4E80] =	vst v0  }
0x2c: {  	[tilespmem:$0x4E90] =	vst v0  }
0x2d: {  	[tilespmem:$0x4EA0] =	vst v0  }
0x2e: {  	s0 =	simm.s32 $0x0;
	s5 =	simm.s32 $0x100;
	[tilespmem:$0x4EB0] =	vst v0  }
.LBB2_2:
0x2f: {  	p1 =	sne.s32 s5, $0x4F00;
	[tilespmem:s0+$0xD910] =	vst v1  }
0x30: {  	[tilespmem:s0+$0xC4E0] =	vst v1  }
0x31: {  	[tilespmem:s0+$0xD8E0] =	vst v1  }
.Ltmp0:
0x32: {  	[tilespmem:s0+$0xC4F0] =	vst v1;
	(pc) =	sbr.rel @p1 .LBB2_2-.Ltmp0, $4  }
0x33: {  	[tilespmem:s0+$0xD8F0] =	vst v1  }
0x34: {  	[tilespmem:s0+$0xC500] =	vst v1  }
0x35: {  	[tilespmem:s0+$0xD900] =	vst v1  }
0x36: {  	[tilespmem:s0+$0xC510] =	vst v1;
	s0 =	sshra.s32 s5, $0x2;
	s5 =	sadd.s32 $0x100, s5  }
0x37: {  	[tilespmem:s0+$0xD910] =	vst v1  }
0x38: {  	[tilespmem:s0+$0xC4E0] =	vst v1  }
0x39: {  	[tilespmem:s0+$0xD8E0] =	vst v1  }
0x3a: {  	[tilespmem:s0+$0xC4F0] =	vst v1  }
0x3b: {  	[tilespmem:s0+$0xD8F0] =	vst v1  }
0x3c: {  	[tilespmem:s0+$0xC500] =	vst v1  }
0x3d: {  	[tilespmem:s0+$0xD900] =	vst v1  }
0x3e: {  	[tilespmem:s0+$0xC510] =	vst v1  }
0x3f: {  	[spmem:s8] =	stream.linear.scatter [tilespmem:s23], [sflag:$0x5], $0x1400, $0x38;
	[tilespmem:$0x1D740] =	vst v63  }
0x40: {  	_ =	swait.ge [sflag:s20], $0x1400  }
0x41: {  	[sflag:s20] =	ssyncset.done $0x0  }
0x42: {  	s10 =	rddreg [dreg:$0x9];
	[sflag:s20] =	ssyncadd.s32 $0xFFFFEC00  }
0x43: {  	[spmem:s10] =	stream.linear.scatter [tilespmem:s23], [sflag:$0x5], $0x1400, $0x38;
	[tilespmem:$0x1D740] =	vst v63  }
0x44: {  	_ =	swait.ge [sflag:s20], $0x1400  }
0x45: {  	[sflag:s20] =	ssyncset.done $0x0  }
0x46: {  	s11 =	rddreg [dreg:$0xa];
	[sflag:s20] =	ssyncadd.s32 $0xFFFFEC00  }
0x47: {  	[spmem:s11] =	stream.linear.scatter [tilespmem:s23], [sflag:$0x5], $0x1400, $0x38;
	[tilespmem:$0x1D740] =	vst v63  }
0x48: {  	_ =	swait.ge [sflag:s20], $0x1400  }
0x49: {  	[sflag:s20] =	ssyncset.done $0x0  }
0x4a: {  	s12 =	rddreg [dreg:$0xb];
	[sflag:s20] =	ssyncadd.s32 $0xFFFFEC00  }
0x4b: {  	[spmem:s12] =	stream.linear.scatter [tilespmem:s23], [sflag:$0x5], $0x1400, $0x38;
	[tilespmem:$0x1D740] =	vst v63  }
0x4c: {  	_ =	swait.ge [sflag:s20], $0x1400  }
0x4d: {  	[sflag:s20] =	ssyncset.done $0x0  }
0x4e: {  	s21 =	rddreg [dreg:$0xc];
	[sflag:s20] =	ssyncadd.s32 $0xFFFFEC00  }
0x4f: {  	[spmem:s21] =	stream.linear.scatter [tilespmem:s23], [sflag:$0x5], $0x1400, $0x38;
	[tilespmem:$0x1D740] =	vst v63  }
0x50: {  	_ =	swait.ge [sflag:s20], $0x1400  }
0x51: {  	[sflag:s20] =	ssyncset.done $0x0  }
0x52: {  	[sflag:s20] =	ssyncadd.s32 $0xFFFFEC00  }
0x53: {  	[spmem:s13] =	stream.linear.scatter [tilespmem:s23], [sflag:$0x5], $0x1400, $0x38;
	[tilespmem:$0x1D740] =	vst v63  }
0x54: {  	_ =	swait.ge [sflag:s20], $0x1400  }
0x55: {  	[sflag:s20] =	ssyncset.done $0x0  }
0x56: {  	[sflag:s20] =	ssyncadd.s32 $0xFFFFEC00  }
0x57: {  	[spmem:s14] =	stream.linear.scatter [tilespmem:s23], [sflag:$0x5], $0x1400, $0x38;
	[tilespmem:$0x1D740] =	vst v63  }
0x58: {  	_ =	swait.ge [sflag:s20], $0x1400  }
0x59: {  	[sflag:s20] =	ssyncset.done $0x0  }
0x5a: {  	[sflag:s20] =	ssyncadd.s32 $0xFFFFEC00  }
0x5b: {  	[spmem:s15] =	stream.linear.scatter [tilespmem:s23], [sflag:$0x5], $0x1000, $0x38;
	[tilespmem:$0x1D740] =	vst v63  }
0x5c: {  	_ =	swait.ge [sflag:s20], $0x1000  }
0x5d: {  	[sflag:s20] =	ssyncset.done $0x0  }
0x5e: {  	s0 =	simm.s32 @!p0 $0xC4E0;
	[sflag:s20] =	ssyncadd.s32 $0xFFFFF000  }
0x5f: {  	[spmem:s16] =	stream.linear.scatter @!p0 [tilespmem:s0], [sflag:$0x5], $0x400, $0x38;
	[tilespmem:$0x1D740] =	vst v63  }
0x60: {  	s0 =	simm.s32 @!p0 $0x5  }
0x61: {  	_ =	swait.ge @!p0 [sflag:s0], $0x400  }
0x62: {  	[sflag:s0] =	ssyncset.done @!p0 $0x0  }
0x63: {  	[sflag:s0] =	ssyncadd.s32 @!p0 $0xFFFFFC00  }
0x64: {  	s0 =	simm.s32 $0x0;
	[bflag:$0x0] =	sbarrier.arrive $0xFFFF  }
0x65: {  	[tilespmem:s25], [sflag:$0x1] =	stream.indirect.gather [hbm4b:s1+s24], $0x40, s0, s24, $0xb8;
	[tilespmem:$0x1D740] =	vst v63  }
0x66: {  	_ = 	snop  }
0x67: {  	[tilespmem:s26], [sflag:$0x2] =	stream.indirect.gather [hbm4b:s1+s24], $0x40, s24, s24, $0xb8;
	[tilespmem:$0x1D740] =	vst v63  }
0x68: {  	_ = 	snop  }
0x69: {  	[spmem:s3] =	stream.indirect.scatter.add.f32 [tilespmem:s23], [sflag:$0x3], $0x40, s6, s24, $0xb8;
	[tilespmem:$0x1D740] =	vst v63  }
0x6a: {  	s5 =	simm.s32 $0x4F10  }
0x6b: {  	[spmem:s3] =	stream.indirect.scatter.add.f32 [tilespmem:s29], [sflag:$0x4], $0x40, s5, s24, $0xb8;
	[tilespmem:$0x1D740] =	vst v63  }
0x6c: {  	s11 =	simm.s32 $0xED30;
	s5 =	simm.s32 $0xECE0  }
.LBB2_4:
0x6d: {  	_ =	swait.ge [sflag:s30], $0x1400  }
0x6e: {  	[sflag:s30] =	ssyncset.done $0x0  }
0x6f: {  	[sflag:s30] =	ssyncadd.s32 $0xFFFFEC00  }
0x70: {  	_ =	swait.ge [sflag:s31], $0x1400  }
0x71: {  	[sflag:s31] =	ssyncset.done $0x0  }
0x72: {  	s9 =	simm.s32 $0x3F0;
	[sflag:s31] =	ssyncadd.s32 $0xFFFFEC00  }
0x73: {  	v26 =	vld [tilespmem:s9+$0x98F0]  }
0x74: {  	v27 =	vld [tilespmem:s9+$0x9900]  }
0x75: {  	v25 =	vld [tilespmem:s9+$0x9910]  }
0x76: {  	v24 =	vld [tilespmem:s9+$0x9920]  }
0x77: {  	v22 =	vld [tilespmem:s9+$0x9930]  }
0x78: {  	v23 =	vld [tilespmem:s9+$0x9940]  }
0x79: {  	v21 =	vld [tilespmem:s9+$0x9950]  }
0x7a: {  	v20 =	vld [tilespmem:s9+$0x9960]  }
0x7b: {  	v18 =	vld [tilespmem:s9+$0x9970]  }
0x7c: {  	v19 =	vld [tilespmem:s9+$0x9980]  }
0x7d: {  	v17 =	vld [tilespmem:s9+$0x9990]  }
0x7e: {  	v16 =	vld [tilespmem:s9+$0x99A0]  }
0x7f: {  	v14 =	vld [tilespmem:s9+$0x99B0]  }
0x80: {  	v15 =	vld [tilespmem:s9+$0x99C0]  }
0x81: {  	v12 =	vld [tilespmem:s9+$0x99D0]  }
0x82: {  	v13 =	vld [tilespmem:s9+$0x99E0]  }
0x83: {  	v10 =	vld [tilespmem:s9+$0x99F0]  }
0x84: {  	v11 =	vld [tilespmem:s9+$0x9A00]  }
0x85: {  	v9 =	vld [tilespmem:s9+$0x9A10]  }
0x86: {  	v8 =	vld [tilespmem:s9+$0x9A20]  }
0x87: {  	v6 =	vld [tilespmem:s9+$0x9A30]  }
0x88: {  	v7 =	vld [tilespmem:s9+$0x9A40]  }
0x89: {  	v5 =	vld [tilespmem:s9+$0x9A50]  }
0x8a: {  	v4 =	vld [tilespmem:s9+$0x9A60]  }
0x8b: {  	v3 =	vld [tilespmem:s9+$0x9A70]  }
0x8c: {  	s21 =	smul.u32 $0x280, s0;
	s7 =	simm.s32 $0x1FC0;
	s10 =	smov.u32 s5;
	v2 =	vld [tilespmem:s5+$0x0]  }
.LBB2_5:
0x8d: {  	p1 =	sne.s32 s7, $0x4FC0;
	v28 =	vld [tilespmem:s9+$0x9A80]  }
0x8e: {  	v29 =	vld [tilespmem:s9+$0x9A90]  }
0x8f: {  	v30 =	vld [tilespmem:s9+$0x9AA0]  }
0x90: {  	v31 =	vld [tilespmem:s9+$0x9AB0]  }
0x91: {  	v32 =	vbroadcast v2, $0x0;
	v33 =	vbroadcast v2, $0x1;
	v34 =	vld [tilespmem:s9+$0x9AC0]  }
0x92: {  	v35 =	vbroadcast v2, $0x2;
	v36 =	vbroadcast v2, $0x3;
	v37 =	vld [tilespmem:s9+$0x9AD0]  }
0x93: {  	v26 =	vmul.f32 v32, v26;
	v27 =	vmul.f32 v27, v32;
	v38 =	vld [tilespmem:s9+$0x9AE0]  }
0x94: {  	v25 =	vmul.f32 v25, v32;
	v24 =	vmul.f32 v24, v32;
	v32 =	vld [tilespmem:s9+$0x9AF0]  }
0x95: {  	v22 =	vmul.f32 v22, v33;
	v23 =	vmul.f32 v23, v33;
	[tilespmem:s9+$0xC0F0] =	vst v26;
	v26 =	vld [tilespmem:s9+$0x9B00]  }
0x96: {  	v21 =	vmul.f32 v21, v33;
	v20 =	vmul.f32 v20, v33;
	[tilespmem:s9+$0xC100] =	vst v27;
	v27 =	vld [tilespmem:s9+$0x9B10]  }
0x97: {  	v18 =	vmul.f32 v18, v35;
	v19 =	vmul.f32 v19, v35;
	[tilespmem:s9+$0xC110] =	vst v25;
	v25 =	vld [tilespmem:s9+$0x9B20]  }
0x98: {  	v17 =	vmul.f32 v17, v35;
	v16 =	vmul.f32 v16, v35;
	[tilespmem:s9+$0xC120] =	vst v24;
	v24 =	vld [tilespmem:s9+$0x9B30]  }
0x99: {  	v14 =	vmul.f32 v14, v36;
	v15 =	vmul.f32 v15, v36;
	[tilespmem:s9+$0xC130] =	vst v22;
	v22 =	vld [tilespmem:s9+$0x9B40]  }
0x9a: {  	v12 =	vmul.f32 v12, v36;
	v13 =	vmul.f32 v13, v36;
	[tilespmem:s9+$0xC140] =	vst v23;
	v23 =	vld [tilespmem:s9+$0x9B50]  }
0x9b: {  	v33 =	vbroadcast v2, $0x5;
	[tilespmem:s9+$0xC150] =	vst v21;
	v21 =	vbroadcast v2, $0x4;
	v35 =	vld [tilespmem:s9+$0x9B60]  }
0x9c: {  	v36 =	vbroadcast v2, $0x7;
	[tilespmem:s9+$0xC160] =	vst v20;
	v20 =	vbroadcast v2, $0x6;
	v39 =	vld [tilespmem:s9+$0x9B70]  }
0x9d: {  	[tilespmem:s9+$0xC170] =	vst v18;
	v10 =	vmul.f32 v10, v21;
	v11 =	vmul.f32 v11, v21;
	v18 =	vld [tilespmem:s9+$0x9B80]  }
0x9e: {  	v9 =	vmul.f32 v9, v21;
	v8 =	vmul.f32 v8, v21;
	[tilespmem:s9+$0xC180] =	vst v19;
	v19 =	vld [tilespmem:s9+$0x9B90]  }
0x9f: {  	v6 =	vmul.f32 v6, v33;
	v7 =	vmul.f32 v7, v33;
	[tilespmem:s9+$0xC190] =	vst v17;
	v17 =	vld [tilespmem:s9+$0x9BA0]  }
0xa0: {  	v5 =	vmul.f32 v5, v33;
	v4 =	vmul.f32 v4, v33;
	[tilespmem:s9+$0xC1A0] =	vst v16;
	v16 =	vld [tilespmem:s9+$0x9BB0]  }
0xa1: {  	v3 =	vmul.f32 v3, v20;
	[tilespmem:s9+$0xC1B0] =	vst v14;
	v14 =	vmul.f32 v28, v20;
	v21 =	vld [tilespmem:s9+$0x9BC0]  }
0xa2: {  	[tilespmem:s9+$0xC1C0] =	vst v15;
	v15 =	vmul.f32 v29, v20;
	v20 =	vmul.f32 v30, v20;
	v28 =	vld [tilespmem:s9+$0x9BD0]  }
0xa3: {  	v29 =	vmul.f32 v34, v36;
	[tilespmem:s9+$0xC1D0] =	vst v12;
	v12 =	vmul.f32 v31, v36;
	v30 =	vld [tilespmem:s9+$0x9BE0]  }
0xa4: {  	v31 =	vmul.f32 v38, v36;
	[tilespmem:s9+$0xC1E0] =	vst v13;
	v13 =	vmul.f32 v37, v36;
	v33 =	vld [tilespmem:s9+$0x9BF0]  }
0xa5: {  	v34 =	vbroadcast v2, $0x9;
	[tilespmem:s9+$0xC1F0] =	vst v10;
	v10 =	vbroadcast v2, $0x8;
	v36 =	vld [tilespmem:s9+$0x9C00]  }
0xa6: {  	v37 =	vbroadcast v2, $0xB;
	[tilespmem:s9+$0xC200] =	vst v11;
	v11 =	vbroadcast v2, $0xA;
	v38 =	vld [tilespmem:s9+$0x9C10]  }
0xa7: {  	[tilespmem:s9+$0xC210] =	vst v9;
	v9 =	vmul.f32 v32, v10;
	v26 =	vmul.f32 v26, v10;
	v32 =	vld [tilespmem:s9+$0x9C20]  }
0xa8: {  	[tilespmem:s9+$0xC220] =	vst v8;
	v8 =	vmul.f32 v27, v10;
	v10 =	vmul.f32 v25, v10;
	v25 =	vld [tilespmem:s9+$0x9C30]  }
0xa9: {  	v22 =	vmul.f32 v22, v34;
	[tilespmem:s9+$0xC230] =	vst v6;
	v6 =	vmul.f32 v24, v34;
	v24 =	vld [tilespmem:s9+$0x9C40]  }
0xaa: {  	[tilespmem:s9+$0xC240] =	vst v7;
	v7 =	vmul.f32 v23, v34;
	v23 =	vmul.f32 v35, v34;
	v27 =	vld [tilespmem:s9+$0x9C50]  }
0xab: {  	v18 =	vmul.f32 v18, v11;
	[tilespmem:s9+$0xC250] =	vst v5;
	v5 =	vmul.f32 v39, v11;
	v34 =	vld [tilespmem:s9+$0x9C60]  }
0xac: {  	[tilespmem:s9+$0xC260] =	vst v4;
	v4 =	vmul.f32 v19, v11;
	v11 =	vmul.f32 v17, v11;
	v17 =	vld [tilespmem:s9+$0x9C70]  }
0xad: {  	[tilespmem:s9+$0xC270] =	vst v3;
	v3 =	vmul.f32 v16, v37;
	v16 =	vmul.f32 v21, v37;
	v19 =	vld [tilespmem:s9+$0x9C80]  }
0xae: {  	[tilespmem:s9+$0xC280] =	vst v14;
	v14 =	vmul.f32 v28, v37;
	v28 =	vmul.f32 v30, v37;
	v21 =	vld [tilespmem:s9+$0x9C90]  }
0xaf: {  	v30 =	vbroadcast v2, $0xD;
	[tilespmem:s9+$0xC290] =	vst v15;
	v15 =	vbroadcast v2, $0xC;
	v35 =	vld [tilespmem:s9+$0x9CA0]  }
0xb0: {  	[tilespmem:s9+$0xC2A0] =	vst v20;
	v20 =	vbroadcast v2, $0xE;
	v37 =	vld [tilespmem:s9+$0x9CB0];
	v2 =	vbroadcast v2, $0xF  }
0xb1: {  	[tilespmem:s9+$0xC2B0] =	vst v12;
	v12 =	vmul.f32 v33, v15;
	v33 =	vmul.f32 v36, v15;
	v36 =	vld [tilespmem:s9+$0x9CC0]  }
0xb2: {  	[tilespmem:s9+$0xC2C0] =	vst v29;
	v29 =	vmul.f32 v38, v15;
	v15 =	vmul.f32 v32, v15;
	v32 =	vld [tilespmem:s9+$0x9CD0]  }
0xb3: {  	v38 =	vmul.f32 v24, v30;
	[tilespmem:s9+$0xC2D0] =	vst v13;
	v13 =	vmul.f32 v25, v30;
	v24 =	vld [tilespmem:s9+$0x9CE0]  }
0xb4: {  	[tilespmem:s9+$0xC2E0] =	vst v31;
	v31 =	vmul.f32 v27, v30;
	v30 =	vmul.f32 v34, v30  }
0xb5: {  	v34 =	vmul.f32 v19, v20;
	[tilespmem:s9+$0xC2F0] =	vst v9;
	v9 =	vmul.f32 v17, v20  }
0xb6: {  	v39 =	vmul.f32 v21, v20;
	v35 =	vmul.f32 v35, v20;
	[tilespmem:s9+$0xC300] =	vst v26  }
0xb7: {  	v37 =	vmul.f32 v37, v2;
	v36 =	vmul.f32 v36, v2;
	[tilespmem:s9+$0xC310] =	vst v8  }
0xb8: {  	v32 =	vmul.f32 v32, v2;
	[tilespmem:s9+$0xC320] =	vst v10;
	v2 =	vmul.f32 v24, v2  }
0xb9: {  	[tilespmem:s9+$0xC330] =	vst v6  }
0xba: {  	[tilespmem:s9+$0xC340] =	vst v22  }
0xbb: {  	s6 =	sshra.s32 s7, $0x2;
	[tilespmem:s9+$0xC350] =	vst v7  }
0xbc: {  	v26 =	vld [tilespmem:s6+$0x98F0];
	[tilespmem:s9+$0xC360] =	vst v23  }
0xbd: {  	v27 =	vld [tilespmem:s6+$0x9900];
	[tilespmem:s9+$0xC370] =	vst v5  }
0xbe: {  	v25 =	vld [tilespmem:s6+$0x9910];
	[tilespmem:s9+$0xC380] =	vst v18  }
0xbf: {  	v24 =	vld [tilespmem:s6+$0x9920];
	[tilespmem:s9+$0xC390] =	vst v4  }
0xc0: {  	v22 =	vld [tilespmem:s6+$0x9930];
	[tilespmem:s9+$0xC3A0] =	vst v11  }
0xc1: {  	v23 =	vld [tilespmem:s6+$0x9940];
	[tilespmem:s9+$0xC3B0] =	vst v3  }
0xc2: {  	v21 =	vld [tilespmem:s6+$0x9950];
	[tilespmem:s9+$0xC3C0] =	vst v16  }
0xc3: {  	v20 =	vld [tilespmem:s6+$0x9960];
	[tilespmem:s9+$0xC3D0] =	vst v14  }
0xc4: {  	v18 =	vld [tilespmem:s6+$0x9970];
	[tilespmem:s9+$0xC3E0] =	vst v28  }
0xc5: {  	v19 =	vld [tilespmem:s6+$0x9980];
	[tilespmem:s9+$0xC3F0] =	vst v12  }
0xc6: {  	v17 =	vld [tilespmem:s6+$0x9990];
	[tilespmem:s9+$0xC400] =	vst v33  }
0xc7: {  	v16 =	vld [tilespmem:s6+$0x99A0];
	[tilespmem:s9+$0xC410] =	vst v29  }
0xc8: {  	v14 =	vld [tilespmem:s6+$0x99B0];
	[tilespmem:s9+$0xC420] =	vst v15  }
0xc9: {  	v15 =	vld [tilespmem:s6+$0x99C0];
	[tilespmem:s9+$0xC430] =	vst v13  }
0xca: {  	v12 =	vld [tilespmem:s6+$0x99D0];
	[tilespmem:s9+$0xC440] =	vst v38  }
0xcb: {  	v13 =	vld [tilespmem:s6+$0x99E0];
	[tilespmem:s9+$0xC450] =	vst v31  }
0xcc: {  	v10 =	vld [tilespmem:s6+$0x99F0];
	[tilespmem:s9+$0xC460] =	vst v30  }
0xcd: {  	v11 =	vld [tilespmem:s6+$0x9A00];
	[tilespmem:s9+$0xC470] =	vst v9  }
0xce: {  	v9 =	vld [tilespmem:s6+$0x9A10];
	[tilespmem:s9+$0xC480] =	vst v34  }
0xcf: {  	v8 =	vld [tilespmem:s6+$0x9A20];
	[tilespmem:s9+$0xC490] =	vst v39  }
0xd0: {  	v6 =	vld [tilespmem:s6+$0x9A30];
	[tilespmem:s9+$0xC4A0] =	vst v35  }
.Ltmp1:
0xd1: {  	v7 =	vld [tilespmem:s6+$0x9A40];
	[tilespmem:s9+$0xC4B0] =	vst v37;
	(pc) =	sbr.rel @p1 .LBB2_5-.Ltmp1, $4  }
0xd2: {  	v5 =	vld [tilespmem:s6+$0x9A50];
	[tilespmem:s9+$0xC4C0] =	vst v36  }
0xd3: {  	v4 =	vld [tilespmem:s6+$0x9A60];
	[tilespmem:s9+$0xC4D0] =	vst v32  }
0xd4: {  	s10 =	sadd.s32 $0x10, s10;
	v3 =	vld [tilespmem:s6+$0x9A70];
	[tilespmem:s9+$0xC4E0] =	vst v2;
	s9 =	smov.u32 s6  }
0xd5: {  	s7 =	sadd.s32 $0x1000, s7;
	v2 =	vld [tilespmem:s10+$0x0]  }
0xd6: {  	_ =	sdelay $0x3  }
0xd7: {  	v32 =	vbroadcast v2, $0x0;
	_ =	sdelay $0x1  }
0xd8: {  	v26 =	vmul.f32 v32, v26  }
0xd9: {  	v27 =	vmul.f32 v27, v32  }
0xda: {  	v37 =	vbroadcast v2, $0x1;
	v25 =	vmul.f32 v25, v32;
	[tilespmem:s9+$0xC0F0] =	vst v26  }
0xdb: {  	v24 =	vmul.f32 v24, v32;
	[tilespmem:s9+$0xC100] =	vst v27  }
0xdc: {  	v22 =	vmul.f32 v22, v37;
	[tilespmem:s9+$0xC110] =	vst v25  }
0xdd: {  	v23 =	vmul.f32 v23, v37;
	[tilespmem:s9+$0xC120] =	vst v24  }
0xde: {  	v49 =	vbroadcast v2, $0x2;
	v21 =	vmul.f32 v21, v37;
	[tilespmem:s9+$0xC130] =	vst v22  }
0xdf: {  	v20 =	vmul.f32 v20, v37;
	[tilespmem:s9+$0xC140] =	vst v23  }
0xe0: {  	v18 =	vmul.f32 v18, v49;
	[tilespmem:s9+$0xC150] =	vst v21  }
0xe1: {  	v19 =	vmul.f32 v19, v49;
	[tilespmem:s9+$0xC160] =	vst v20  }
0xe2: {  	v50 =	vbroadcast v2, $0x3;
	v17 =	vmul.f32 v17, v49;
	[tilespmem:s9+$0xC170] =	vst v18  }
0xe3: {  	v16 =	vmul.f32 v16, v49;
	[tilespmem:s9+$0xC180] =	vst v19  }
0xe4: {  	v14 =	vmul.f32 v14, v50;
	[tilespmem:s9+$0xC190] =	vst v17  }
0xe5: {  	v15 =	vmul.f32 v15, v50;
	[tilespmem:s9+$0xC1A0] =	vst v16  }
0xe6: {  	v51 =	vbroadcast v2, $0x4;
	v12 =	vmul.f32 v12, v50;
	[tilespmem:s9+$0xC1B0] =	vst v14  }
0xe7: {  	v13 =	vmul.f32 v13, v50;
	[tilespmem:s9+$0xC1C0] =	vst v15  }
0xe8: {  	v10 =	vmul.f32 v10, v51;
	[tilespmem:s9+$0xC1D0] =	vst v12  }
0xe9: {  	v11 =	vmul.f32 v11, v51;
	[tilespmem:s9+$0xC1E0] =	vst v13  }
0xea: {  	v52 =	vbroadcast v2, $0x5;
	v9 =	vmul.f32 v9, v51;
	[tilespmem:s9+$0xC1F0] =	vst v10  }
0xeb: {  	v8 =	vmul.f32 v8, v51;
	[tilespmem:s9+$0xC200] =	vst v11  }
0xec: {  	v28 =	vld [tilespmem:s9+$0x9A80];
	v6 =	vmul.f32 v6, v52;
	[tilespmem:s9+$0xC210] =	vst v9  }
0xed: {  	v29 =	vld [tilespmem:s9+$0x9A90];
	v7 =	vmul.f32 v7, v52;
	[tilespmem:s9+$0xC220] =	vst v8  }
0xee: {  	v30 =	vld [tilespmem:s9+$0x9AA0];
	v53 =	vbroadcast v2, $0x6;
	v5 =	vmul.f32 v5, v52;
	[tilespmem:s9+$0xC230] =	vst v6  }
0xef: {  	v31 =	vld [tilespmem:s9+$0x9AB0];
	v4 =	vmul.f32 v4, v52;
	[tilespmem:s9+$0xC240] =	vst v7  }
0xf0: {  	v33 =	vld [tilespmem:s9+$0x9AC0];
	v3 =	vmul.f32 v3, v53;
	[tilespmem:s9+$0xC250] =	vst v5  }
0xf1: {  	v34 =	vld [tilespmem:s9+$0x9AD0];
	v28 =	vmul.f32 v28, v53;
	[tilespmem:s9+$0xC260] =	vst v4  }
0xf2: {  	v35 =	vld [tilespmem:s9+$0x9AE0];
	v54 =	vbroadcast v2, $0x7;
	v29 =	vmul.f32 v29, v53;
	[tilespmem:s9+$0xC270] =	vst v3  }
0xf3: {  	v36 =	vld [tilespmem:s9+$0x9AF0];
	v30 =	vmul.f32 v30, v53;
	[tilespmem:s9+$0xC280] =	vst v28  }
0xf4: {  	v31 =	vmul.f32 v31, v54;
	v26 =	vld [tilespmem:s9+$0x9B00];
	[tilespmem:s9+$0xC290] =	vst v29  }
0xf5: {  	v56 =	vmul.f32 v33, v54;
	v27 =	vld [tilespmem:s9+$0x9B10];
	[tilespmem:s9+$0xC2A0] =	vst v30  }
0xf6: {  	v59 =	vbroadcast v2, $0x8;
	v58 =	vmul.f32 v34, v54;
	v25 =	vld [tilespmem:s9+$0x9B20];
	[tilespmem:s9+$0xC2B0] =	vst v31  }
0xf7: {  	v35 =	vmul.f32 v35, v54;
	v24 =	vld [tilespmem:s9+$0x9B30];
	[tilespmem:s9+$0xC2C0] =	vst v56  }
0xf8: {  	v61 =	vmul.f32 v36, v59;
	v22 =	vld [tilespmem:s9+$0x9B40];
	[tilespmem:s9+$0xC2D0] =	vst v58  }
0xf9: {  	v23 =	vld [tilespmem:s9+$0x9B50];
	[tilespmem:s9+$0xC2E0] =	vst v35;
	v26 =	vmul.f32 v26, v59  }
0xfa: {  	v63 =	vbroadcast v2, $0x9;
	v21 =	vld [tilespmem:s9+$0x9B60];
	[tilespmem:s9+$0xC2F0] =	vst v61;
	v27 =	vmul.f32 v27, v59  }
0xfb: {  	v20 =	vld [tilespmem:s9+$0x9B70];
	v25 =	vmul.f32 v25, v59;
	[tilespmem:s9+$0xC300] =	vst v26  }
0xfc: {  	v18 =	vld [tilespmem:s9+$0x9B80];
	v24 =	vmul.f32 v24, v63;
	[tilespmem:s9+$0xC310] =	vst v27  }
0xfd: {  	v19 =	vld [tilespmem:s9+$0x9B90];
	v22 =	vmul.f32 v22, v63;
	[tilespmem:s9+$0xC320] =	vst v25  }
0xfe: {  	v17 =	vld [tilespmem:s9+$0x9BA0];
	v23 =	vmul.f32 v23, v63;
	v25 =	vbroadcast v2, $0xA;
	[tilespmem:s9+$0xC330] =	vst v24  }
0xff: {  	v16 =	vld [tilespmem:s9+$0x9BB0];
	v21 =	vmul.f32 v21, v63;
	[tilespmem:s9+$0xC340] =	vst v22  }
0x100: {  	v14 =	vld [tilespmem:s9+$0x9BC0];
	[tilespmem:s9+$0xC350] =	vst v23;
	v20 =	vmul.f32 v20, v25  }
0x101: {  	v15 =	vld [tilespmem:s9+$0x9BD0];
	[tilespmem:s9+$0xC360] =	vst v21;
	v18 =	vmul.f32 v18, v25  }
0x102: {  	v12 =	vld [tilespmem:s9+$0x9BE0];
	v21 =	vbroadcast v2, $0xB;
	v19 =	vmul.f32 v19, v25;
	[tilespmem:s9+$0xC370] =	vst v20  }
0x103: {  	v13 =	vld [tilespmem:s9+$0x9BF0];
	v17 =	vmul.f32 v17, v25;
	[tilespmem:s9+$0xC380] =	vst v18  }
0x104: {  	v10 =	vld [tilespmem:s9+$0x9C00];
	v16 =	vmul.f32 v16, v21;
	[tilespmem:s9+$0xC390] =	vst v19  }
0x105: {  	v11 =	vld [tilespmem:s9+$0x9C10];
	v14 =	vmul.f32 v14, v21;
	[tilespmem:s9+$0xC3A0] =	vst v17  }
0x106: {  	v9 =	vld [tilespmem:s9+$0x9C20];
	v15 =	vmul.f32 v15, v21;
	v17 =	vbroadcast v2, $0xC;
	[tilespmem:s9+$0xC3B0] =	vst v16  }
0x107: {  	v8 =	vld [tilespmem:s9+$0x9C30];
	v12 =	vmul.f32 v12, v21;
	[tilespmem:s9+$0xC3C0] =	vst v14  }
0x108: {  	v6 =	vld [tilespmem:s9+$0x9C40];
	[tilespmem:s9+$0xC3D0] =	vst v15;
	v13 =	vmul.f32 v13, v17  }
0x109: {  	v7 =	vld [tilespmem:s9+$0x9C50];
	[tilespmem:s9+$0xC3E0] =	vst v12;
	v10 =	vmul.f32 v10, v17  }
0x10a: {  	v5 =	vld [tilespmem:s9+$0x9C60];
	v12 =	vbroadcast v2, $0xD;
	v11 =	vmul.f32 v11, v17;
	[tilespmem:s9+$0xC3F0] =	vst v13  }
0x10b: {  	v4 =	vld [tilespmem:s9+$0x9C70];
	v9 =	vmul.f32 v9, v17;
	[tilespmem:s9+$0xC400] =	vst v10  }
0x10c: {  	v3 =	vld [tilespmem:s9+$0x9C80];
	v8 =	vmul.f32 v8, v12;
	[tilespmem:s9+$0xC410] =	vst v11  }
0x10d: {  	v28 =	vld [tilespmem:s9+$0x9C90];
	v6 =	vmul.f32 v6, v12;
	[tilespmem:s9+$0xC420] =	vst v9  }
0x10e: {  	v29 =	vld [tilespmem:s9+$0x9CA0];
	v7 =	vmul.f32 v7, v12;
	v9 =	vbroadcast v2, $0xE;
	[tilespmem:s9+$0xC430] =	vst v8  }
0x10f: {  	v55 =	vld [tilespmem:s9+$0x9CB0];
	v5 =	vmul.f32 v5, v12;
	[tilespmem:s9+$0xC440] =	vst v6  }
0x110: {  	v57 =	vld [tilespmem:s9+$0x9CC0];
	[tilespmem:s9+$0xC450] =	vst v7;
	v4 =	vmul.f32 v4, v9  }
0x111: {  	v60 =	vld [tilespmem:s9+$0x9CD0];
	[tilespmem:s9+$0xC460] =	vst v5;
	v3 =	vmul.f32 v3, v9  }
0x112: {  	v62 =	vld [tilespmem:s9+$0x9CE0];
	v2 =	vbroadcast v2, $0xF;
	v5 =	vmul.f32 v28, v9;
	[tilespmem:s9+$0xC470] =	vst v4  }
0x113: {  	v4 =	vmul.f32 v29, v9;
	[tilespmem:s9+$0xC480] =	vst v3  }
0x114: {  	v3 =	vmul.f32 v55, v2;
	[tilespmem:s9+$0xC490] =	vst v5  }
0x115: {  	v5 =	vmul.f32 v57, v2;
	[tilespmem:s9+$0xC4A0] =	vst v4  }
0x116: {  	v4 =	vmul.f32 v60, v2;
	[tilespmem:s9+$0xC4B0] =	vst v3  }
0x117: {  	v2 =	vmul.f32 v62, v2;
	[tilespmem:s9+$0xC4C0] =	vst v5  }
0x118: {  	s7 =	sshra.s32 s21, $0x2;
	[tilespmem:s9+$0xC4D0] =	vst v4  }
0x119: {  	s6 =	sadd.s32 $0xA0, s7;
	[tilespmem:s9+$0xC4E0] =	vst v2  }
0x11a: {  	[tilespmem:s25], [sflag:$0x1] =	stream.indirect.gather [hbm4b:s1+s24], $0x40, s6, s24, $0xb8;
	[tilespmem:$0x1D740] =	vst v63  }
0x11b: {  	s12 =	sadd.s32 $0x4EC0, s7  }
0x11c: {  	[spmem:s3] =	stream.indirect.scatter.add.f32 [tilespmem:s23], [sflag:$0x3], $0x40, s12, s24, $0xb8;
	[tilespmem:$0x1D740] =	vst v63  }
0x11d: {  	_ =	swait.ge [sflag:s2], $0x1400  }
0x11e: {  	[sflag:s2] =	ssyncset.done $0x0  }
0x11f: {  	[sflag:s2] =	ssyncadd.s32 $0xFFFFEC00  }
0x120: {  	_ =	swait.ge [sflag:s22], $0x1400  }
0x121: {  	[sflag:s22] =	ssyncset.done $0x0  }
0x122: {  	s9 =	simm.s32 $0x3F0;
	[sflag:s22] =	ssyncadd.s32 $0xFFFFEC00  }
0x123: {  	v26 =	vld [tilespmem:s9+$0xACF0]  }
0x124: {  	v27 =	vld [tilespmem:s9+$0xAD00]  }
0x125: {  	v25 =	vld [tilespmem:s9+$0xAD10]  }
0x126: {  	v24 =	vld [tilespmem:s9+$0xAD20]  }
0x127: {  	v22 =	vld [tilespmem:s9+$0xAD30]  }
0x128: {  	v23 =	vld [tilespmem:s9+$0xAD40]  }
0x129: {  	v21 =	vld [tilespmem:s9+$0xAD50]  }
0x12a: {  	v20 =	vld [tilespmem:s9+$0xAD60]  }
0x12b: {  	v18 =	vld [tilespmem:s9+$0xAD70]  }
0x12c: {  	v19 =	vld [tilespmem:s9+$0xAD80]  }
0x12d: {  	v17 =	vld [tilespmem:s9+$0xAD90]  }
0x12e: {  	v16 =	vld [tilespmem:s9+$0xADA0]  }
0x12f: {  	v14 =	vld [tilespmem:s9+$0xADB0]  }
0x130: {  	v15 =	vld [tilespmem:s9+$0xADC0]  }
0x131: {  	v12 =	vld [tilespmem:s9+$0xADD0]  }
0x132: {  	v13 =	vld [tilespmem:s9+$0xADE0]  }
0x133: {  	v10 =	vld [tilespmem:s9+$0xADF0]  }
0x134: {  	v11 =	vld [tilespmem:s9+$0xAE00]  }
0x135: {  	v9 =	vld [tilespmem:s9+$0xAE10]  }
0x136: {  	v8 =	vld [tilespmem:s9+$0xAE20]  }
0x137: {  	v6 =	vld [tilespmem:s9+$0xAE30]  }
0x138: {  	v7 =	vld [tilespmem:s9+$0xAE40]  }
0x139: {  	v5 =	vld [tilespmem:s9+$0xAE50]  }
0x13a: {  	v4 =	vld [tilespmem:s9+$0xAE60]  }
0x13b: {  	v3 =	vld [tilespmem:s9+$0xAE70]  }
0x13c: {  	s21 =	sadd.s32 $0x140, s21;
	s10 =	simm.s32 $0x1FC0;
	s6 =	smov.u32 s11;
	v2 =	vld [tilespmem:s11+$0x0]  }
.LBB2_7:
0x13d: {  	p1 =	sne.s32 s10, $0x4FC0;
	v28 =	vld [tilespmem:s9+$0xAE80]  }
0x13e: {  	v29 =	vld [tilespmem:s9+$0xAE90]  }
0x13f: {  	v30 =	vld [tilespmem:s9+$0xAEA0]  }
0x140: {  	v31 =	vld [tilespmem:s9+$0xAEB0]  }
0x141: {  	v32 =	vbroadcast v2, $0x0;
	v33 =	vbroadcast v2, $0x1;
	v34 =	vld [tilespmem:s9+$0xAEC0]  }
0x142: {  	v35 =	vbroadcast v2, $0x2;
	v36 =	vbroadcast v2, $0x3;
	v37 =	vld [tilespmem:s9+$0xAED0]  }
0x143: {  	v26 =	vmul.f32 v32, v26;
	v27 =	vmul.f32 v27, v32;
	v38 =	vld [tilespmem:s9+$0xAEE0]  }
0x144: {  	v25 =	vmul.f32 v25, v32;
	v24 =	vmul.f32 v24, v32;
	v32 =	vld [tilespmem:s9+$0xAEF0]  }
0x145: {  	v22 =	vmul.f32 v22, v33;
	v23 =	vmul.f32 v23, v33;
	[tilespmem:s9+$0xD4F0] =	vst v26;
	v26 =	vld [tilespmem:s9+$0xAF00]  }
0x146: {  	v21 =	vmul.f32 v21, v33;
	v20 =	vmul.f32 v20, v33;
	[tilespmem:s9+$0xD500] =	vst v27;
	v27 =	vld [tilespmem:s9+$0xAF10]  }
0x147: {  	v18 =	vmul.f32 v18, v35;
	v19 =	vmul.f32 v19, v35;
	[tilespmem:s9+$0xD510] =	vst v25;
	v25 =	vld [tilespmem:s9+$0xAF20]  }
0x148: {  	v17 =	vmul.f32 v17, v35;
	v16 =	vmul.f32 v16, v35;
	[tilespmem:s9+$0xD520] =	vst v24;
	v24 =	vld [tilespmem:s9+$0xAF30]  }
0x149: {  	v14 =	vmul.f32 v14, v36;
	v15 =	vmul.f32 v15, v36;
	[tilespmem:s9+$0xD530] =	vst v22;
	v22 =	vld [tilespmem:s9+$0xAF40]  }
0x14a: {  	v12 =	vmul.f32 v12, v36;
	v13 =	vmul.f32 v13, v36;
	[tilespmem:s9+$0xD540] =	vst v23;
	v23 =	vld [tilespmem:s9+$0xAF50]  }
0x14b: {  	v33 =	vbroadcast v2, $0x5;
	[tilespmem:s9+$0xD550] =	vst v21;
	v21 =	vbroadcast v2, $0x4;
	v35 =	vld [tilespmem:s9+$0xAF60]  }
0x14c: {  	v36 =	vbroadcast v2, $0x7;
	[tilespmem:s9+$0xD560] =	vst v20;
	v20 =	vbroadcast v2, $0x6;
	v39 =	vld [tilespmem:s9+$0xAF70]  }
0x14d: {  	[tilespmem:s9+$0xD570] =	vst v18;
	v10 =	vmul.f32 v10, v21;
	v11 =	vmul.f32 v11, v21;
	v18 =	vld [tilespmem:s9+$0xAF80]  }
0x14e: {  	v9 =	vmul.f32 v9, v21;
	v8 =	vmul.f32 v8, v21;
	[tilespmem:s9+$0xD580] =	vst v19;
	v19 =	vld [tilespmem:s9+$0xAF90]  }
0x14f: {  	v6 =	vmul.f32 v6, v33;
	v7 =	vmul.f32 v7, v33;
	[tilespmem:s9+$0xD590] =	vst v17;
	v17 =	vld [tilespmem:s9+$0xAFA0]  }
0x150: {  	v5 =	vmul.f32 v5, v33;
	v4 =	vmul.f32 v4, v33;
	[tilespmem:s9+$0xD5A0] =	vst v16;
	v16 =	vld [tilespmem:s9+$0xAFB0]  }
0x151: {  	v3 =	vmul.f32 v3, v20;
	[tilespmem:s9+$0xD5B0] =	vst v14;
	v14 =	vmul.f32 v28, v20;
	v21 =	vld [tilespmem:s9+$0xAFC0]  }
0x152: {  	[tilespmem:s9+$0xD5C0] =	vst v15;
	v15 =	vmul.f32 v29, v20;
	v20 =	vmul.f32 v30, v20;
	v28 =	vld [tilespmem:s9+$0xAFD0]  }
0x153: {  	v29 =	vmul.f32 v34, v36;
	[tilespmem:s9+$0xD5D0] =	vst v12;
	v12 =	vmul.f32 v31, v36;
	v30 =	vld [tilespmem:s9+$0xAFE0]  }
0x154: {  	v31 =	vmul.f32 v38, v36;
	[tilespmem:s9+$0xD5E0] =	vst v13;
	v13 =	vmul.f32 v37, v36;
	v33 =	vld [tilespmem:s9+$0xAFF0]  }
0x155: {  	v34 =	vbroadcast v2, $0x9;
	[tilespmem:s9+$0xD5F0] =	vst v10;
	v10 =	vbroadcast v2, $0x8;
	v36 =	vld [tilespmem:s9+$0xB000]  }
0x156: {  	v37 =	vbroadcast v2, $0xB;
	[tilespmem:s9+$0xD600] =	vst v11;
	v11 =	vbroadcast v2, $0xA;
	v38 =	vld [tilespmem:s9+$0xB010]  }
0x157: {  	[tilespmem:s9+$0xD610] =	vst v9;
	v9 =	vmul.f32 v32, v10;
	v26 =	vmul.f32 v26, v10;
	v32 =	vld [tilespmem:s9+$0xB020]  }
0x158: {  	[tilespmem:s9+$0xD620] =	vst v8;
	v8 =	vmul.f32 v27, v10;
	v10 =	vmul.f32 v25, v10;
	v25 =	vld [tilespmem:s9+$0xB030]  }
0x159: {  	v22 =	vmul.f32 v22, v34;
	[tilespmem:s9+$0xD630] =	vst v6;
	v6 =	vmul.f32 v24, v34;
	v24 =	vld [tilespmem:s9+$0xB040]  }
0x15a: {  	[tilespmem:s9+$0xD640] =	vst v7;
	v7 =	vmul.f32 v23, v34;
	v23 =	vmul.f32 v35, v34;
	v27 =	vld [tilespmem:s9+$0xB050]  }
0x15b: {  	v18 =	vmul.f32 v18, v11;
	[tilespmem:s9+$0xD650] =	vst v5;
	v5 =	vmul.f32 v39, v11;
	v34 =	vld [tilespmem:s9+$0xB060]  }
0x15c: {  	[tilespmem:s9+$0xD660] =	vst v4;
	v4 =	vmul.f32 v19, v11;
	v11 =	vmul.f32 v17, v11;
	v17 =	vld [tilespmem:s9+$0xB070]  }
0x15d: {  	[tilespmem:s9+$0xD670] =	vst v3;
	v3 =	vmul.f32 v16, v37;
	v16 =	vmul.f32 v21, v37;
	v19 =	vld [tilespmem:s9+$0xB080]  }
0x15e: {  	[tilespmem:s9+$0xD680] =	vst v14;
	v14 =	vmul.f32 v28, v37;
	v28 =	vmul.f32 v30, v37;
	v21 =	vld [tilespmem:s9+$0xB090]  }
0x15f: {  	v30 =	vbroadcast v2, $0xD;
	[tilespmem:s9+$0xD690] =	vst v15;
	v15 =	vbroadcast v2, $0xC;
	v35 =	vld [tilespmem:s9+$0xB0A0]  }
0x160: {  	[tilespmem:s9+$0xD6A0] =	vst v20;
	v20 =	vbroadcast v2, $0xE;
	v37 =	vld [tilespmem:s9+$0xB0B0];
	v2 =	vbroadcast v2, $0xF  }
0x161: {  	[tilespmem:s9+$0xD6B0] =	vst v12;
	v12 =	vmul.f32 v33, v15;
	v33 =	vmul.f32 v36, v15;
	v36 =	vld [tilespmem:s9+$0xB0C0]  }
0x162: {  	[tilespmem:s9+$0xD6C0] =	vst v29;
	v29 =	vmul.f32 v38, v15;
	v15 =	vmul.f32 v32, v15;
	v32 =	vld [tilespmem:s9+$0xB0D0]  }
0x163: {  	v38 =	vmul.f32 v24, v30;
	[tilespmem:s9+$0xD6D0] =	vst v13;
	v13 =	vmul.f32 v25, v30;
	v24 =	vld [tilespmem:s9+$0xB0E0]  }
0x164: {  	[tilespmem:s9+$0xD6E0] =	vst v31;
	v31 =	vmul.f32 v27, v30;
	v30 =	vmul.f32 v34, v30  }
0x165: {  	v34 =	vmul.f32 v19, v20;
	[tilespmem:s9+$0xD6F0] =	vst v9;
	v9 =	vmul.f32 v17, v20  }
0x166: {  	v39 =	vmul.f32 v21, v20;
	v35 =	vmul.f32 v35, v20;
	[tilespmem:s9+$0xD700] =	vst v26  }
0x167: {  	v37 =	vmul.f32 v37, v2;
	v36 =	vmul.f32 v36, v2;
	[tilespmem:s9+$0xD710] =	vst v8  }
0x168: {  	v32 =	vmul.f32 v32, v2;
	[tilespmem:s9+$0xD720] =	vst v10;
	v2 =	vmul.f32 v24, v2  }
0x169: {  	[tilespmem:s9+$0xD730] =	vst v6  }
0x16a: {  	[tilespmem:s9+$0xD740] =	vst v22  }
0x16b: {  	s12 =	sshra.s32 s10, $0x2;
	[tilespmem:s9+$0xD750] =	vst v7  }
0x16c: {  	v26 =	vld [tilespmem:s12+$0xACF0];
	[tilespmem:s9+$0xD760] =	vst v23  }
0x16d: {  	v27 =	vld [tilespmem:s12+$0xAD00];
	[tilespmem:s9+$0xD770] =	vst v5  }
0x16e: {  	v25 =	vld [tilespmem:s12+$0xAD10];
	[tilespmem:s9+$0xD780] =	vst v18  }
0x16f: {  	v24 =	vld [tilespmem:s12+$0xAD20];
	[tilespmem:s9+$0xD790] =	vst v4  }
0x170: {  	v22 =	vld [tilespmem:s12+$0xAD30];
	[tilespmem:s9+$0xD7A0] =	vst v11  }
0x171: {  	v23 =	vld [tilespmem:s12+$0xAD40];
	[tilespmem:s9+$0xD7B0] =	vst v3  }
0x172: {  	v21 =	vld [tilespmem:s12+$0xAD50];
	[tilespmem:s9+$0xD7C0] =	vst v16  }
0x173: {  	v20 =	vld [tilespmem:s12+$0xAD60];
	[tilespmem:s9+$0xD7D0] =	vst v14  }
0x174: {  	v18 =	vld [tilespmem:s12+$0xAD70];
	[tilespmem:s9+$0xD7E0] =	vst v28  }
0x175: {  	v19 =	vld [tilespmem:s12+$0xAD80];
	[tilespmem:s9+$0xD7F0] =	vst v12  }
0x176: {  	v17 =	vld [tilespmem:s12+$0xAD90];
	[tilespmem:s9+$0xD800] =	vst v33  }
0x177: {  	v16 =	vld [tilespmem:s12+$0xADA0];
	[tilespmem:s9+$0xD810] =	vst v29  }
0x178: {  	v14 =	vld [tilespmem:s12+$0xADB0];
	[tilespmem:s9+$0xD820] =	vst v15  }
0x179: {  	v15 =	vld [tilespmem:s12+$0xADC0];
	[tilespmem:s9+$0xD830] =	vst v13  }
0x17a: {  	v12 =	vld [tilespmem:s12+$0xADD0];
	[tilespmem:s9+$0xD840] =	vst v38  }
0x17b: {  	v13 =	vld [tilespmem:s12+$0xADE0];
	[tilespmem:s9+$0xD850] =	vst v31  }
0x17c: {  	v10 =	vld [tilespmem:s12+$0xADF0];
	[tilespmem:s9+$0xD860] =	vst v30  }
0x17d: {  	v11 =	vld [tilespmem:s12+$0xAE00];
	[tilespmem:s9+$0xD870] =	vst v9  }
0x17e: {  	v9 =	vld [tilespmem:s12+$0xAE10];
	[tilespmem:s9+$0xD880] =	vst v34  }
0x17f: {  	v8 =	vld [tilespmem:s12+$0xAE20];
	[tilespmem:s9+$0xD890] =	vst v39  }
0x180: {  	v6 =	vld [tilespmem:s12+$0xAE30];
	[tilespmem:s9+$0xD8A0] =	vst v35  }
.Ltmp2:
0x181: {  	v7 =	vld [tilespmem:s12+$0xAE40];
	[tilespmem:s9+$0xD8B0] =	vst v37;
	(pc) =	sbr.rel @p1 .LBB2_7-.Ltmp2, $4  }
0x182: {  	v5 =	vld [tilespmem:s12+$0xAE50];
	[tilespmem:s9+$0xD8C0] =	vst v36  }
0x183: {  	v4 =	vld [tilespmem:s12+$0xAE60];
	[tilespmem:s9+$0xD8D0] =	vst v32  }
0x184: {  	s6 =	sadd.s32 $0x10, s6;
	v3 =	vld [tilespmem:s12+$0xAE70];
	[tilespmem:s9+$0xD8E0] =	vst v2;
	s9 =	smov.u32 s12  }
0x185: {  	s10 =	sadd.s32 $0x1000, s10;
	v2 =	vld [tilespmem:s6+$0x0]  }
0x186: {  	_ =	sdelay $0x3  }
0x187: {  	v32 =	vbroadcast v2, $0x0;
	_ =	sdelay $0x1  }
0x188: {  	v26 =	vmul.f32 v32, v26  }
0x189: {  	v27 =	vmul.f32 v27, v32  }
0x18a: {  	v37 =	vbroadcast v2, $0x1;
	v25 =	vmul.f32 v25, v32;
	[tilespmem:s9+$0xD4F0] =	vst v26  }
0x18b: {  	v24 =	vmul.f32 v24, v32;
	[tilespmem:s9+$0xD500] =	vst v27  }
0x18c: {  	v22 =	vmul.f32 v22, v37;
	[tilespmem:s9+$0xD510] =	vst v25  }
0x18d: {  	v23 =	vmul.f32 v23, v37;
	[tilespmem:s9+$0xD520] =	vst v24  }
0x18e: {  	v55 =	vbroadcast v2, $0x2;
	v21 =	vmul.f32 v21, v37;
	[tilespmem:s9+$0xD530] =	vst v22  }
0x18f: {  	v20 =	vmul.f32 v20, v37;
	[tilespmem:s9+$0xD540] =	vst v23  }
0x190: {  	v18 =	vmul.f32 v18, v55;
	[tilespmem:s9+$0xD550] =	vst v21  }
0x191: {  	v19 =	vmul.f32 v19, v55;
	[tilespmem:s9+$0xD560] =	vst v20  }
0x192: {  	v56 =	vbroadcast v2, $0x3;
	v17 =	vmul.f32 v17, v55;
	[tilespmem:s9+$0xD570] =	vst v18  }
0x193: {  	v16 =	vmul.f32 v16, v55;
	[tilespmem:s9+$0xD580] =	vst v19  }
0x194: {  	v14 =	vmul.f32 v14, v56;
	[tilespmem:s9+$0xD590] =	vst v17  }
0x195: {  	v15 =	vmul.f32 v15, v56;
	[tilespmem:s9+$0xD5A0] =	vst v16  }
0x196: {  	v57 =	vbroadcast v2, $0x4;
	v12 =	vmul.f32 v12, v56;
	[tilespmem:s9+$0xD5B0] =	vst v14  }
0x197: {  	v13 =	vmul.f32 v13, v56;
	[tilespmem:s9+$0xD5C0] =	vst v15  }
0x198: {  	v10 =	vmul.f32 v10, v57;
	[tilespmem:s9+$0xD5D0] =	vst v12  }
0x199: {  	v11 =	vmul.f32 v11, v57;
	[tilespmem:s9+$0xD5E0] =	vst v13  }
0x19a: {  	v59 =	vbroadcast v2, $0x5;
	v9 =	vmul.f32 v9, v57;
	[tilespmem:s9+$0xD5F0] =	vst v10  }
0x19b: {  	v8 =	vmul.f32 v8, v57;
	[tilespmem:s9+$0xD600] =	vst v11  }
0x19c: {  	v28 =	vld [tilespmem:s9+$0xAE80];
	v6 =	vmul.f32 v6, v59;
	[tilespmem:s9+$0xD610] =	vst v9  }
0x19d: {  	v29 =	vld [tilespmem:s9+$0xAE90];
	v7 =	vmul.f32 v7, v59;
	[tilespmem:s9+$0xD620] =	vst v8  }
0x19e: {  	v30 =	vld [tilespmem:s9+$0xAEA0];
	v40 =	vbroadcast v2, $0x6;
	v5 =	vmul.f32 v5, v59;
	[tilespmem:s9+$0xD630] =	vst v6  }
0x19f: {  	v31 =	vld [tilespmem:s9+$0xAEB0];
	v4 =	vmul.f32 v4, v59;
	[tilespmem:s9+$0xD640] =	vst v7  }
0x1a0: {  	v33 =	vld [tilespmem:s9+$0xAEC0];
	v3 =	vmul.f32 v3, v40;
	[tilespmem:s9+$0xD650] =	vst v5  }
0x1a1: {  	v34 =	vld [tilespmem:s9+$0xAED0];
	v28 =	vmul.f32 v28, v40;
	[tilespmem:s9+$0xD660] =	vst v4  }
0x1a2: {  	v35 =	vld [tilespmem:s9+$0xAEE0];
	v44 =	vbroadcast v2, $0x7;
	v29 =	vmul.f32 v29, v40;
	[tilespmem:s9+$0xD670] =	vst v3  }
0x1a3: {  	v36 =	vld [tilespmem:s9+$0xAEF0];
	v30 =	vmul.f32 v30, v40;
	[tilespmem:s9+$0xD680] =	vst v28  }
0x1a4: {  	v54 =	vld [tilespmem:s9+$0xAF00];
	v31 =	vmul.f32 v31, v44;
	[tilespmem:s9+$0xD690] =	vst v29  }
0x1a5: {  	v58 =	vld [tilespmem:s9+$0xB000];
	v47 =	vmul.f32 v33, v44;
	[tilespmem:s9+$0xD6A0] =	vst v30  }
0x1a6: {  	v60 =	vld [tilespmem:s9+$0xB020];
	v50 =	vbroadcast v2, $0x8;
	v49 =	vmul.f32 v34, v44;
	[tilespmem:s9+$0xD6B0] =	vst v31  }
0x1a7: {  	v42 =	vld [tilespmem:s9+$0xB070];
	v35 =	vmul.f32 v35, v44;
	[tilespmem:s9+$0xD6C0] =	vst v47  }
0x1a8: {  	v43 =	vld [tilespmem:s9+$0xB090];
	v52 =	vmul.f32 v36, v50;
	v57 =	vbroadcast v2, $0xC;
	[tilespmem:s9+$0xD6D0] =	vst v49  }
0x1a9: {  	v61 =	vld [tilespmem:s9+$0xB030];
	v26 =	vmul.f32 v54, v50;
	[tilespmem:s9+$0xD6E0] =	vst v35  }
0x1aa: {  	v62 =	vld [tilespmem:s9+$0xB040];
	v59 =	vbroadcast v2, $0xE;
	[tilespmem:s9+$0xD6F0] =	vst v52;
	v10 =	vmul.f32 v58, v57  }
0x1ab: {  	v63 =	vld [tilespmem:s9+$0xB050];
	v9 =	vmul.f32 v60, v57;
	[tilespmem:s9+$0xD700] =	vst v26  }
0x1ac: {  	v41 =	vld [tilespmem:s9+$0xB060];
	v58 =	vbroadcast v2, $0xD;
	v4 =	vmul.f32 v42, v59;
	[tilespmem:s9+$0xD800] =	vst v10  }
0x1ad: {  	v45 =	vld [tilespmem:s9+$0xB0A0];
	v60 =	vmul.f32 v43, v59;
	[tilespmem:s9+$0xD820] =	vst v9  }
0x1ae: {  	v48 =	vld [tilespmem:s9+$0xB0C0];
	v55 =	vbroadcast v2, $0xA;
	v8 =	vmul.f32 v61, v58;
	[tilespmem:s9+$0xD870] =	vst v4  }
0x1af: {  	v51 =	vld [tilespmem:s9+$0xB0D0];
	v56 =	vbroadcast v2, $0xB;
	v6 =	vmul.f32 v62, v58;
	[tilespmem:s9+$0xD890] =	vst v60  }
0x1b0: {  	v27 =	vld [tilespmem:s9+$0xAF10];
	v54 =	vbroadcast v2, $0x9;
	v7 =	vmul.f32 v63, v58;
	[tilespmem:s9+$0xD830] =	vst v8  }
0x1b1: {  	v25 =	vld [tilespmem:s9+$0xAF20];
	v2 =	vbroadcast v2, $0xF;
	v5 =	vmul.f32 v41, v58;
	[tilespmem:s9+$0xD840] =	vst v6  }
0x1b2: {  	v24 =	vld [tilespmem:s9+$0xAF30];
	v61 =	vmul.f32 v45, v59;
	[tilespmem:s9+$0xD850] =	vst v7  }
0x1b3: {  	v22 =	vld [tilespmem:s9+$0xAF40];
	v62 =	vmul.f32 v48, v2;
	[tilespmem:s9+$0xD860] =	vst v5  }
0x1b4: {  	v23 =	vld [tilespmem:s9+$0xAF50];
	v63 =	vmul.f32 v51, v2;
	[tilespmem:s9+$0xD8A0] =	vst v61  }
0x1b5: {  	v21 =	vld [tilespmem:s9+$0xAF60];
	[tilespmem:s9+$0xD8C0] =	vst v62;
	v27 =	vmul.f32 v27, v50  }
0x1b6: {  	v20 =	vld [tilespmem:s9+$0xAF70];
	[tilespmem:s9+$0xD8D0] =	vst v63;
	v25 =	vmul.f32 v25, v50  }
0x1b7: {  	v18 =	vld [tilespmem:s9+$0xAF80];
	v24 =	vmul.f32 v24, v54;
	[tilespmem:s9+$0xD710] =	vst v27  }
0x1b8: {  	v19 =	vld [tilespmem:s9+$0xAF90];
	v22 =	vmul.f32 v22, v54;
	[tilespmem:s9+$0xD720] =	vst v25  }
0x1b9: {  	v17 =	vld [tilespmem:s9+$0xAFA0];
	v23 =	vmul.f32 v23, v54;
	[tilespmem:s9+$0xD730] =	vst v24  }
0x1ba: {  	v16 =	vld [tilespmem:s9+$0xAFB0];
	v21 =	vmul.f32 v21, v54;
	[tilespmem:s9+$0xD740] =	vst v22  }
0x1bb: {  	v14 =	vld [tilespmem:s9+$0xAFC0];
	v20 =	vmul.f32 v20, v55;
	[tilespmem:s9+$0xD750] =	vst v23  }
0x1bc: {  	v15 =	vld [tilespmem:s9+$0xAFD0];
	v18 =	vmul.f32 v18, v55;
	[tilespmem:s9+$0xD760] =	vst v21  }
0x1bd: {  	v12 =	vld [tilespmem:s9+$0xAFE0];
	v19 =	vmul.f32 v19, v55;
	[tilespmem:s9+$0xD770] =	vst v20  }
0x1be: {  	v13 =	vld [tilespmem:s9+$0xAFF0];
	v17 =	vmul.f32 v17, v55;
	[tilespmem:s9+$0xD780] =	vst v18  }
0x1bf: {  	v3 =	vld [tilespmem:s9+$0xB080];
	v16 =	vmul.f32 v16, v56;
	[tilespmem:s9+$0xD790] =	vst v19  }
0x1c0: {  	v11 =	vld [tilespmem:s9+$0xB010];
	v14 =	vmul.f32 v14, v56;
	[tilespmem:s9+$0xD7A0] =	vst v17  }
0x1c1: {  	v46 =	vld [tilespmem:s9+$0xB0B0];
	v15 =	vmul.f32 v15, v56;
	[tilespmem:s9+$0xD7B0] =	vst v16  }
0x1c2: {  	v53 =	vld [tilespmem:s9+$0xB0E0];
	v12 =	vmul.f32 v12, v56;
	[tilespmem:s9+$0xD7C0] =	vst v14  }
0x1c3: {  	v13 =	vmul.f32 v13, v57;
	[tilespmem:s9+$0xD7D0] =	vst v15  }
0x1c4: {  	v3 =	vmul.f32 v3, v59;
	[tilespmem:s9+$0xD7E0] =	vst v12  }
0x1c5: {  	v11 =	vmul.f32 v11, v57;
	[tilespmem:s9+$0xD7F0] =	vst v13  }
0x1c6: {  	s0 =	sadd.s32 $0x1, s0;
	[tilespmem:s9+$0xD880] =	vst v3;
	v3 =	vmul.f32 v46, v2  }
0x1c7: {  	p1 =	sne.s32 s0, $0x7D;
	[tilespmem:s9+$0xD810] =	vst v11;
	v2 =	vmul.f32 v53, v2  }
.Ltmp3:
0x1c8: {  	[tilespmem:s9+$0xD8B0] =	vst v3;
	(pc) =	sbr.rel @p1 .LBB2_4-.Ltmp3, $4  }
0x1c9: {  	s6 =	sadd.s32 $0xF0, s7;
	s21 =	sshra.s32 s21, $0x2;
	[tilespmem:s9+$0xD8E0] =	vst v2  }
0x1ca: {  	[tilespmem:s26], [sflag:$0x2] =	stream.indirect.gather [hbm4b:s1+s24], $0x40, s6, s24, $0xb8;
	[tilespmem:$0x1D740] =	vst v63  }
0x1cb: {  	s5 =	sadd.s32 $0xA0, s5;
	s11 =	sadd.s32 $0xA0, s11;
	s6 =	sadd.s32 $0x4EC0, s21  }
0x1cc: {  	[spmem:s3] =	stream.indirect.scatter.add.f32 [tilespmem:s29], [sflag:$0x4], $0x40, s6, s24, $0xb8;
	[tilespmem:$0x1D740] =	vst v63  }
0x1cd: {  	_ =	swait.ge [sflag:s31], $0x1400  }
0x1ce: {  	[sflag:s31] =	ssyncset.done $0x0  }
0x1cf: {  	[sflag:s31] =	ssyncadd.s32 $0xFFFFEC00  }
0x1d0: {  	_ =	swait.ge [sflag:s22], $0x1400  }
0x1d1: {  	[sflag:s22] =	ssyncset.done $0x0  }
0x1d2: {  	[sflag:s22] =	ssyncadd.s32 $0xFFFFEC00  }
0x1d3: {  	_ =	swait.ge [sflag:s30], $0x1400  }
0x1d4: {  	[sflag:s30] =	ssyncset.done $0x0  }
0x1d5: {  	[sflag:s30] =	ssyncadd.s32 $0xFFFFEC00  }
0x1d6: {  	_ =	swait.ge [sflag:s2], $0x1400  }
0x1d7: {  	s0 =	stileid.u32;
	[sflag:s2] =	ssyncset.done $0x0  }
0x1d8: {  	s0 =	sshll.u32 s0, $0x6;
	[sflag:s2] =	ssyncadd.s32 $0xFFFFEC00  }
0x1d9: {  	s5 =	sshrl.u32 s8, $0x3;
	s0 =	sor.u32 $0x1C05, s0;
	[bflag:$0x0] =	sbarrier.arrive $0xFFFF  }
0x1da: {  	[hbm:s17], [sflag:s0] =	dma.local [spmem:s5], $0x1380  }
0x1db: {  	_ =	swait.ge [sflag:s20], $0x1380  }
0x1dc: {  	s28 =	sadd.s32 $0x1, s28;
	[sflag:s20] =	ssyncset.done $0x0  }
0x1dd: {  	p1 =	sne.s32 s28, s19;
	s5 =	sshrl.u32 @!p0 s16, $0x3;
	[sflag:s20] =	ssyncadd.s32 $0xFFFFEC80  }
0x1de: {  	[hbm:s18], [sflag:s0] =	dma.local @!p0 [spmem:s5], $0x80  }
.Ltmp4:
0x1df: {  	_ = 	snop;
	(pc) =	sbr.rel @p1 .LBB2_1-.Ltmp4, $4  }
0x1e0: {  	s0 =	simm.s32 @!p0 $0x5  }
0x1e1: {  	_ =	swait.ge @!p0 [sflag:s0], $0x80  }
0x1e2: {  	[sflag:s0] =	ssyncset.done @!p0 $0x0  }
0x1e3: {  	s6 =	simm.s32 $0x4EC0;
	[sflag:s0] =	ssyncadd.s32 @!p0 $0xFFFFFF80  }
0x1e4: {  	_ =	sfence.sel $0x180000  }
0x1e5: {  	[bflag:$0x0] =	sbarrier.arrive $0xFFFF  }
0x1e6: {  	_ =	strace $0x90000047  }
0x1e7: {  	s0 =	stileid.u32;
	[bflag:$0x2] =	sbarrier.arrive $0xFFFF  }
0x1e8: {  	p0 =	sne.s32 s0, $0x0;
	s0 =	rddreg [dreg:$0x5]  }
0x1e9: {  	s0 =	sadd.s32 @!p0 $0x100000, s0  }
0x1ea: {  	[sflag:s0] =	ssyncadd.tile.s32 @!p0 $0x1;
	_ =	shalt  }
.Lfunc_end2:
_tile_overlayer_lowered:
.L_overlay_start_2:
0x1eb: {  	(tag) =	ssettag $0x2  }
0x1ec: {  	s0 =	rddreg [dreg:$0x0];
	s2 =	stileid.u32  }
0x1ed: {  	s1 =	rddreg [dreg:$0x1];
	p0 =	sne.s32 s2, $0x0  }
0x1ee: {  	s3 =	rddreg [dreg:$0x2];
	[bflag:$0x3] =	sbarrier.arrive $0xFFFF;
	s2 =	simm.s32 @!p0 $0x1C05  }
0x1ef: {  	[timem:s3], [sflag:s2] =	dma.local @!p0 [hbm:s0], s1  }
0x1f0: {  	s0 =	simm.s32 @!p0 $0x5  }
0x1f1: {  	_ =	swait.ge @!p0 [sflag:s0], s1  }
0x1f2: {  	s1 =	ssub.s32 @!p0 $0x0, s1;
	[sflag:s0] =	ssyncset.done @!p0 $0x0  }
0x1f3: {  	[sflag:s0] =	ssyncadd.s32 @!p0 s1  }
0x1f4: {  	[bflag:$0x3] =	sbarrier.arrive $0xFFFF  }
0x1f5: {  	_ =	shalt  }

</sc_bundles>
